<compile_context>
chip_gen: v7x
topology: tpu7x:2x2x1
jax: 0.10.2.dev20260603
libtpu: 0.0.44.dev20260713+nightly
codegen_flags: <defaults>
</compile_context>

<pallas_src>
import functools

import jax
import jax.numpy as jnp
from jax import lax
from jax.experimental import pallas as pl
from jax.experimental.pallas import tpu as pltpu
from jax.experimental.pallas import tpu_sc as plsc

ROWS, COLS = 16384, 200
NC, NS, L = 2, 16, 16
NW = NC * NS
COLS_W = ROWS // NW
BC = 128
NCHUNK = COLS_W // BC
COL_BASES = (0, 16, 32, 48, 64, 80, 96, 112)


def _sc_lut_call(xt, tbl32):
    mesh = plsc.VectorSubcoreMesh(core_axis_name="c", subcore_axis_name="s")

    @functools.partial(
        pl.kernel,
        mesh=mesh,
        out_type=jax.ShapeDtypeStruct((COLS, ROWS), jnp.int8),
        compiler_params=pltpu.CompilerParams(
            needs_layout_passes=False,
            disable_bounds_checks=True,
        ),
        scratch_types=[
            pltpu.VMEM((COLS, BC), jnp.int32),
            pltpu.VMEM((COLS, BC), jnp.int32),
            pltpu.VMEM((COLS, BC), jnp.int8),
            pltpu.VMEM((COLS, BC), jnp.int8),
            pltpu.VMEM((256,), jnp.int32),
            pltpu.VMEM((256,), jnp.int32),
            pltpu.VMEM((256,), jnp.int32),
            pltpu.VMEM((256,), jnp.int32),
            pltpu.VMEM((256,), jnp.int32),
            pltpu.SemaphoreType.DMA,
            pltpu.SemaphoreType.DMA,
            pltpu.SemaphoreType.DMA,
            pltpu.SemaphoreType.DMA,
        ],
    )
    def k(x_hbm, tbl_hbm, out_hbm, xb0, xb1, ob0, ob1, traw, t0, t1, t2, t3,
          si0, si1, so0, so1):
        wid = lax.axis_index("s") * NC + lax.axis_index("c")
        xbufs, obufs = (xb0, xb1), (ob0, ob1)
        isems, osems = (si0, si1), (so0, so1)

        pltpu.sync_copy(tbl_hbm, traw)
        for kk in range(256 // L):
            sl = pl.ds(kk * L, L)
            v = traw[sl] & 255
            t0[sl] = v
            t1[sl] = v << 8
            t2[sl] = v << 16
            t3[sl] = v << 24

        def in_copy(c, b):
            col0 = wid * COLS_W + c * BC
            return pltpu.make_async_copy(
                x_hbm.at[:, pl.ds(col0, BC)], xbufs[b], isems[b])

        def out_copy(c, b):
            col0 = wid * COLS_W + c * BC
            return pltpu.make_async_copy(
                obufs[b], out_hbm.at[:, pl.ds(col0, BC)], osems[b])

        def run_compute(xbuf, obuf):
            @plsc.parallel_loop(0, COLS // 4, unroll=2)
            def body(s):
                r = s * 4
                for c0 in COL_BASES:
                    x0 = xbuf[r, pl.ds(c0, L)]
                    x1 = xbuf[r + 1, pl.ds(c0, L)]
                    x2 = xbuf[r + 2, pl.ds(c0, L)]
                    x3 = xbuf[r + 3, pl.ds(c0, L)]
                    w = (
                        plsc.load_gather(t0, [x0])
                        | plsc.load_gather(t1, [x1])
                        | plsc.load_gather(t2, [x2])
                        | plsc.load_gather(t3, [x3])
                    )
                    start = c0 if c0 + 4 * L <= BC else jnp.int32(c0)
                    obuf[r, pl.ds(start, 4 * L)] = plsc.bitcast(w, jnp.int8)

        in_copy(0, 0).start()
        for c in range(NCHUNK):
            b = c % 2
            if c + 1 < NCHUNK:
                in_copy(c + 1, 1 - b).start()
            in_copy(c, b).wait()
            if c >= 2:
                out_copy(c - 2, b).wait()
            run_compute(xbufs[b], obufs[b])
            out_copy(c, b).start()
        out_copy(NCHUNK - 2, NCHUNK % 2).wait()
        out_copy(NCHUNK - 1, 1 - NCHUNK % 2).wait()

    return k(xt, tbl32)


def kernel(x, table):
    tbl32 = table.astype(jnp.int32)
    yt = _sc_lut_call(x.T, tbl32)
    return yt.T

# --- scband reference (transcript-rebuilt; emitter-appended) ---
"""Pipeline reference for scband-two-side-gradient-equals-zero-3599182594609 (READ-ONLY COPY).

The authoritative reference and input builder live on the scoring server;
editing this copy changes nothing except your own understanding.
"""

import jax, jax.numpy as jnp
import numpy as np


def quant_max(bit):
    return 2 ** (bit - 1) - 1


def quant_min(bit):
    return -(2 ** (bit - 1))


def build_table(func, high, bit):
    qmax = quant_max(bit)
    qmin = quant_min(bit)
    input_scale = high / qmax
    input_q = jnp.arange(qmin, qmax + 1, dtype=jnp.float32)
    input_f = input_q * input_scale
    output_f = func(input_f)
    output_scale = output_f.max() / qmax
    # torch .to(torch.int8) truncates toward zero
    output_q = jnp.trunc(output_f / output_scale).astype(jnp.int8)
    # reorder: negative-index half first, so table[x] with wrapped negative x matches torch
    table = jnp.concatenate([output_q[qmax + 1:], output_q[:qmax + 1]])
    return table


def setup_inputs(seed: int = 0) -> dict:
    key = jax.random.key(seed)
    x = jax.random.randint(key, (16384, 200), 0, 256, dtype=jnp.int32)
    table = build_table(jax.nn.sigmoid, 6.0, 8)
    return {"x": x, "table": table}


def reference(x, table):
    xi = x.astype(jnp.int32)
    n = table.shape[0]
    # torch supports negative python-style indexing into the table; emulate the wrap
    xi = jnp.where(xi < 0, xi + n, xi)
    y = jnp.take(table, xi, axis=0)
    return y

if __name__ == "__main__":
    import jax
    _d = setup_inputs()
    print(jax.jit(kernel)(*tuple(_d.values())))

</pallas_src>

<mosaic_0001>
#map = affine_map<(d0, d1) -> (0, 0)>
#map1 = affine_map<(d0, d1) -> (0)>
module attributes {stable_mosaic.version = 14 : i64} {
  func.func @k(%arg0: i32, %arg1: i32, %arg2: memref<200x16384xi32, #tpu.memory_space<hbm>>, %arg3: memref<256xi32, #tpu.memory_space<hbm>>, %arg4: memref<200x16384xi8, #tpu.memory_space<hbm>>, %arg5: memref<200x128xi32, #tpu.memory_space<vmem>>, %arg6: memref<200x128xi32, #tpu.memory_space<vmem>>, %arg7: memref<200x128xi8, #tpu.memory_space<vmem>>, %arg8: memref<200x128xi8, #tpu.memory_space<vmem>>, %arg9: memref<256xi32, #tpu.memory_space<vmem>>, %arg10: memref<256xi32, #tpu.memory_space<vmem>>, %arg11: memref<256xi32, #tpu.memory_space<vmem>>, %arg12: memref<256xi32, #tpu.memory_space<vmem>>, %arg13: memref<256xi32, #tpu.memory_space<vmem>>, %arg14: memref<!tpu.dma_semaphore, #tpu.memory_space<semaphore_mem>>, %arg15: memref<!tpu.dma_semaphore, #tpu.memory_space<semaphore_mem>>, %arg16: memref<!tpu.dma_semaphore, #tpu.memory_space<semaphore_mem>>, %arg17: memref<!tpu.dma_semaphore, #tpu.memory_space<semaphore_mem>>) attributes {dimension_semantics = [#tpu.dimension_semantics<core_parallel>, #tpu.dimension_semantics<subcore_parallel>], iteration_bounds = array<i64: 2, 16>, scalar_prefetch = 0 : i64, scratch_operands = 13 : i64, tpu.core_type = #tpu.core_type<sc_vector_subcore>, window_params = [{transform_indices = #map}, {transform_indices = #map1}, {transform_indices = #map}]} {
    %mul3A = arith.constant 2 : i32
    %mul3A_0 = arith.muli %arg1, %mul3A : i32
    %add3A = arith.addi %mul3A_0, %arg0 : i32
    "tpu.region"() ({
      %run_scoped3A = tpu.sem_alloc : memref<!tpu.dma_semaphore, #tpu.memory_space<semaphore_mem>>
      tpu.enqueue_dma source(%arg3 : memref<256xi32, #tpu.memory_space<hbm>>) target(%arg9 : memref<256xi32, #tpu.memory_space<vmem>>) target_semaphore(%run_scoped3A : memref<!tpu.dma_semaphore, #tpu.memory_space<semaphore_mem>>)
      tpu.wait_dma2 semaphore(%run_scoped3A : memref<!tpu.dma_semaphore, #tpu.memory_space<semaphore_mem>>) src(%arg3 : memref<256xi32, #tpu.memory_space<hbm>>) dst(%arg9 : memref<256xi32, #tpu.memory_space<vmem>>)
      tpu.yield
    }) : () -> ()
    %get3A = arith.constant 0 : index
    %get3A_1 = tpu.vector_load %arg9[%get3A] {strides = array<i32>} : memref<256xi32, #tpu.memory_space<vmem>>, vector<16xi32>,
    %and3A = arith.constant 255 : i32
    %and3A_2 = vector.broadcast %and3A : i32 to vector<16xi32>
    %and3A_3 = arith.andi %get3A_1, %and3A_2 : vector<16xi32>
    %swap3A = arith.constant 0 : index
    %swap3A_4 = tpu.vector_load %arg10[%swap3A] {strides = array<i32>} : memref<256xi32, #tpu.memory_space<vmem>>, vector<16xi32>,
    tpu.vector_store %arg10[%swap3A], %and3A_3 {strides = array<i32>} : memref<256xi32, #tpu.memory_space<vmem>>, vector<16xi32>,
    %shift_left3A = arith.constant 8 : i32
    %shift_left3A_5 = vector.broadcast %shift_left3A : i32 to vector<16xi32>
    %shift_left3A_6 = arith.shli %and3A_3, %shift_left3A_5 : vector<16xi32>
    %swap3A_7 = arith.constant 0 : index
    %swap3A_8 = tpu.vector_load %arg11[%swap3A_7] {strides = array<i32>} : memref<256xi32, #tpu.memory_space<vmem>>, vector<16xi32>,
    tpu.vector_store %arg11[%swap3A_7], %shift_left3A_6 {strides = array<i32>} : memref<256xi32, #tpu.memory_space<vmem>>, vector<16xi32>,
    %shift_left3A_9 = arith.constant 16 : i32
    %shift_left3A_10 = vector.broadcast %shift_left3A_9 : i32 to vector<16xi32>
    %shift_left3A_11 = arith.shli %and3A_3, %shift_left3A_10 : vector<16xi32>
    %swap3A_12 = arith.constant 0 : index
    %swap3A_13 = tpu.vector_load %arg12[%swap3A_12] {strides = array<i32>} : memref<256xi32, #tpu.memory_space<vmem>>, vector<16xi32>,
    tpu.vector_store %arg12[%swap3A_12], %shift_left3A_11 {strides = array<i32>} : memref<256xi32, #tpu.memory_space<vmem>>, vector<16xi32>,
    %shift_left3A_14 = arith.constant 24 : i32
    %shift_left3A_15 = vector.broadcast %shift_left3A_14 : i32 to vector<16xi32>
    %shift_left3A_16 = arith.shli %and3A_3, %shift_left3A_15 : vector<16xi32>
    %swap3A_17 = arith.constant 0 : index
    %swap3A_18 = tpu.vector_load %arg13[%swap3A_17] {strides = array<i32>} : memref<256xi32, #tpu.memory_space<vmem>>, vector<16xi32>,
    tpu.vector_store %arg13[%swap3A_17], %shift_left3A_16 {strides = array<i32>} : memref<256xi32, #tpu.memory_space<vmem>>, vector<16xi32>,
    %get3A_19 = arith.constant 16 : index
    %get3A_20 = tpu.vector_load %arg9[%get3A_19] {strides = array<i32>} : memref<256xi32, #tpu.memory_space<vmem>>, vector<16xi32>,
    %and3A_21 = arith.constant 255 : i32
    %and3A_22 = vector.broadcast %and3A_21 : i32 to vector<16xi32>
    %and3A_23 = arith.andi %get3A_20, %and3A_22 : vector<16xi32>
    %swap3A_24 = arith.constant 16 : index
    %swap3A_25 = tpu.vector_load %arg10[%swap3A_24] {strides = array<i32>} : memref<256xi32, #tpu.memory_space<vmem>>, vector<16xi32>,
    tpu.vector_store %arg10[%swap3A_24], %and3A_23 {strides = array<i32>} : memref<256xi32, #tpu.memory_space<vmem>>, vector<16xi32>,
    %shift_left3A_26 = arith.constant 8 : i32
    %shift_left3A_27 = vector.broadcast %shift_left3A_26 : i32 to vector<16xi32>
    %shift_left3A_28 = arith.shli %and3A_23, %shift_left3A_27 : vector<16xi32>
    %swap3A_29 = arith.constant 16 : index
    %swap3A_30 = tpu.vector_load %arg11[%swap3A_29] {strides = array<i32>} : memref<256xi32, #tpu.memory_space<vmem>>, vector<16xi32>,
    tpu.vector_store %arg11[%swap3A_29], %shift_left3A_28 {strides = array<i32>} : memref<256xi32, #tpu.memory_space<vmem>>, vector<16xi32>,
    %shift_left3A_31 = arith.constant 16 : i32
    %shift_left3A_32 = vector.broadcast %shift_left3A_31 : i32 to vector<16xi32>
    %shift_left3A_33 = arith.shli %and3A_23, %shift_left3A_32 : vector<16xi32>
    %swap3A_34 = arith.constant 16 : index
    %swap3A_35 = tpu.vector_load %arg12[%swap3A_34] {strides = array<i32>} : memref<256xi32, #tpu.memory_space<vmem>>, vector<16xi32>,
    tpu.vector_store %arg12[%swap3A_34], %shift_left3A_33 {strides = array<i32>} : memref<256xi32, #tpu.memory_space<vmem>>, vector<16xi32>,
    %shift_left3A_36 = arith.constant 24 : i32
    %shift_left3A_37 = vector.broadcast %shift_left3A_36 : i32 to vector<16xi32>
    %shift_left3A_38 = arith.shli %and3A_23, %shift_left3A_37 : vector<16xi32>
    %swap3A_39 = arith.constant 16 : index
    %swap3A_40 = tpu.vector_load %arg13[%swap3A_39] {strides = array<i32>} : memref<256xi32, #tpu.memory_space<vmem>>, vector<16xi32>,
    tpu.vector_store %arg13[%swap3A_39], %shift_left3A_38 {strides = array<i32>} : memref<256xi32, #tpu.memory_space<vmem>>, vector<16xi32>,
    %get3A_41 = arith.constant 32 : index
    %get3A_42 = tpu.vector_load %arg9[%get3A_41] {strides = array<i32>} : memref<256xi32, #tpu.memory_space<vmem>>, vector<16xi32>,
    %and3A_43 = arith.constant 255 : i32
    %and3A_44 = vector.broadcast %and3A_43 : i32 to vector<16xi32>
    %and3A_45 = arith.andi %get3A_42, %and3A_44 : vector<16xi32>
    %swap3A_46 = arith.constant 32 : index
    %swap3A_47 = tpu.vector_load %arg10[%swap3A_46] {strides = array<i32>} : memref<256xi32, #tpu.memory_space<vmem>>, vector<16xi32>,
    tpu.vector_store %arg10[%swap3A_46], %and3A_45 {strides = array<i32>} : memref<256xi32, #tpu.memory_space<vmem>>, vector<16xi32>,
    %shift_left3A_48 = arith.constant 8 : i32
    %shift_left3A_49 = vector.broadcast %shift_left3A_48 : i32 to vector<16xi32>
    %shift_left3A_50 = arith.shli %and3A_45, %shift_left3A_49 : vector<16xi32>
    %swap3A_51 = arith.constant 32 : index
    %swap3A_52 = tpu.vector_load %arg11[%swap3A_51] {strides = array<i32>} : memref<256xi32, #tpu.memory_space<vmem>>, vector<16xi32>,
    tpu.vector_store %arg11[%swap3A_51], %shift_left3A_50 {strides = array<i32>} : memref<256xi32, #tpu.memory_space<vmem>>, vector<16xi32>,
    %shift_left3A_53 = arith.constant 16 : i32
    %shift_left3A_54 = vector.broadcast %shift_left3A_53 : i32 to vector<16xi32>
    %shift_left3A_55 = arith.shli %and3A_45, %shift_left3A_54 : vector<16xi32>
    %swap3A_56 = arith.constant 32 : index
    %swap3A_57 = tpu.vector_load %arg12[%swap3A_56] {strides = array<i32>} : memref<256xi32, #tpu.memory_space<vmem>>, vector<16xi32>,
    tpu.vector_store %arg12[%swap3A_56], %shift_left3A_55 {strides = array<i32>} : memref<256xi32, #tpu.memory_space<vmem>>, vector<16xi32>,
    %shift_left3A_58 = arith.constant 24 : i32
    %shift_left3A_59 = vector.broadcast %shift_left3A_58 : i32 to vector<16xi32>
    %shift_left3A_60 = arith.shli %and3A_45, %shift_left3A_59 : vector<16xi32>
    %swap3A_61 = arith.constant 32 : index
    %swap3A_62 = tpu.vector_load %arg13[%swap3A_61] {strides = array<i32>} : memref<256xi32, #tpu.memory_space<vmem>>, vector<16xi32>,
    tpu.vector_store %arg13[%swap3A_61], %shift_left3A_60 {strides = array<i32>} : memref<256xi32, #tpu.memory_space<vmem>>, vector<16xi32>,
    %get3A_63 = arith.constant 48 : index
    %get3A_64 = tpu.vector_load %arg9[%get3A_63] {strides = array<i32>} : memref<256xi32, #tpu.memory_space<vmem>>, vector<16xi32>,
    %and3A_65 = arith.constant 255 : i32
    %and3A_66 = vector.broadcast %and3A_65 : i32 to vector<16xi32>
    %and3A_67 = arith.andi %get3A_64, %and3A_66 : vector<16xi32>
    %swap3A_68 = arith.constant 48 : index
    %swap3A_69 = tpu.vector_load %arg10[%swap3A_68] {strides = array<i32>} : memref<256xi32, #tpu.memory_space<vmem>>, vector<16xi32>,
    tpu.vector_store %arg10[%swap3A_68], %and3A_67 {strides = array<i32>} : memref<256xi32, #tpu.memory_space<vmem>>, vector<16xi32>,
    %shift_left3A_70 = arith.constant 8 : i32
    %shift_left3A_71 = vector.broadcast %shift_left3A_70 : i32 to vector<16xi32>
    %shift_left3A_72 = arith.shli %and3A_67, %shift_left3A_71 : vector<16xi32>
    %swap3A_73 = arith.constant 48 : index
    %swap3A_74 = tpu.vector_load %arg11[%swap3A_73] {strides = array<i32>} : memref<256xi32, #tpu.memory_space<vmem>>, vector<16xi32>,
    tpu.vector_store %arg11[%swap3A_73], %shift_left3A_72 {strides = array<i32>} : memref<256xi32, #tpu.memory_space<vmem>>, vector<16xi32>,
    %shift_left3A_75 = arith.constant 16 : i32
    %shift_left3A_76 = vector.broadcast %shift_left3A_75 : i32 to vector<16xi32>
    %shift_left3A_77 = arith.shli %and3A_67, %shift_left3A_76 : vector<16xi32>
    %swap3A_78 = arith.constant 48 : index
    %swap3A_79 = tpu.vector_load %arg12[%swap3A_78] {strides = array<i32>} : memref<256xi32, #tpu.memory_space<vmem>>, vector<16xi32>,
    tpu.vector_store %arg12[%swap3A_78], %shift_left3A_77 {strides = array<i32>} : memref<256xi32, #tpu.memory_space<vmem>>, vector<16xi32>,
    %shift_left3A_80 = arith.constant 24 : i32
    %shift_left3A_81 = vector.broadcast %shift_left3A_80 : i32 to vector<16xi32>
    %shift_left3A_82 = arith.shli %and3A_67, %shift_left3A_81 : vector<16xi32>
    %swap3A_83 = arith.constant 48 : index
    %swap3A_84 = tpu.vector_load %arg13[%swap3A_83] {strides = array<i32>} : memref<256xi32, #tpu.memory_space<vmem>>, vector<16xi32>,
    tpu.vector_store %arg13[%swap3A_83], %shift_left3A_82 {strides = array<i32>} : memref<256xi32, #tpu.memory_space<vmem>>, vector<16xi32>,
    %get3A_85 = arith.constant 64 : index
    %get3A_86 = tpu.vector_load %arg9[%get3A_85] {strides = array<i32>} : memref<256xi32, #tpu.memory_space<vmem>>, vector<16xi32>,
    %and3A_87 = arith.constant 255 : i32
    %and3A_88 = vector.broadcast %and3A_87 : i32 to vector<16xi32>
    %and3A_89 = arith.andi %get3A_86, %and3A_88 : vector<16xi32>
    %swap3A_90 = arith.constant 64 : index
    %swap3A_91 = tpu.vector_load %arg10[%swap3A_90] {strides = array<i32>} : memref<256xi32, #tpu.memory_space<vmem>>, vector<16xi32>,
    tpu.vector_store %arg10[%swap3A_90], %and3A_89 {strides = array<i32>} : memref<256xi32, #tpu.memory_space<vmem>>, vector<16xi32>,
    %shift_left3A_92 = arith.constant 8 : i32
    %shift_left3A_93 = vector.broadcast %shift_left3A_92 : i32 to vector<16xi32>
    %shift_left3A_94 = arith.shli %and3A_89, %shift_left3A_93 : vector<16xi32>
    %swap3A_95 = arith.constant 64 : index
    %swap3A_96 = tpu.vector_load %arg11[%swap3A_95] {strides = array<i32>} : memref<256xi32, #tpu.memory_space<vmem>>, vector<16xi32>,
    tpu.vector_store %arg11[%swap3A_95], %shift_left3A_94 {strides = array<i32>} : memref<256xi32, #tpu.memory_space<vmem>>, vector<16xi32>,
    %shift_left3A_97 = arith.constant 16 : i32
    %shift_left3A_98 = vector.broadcast %shift_left3A_97 : i32 to vector<16xi32>
    %shift_left3A_99 = arith.shli %and3A_89, %shift_left3A_98 : vector<16xi32>
    %swap3A_100 = arith.constant 64 : index
    %swap3A_101 = tpu.vector_load %arg12[%swap3A_100] {strides = array<i32>} : memref<256xi32, #tpu.memory_space<vmem>>, vector<16xi32>,
    tpu.vector_store %arg12[%swap3A_100], %shift_left3A_99 {strides = array<i32>} : memref<256xi32, #tpu.memory_space<vmem>>, vector<16xi32>,
    %shift_left3A_102 = arith.constant 24 : i32
    %shift_left3A_103 = vector.broadcast %shift_left3A_102 : i32 to vector<16xi32>
    %shift_left3A_104 = arith.shli %and3A_89, %shift_left3A_103 : vector<16xi32>
    %swap3A_105 = arith.constant 64 : index
    %swap3A_106 = tpu.vector_load %arg13[%swap3A_105] {strides = array<i32>} : memref<256xi32, #tpu.memory_space<vmem>>, vector<16xi32>,
    tpu.vector_store %arg13[%swap3A_105], %shift_left3A_104 {strides = array<i32>} : memref<256xi32, #tpu.memory_space<vmem>>, vector<16xi32>,
    %get3A_107 = arith.constant 80 : index
    %get3A_108 = tpu.vector_load %arg9[%get3A_107] {strides = array<i32>} : memref<256xi32, #tpu.memory_space<vmem>>, vector<16xi32>,
    %and3A_109 = arith.constant 255 : i32
    %and3A_110 = vector.broadcast %and3A_109 : i32 to vector<16xi32>
    %and3A_111 = arith.andi %get3A_108, %and3A_110 : vector<16xi32>
    %swap3A_112 = arith.constant 80 : index
    %swap3A_113 = tpu.vector_load %arg10[%swap3A_112] {strides = array<i32>} : memref<256xi32, #tpu.memory_space<vmem>>, vector<16xi32>,
    tpu.vector_store %arg10[%swap3A_112], %and3A_111 {strides = array<i32>} : memref<256xi32, #tpu.memory_space<vmem>>, vector<16xi32>,
    %shift_left3A_114 = arith.constant 8 : i32
    %shift_left3A_115 = vector.broadcast %shift_left3A_114 : i32 to vector<16xi32>
    %shift_left3A_116 = arith.shli %and3A_111, %shift_left3A_115 : vector<16xi32>
    %swap3A_117 = arith.constant 80 : index
    %swap3A_118 = tpu.vector_load %arg11[%swap3A_117] {strides = array<i32>} : memref<256xi32, #tpu.memory_space<vmem>>, vector<16xi32>,
    tpu.vector_store %arg11[%swap3A_117], %shift_left3A_116 {strides = array<i32>} : memref<256xi32, #tpu.memory_space<vmem>>, vector<16xi32>,
    %shift_left3A_119 = arith.constant 16 : i32
    %shift_left3A_120 = vector.broadcast %shift_left3A_119 : i32 to vector<16xi32>
    %shift_left3A_121 = arith.shli %and3A_111, %shift_left3A_120 : vector<16xi32>
    %swap3A_122 = arith.constant 80 : index
    %swap3A_123 = tpu.vector_load %arg12[%swap3A_122] {strides = array<i32>} : memref<256xi32, #tpu.memory_space<vmem>>, vector<16xi32>,
    tpu.vector_store %arg12[%swap3A_122], %shift_left3A_121 {strides = array<i32>} : memref<256xi32, #tpu.memory_space<vmem>>, vector<16xi32>,
    %shift_left3A_124 = arith.constant 24 : i32
    %shift_left3A_125 = vector.broadcast %shift_left3A_124 : i32 to vector<16xi32>
    %shift_left3A_126 = arith.shli %and3A_111, %shift_left3A_125 : vector<16xi32>
    %swap3A_127 = arith.constant 80 : index
    %swap3A_128 = tpu.vector_load %arg13[%swap3A_127] {strides = array<i32>} : memref<256xi32, #tpu.memory_space<vmem>>, vector<16xi32>,
    tpu.vector_store %arg13[%swap3A_127], %shift_left3A_126 {strides = array<i32>} : memref<256xi32, #tpu.memory_space<vmem>>, vector<16xi32>,
    %get3A_129 = arith.constant 96 : index
    %get3A_130 = tpu.vector_load %arg9[%get3A_129] {strides = array<i32>} : memref<256xi32, #tpu.memory_space<vmem>>, vector<16xi32>,
    %and3A_131 = arith.constant 255 : i32
    %and3A_132 = vector.broadcast %and3A_131 : i32 to vector<16xi32>
    %and3A_133 = arith.andi %get3A_130, %and3A_132 : vector<16xi32>
    %swap3A_134 = arith.constant 96 : index
    %swap3A_135 = tpu.vector_load %arg10[%swap3A_134] {strides = array<i32>} : memref<256xi32, #tpu.memory_space<vmem>>, vector<16xi32>,
    tpu.vector_store %arg10[%swap3A_134], %and3A_133 {strides = array<i32>} : memref<256xi32, #tpu.memory_space<vmem>>, vector<16xi32>,
    %shift_left3A_136 = arith.constant 8 : i32
    %shift_left3A_137 = vector.broadcast %shift_left3A_136 : i32 to vector<16xi32>
    %shift_left3A_138 = arith.shli %and3A_133, %shift_left3A_137 : vector<16xi32>
    %swap3A_139 = arith.constant 96 : index
    %swap3A_140 = tpu.vector_load %arg11[%swap3A_139] {strides = array<i32>} : memref<256xi32, #tpu.memory_space<vmem>>, vector<16xi32>,
    tpu.vector_store %arg11[%swap3A_139], %shift_left3A_138 {strides = array<i32>} : memref<256xi32, #tpu.memory_space<vmem>>, vector<16xi32>,
    %shift_left3A_141 = arith.constant 16 : i32
    %shift_left3A_142 = vector.broadcast %shift_left3A_141 : i32 to vector<16xi32>
    %shift_left3A_143 = arith.shli %and3A_133, %shift_left3A_142 : vector<16xi32>
    %swap3A_144 = arith.constant 96 : index
    %swap3A_145 = tpu.vector_load %arg12[%swap3A_144] {strides = array<i32>} : memref<256xi32, #tpu.memory_space<vmem>>, vector<16xi32>,
    tpu.vector_store %arg12[%swap3A_144], %shift_left3A_143 {strides = array<i32>} : memref<256xi32, #tpu.memory_space<vmem>>, vector<16xi32>,
    %shift_left3A_146 = arith.constant 24 : i32
    %shift_left3A_147 = vector.broadcast %shift_left3A_146 : i32 to vector<16xi32>
    %shift_left3A_148 = arith.shli %and3A_133, %shift_left3A_147 : vector<16xi32>
    %swap3A_149 = arith.constant 96 : index
    %swap3A_150 = tpu.vector_load %arg13[%swap3A_149] {strides = array<i32>} : memref<256xi32, #tpu.memory_space<vmem>>, vector<16xi32>,
    tpu.vector_store %arg13[%swap3A_149], %shift_left3A_148 {strides = array<i32>} : memref<256xi32, #tpu.memory_space<vmem>>, vector<16xi32>,
    %get3A_151 = arith.constant 112 : index
    %get3A_152 = tpu.vector_load %arg9[%get3A_151] {strides = array<i32>} : memref<256xi32, #tpu.memory_space<vmem>>, vector<16xi32>,
    %and3A_153 = arith.constant 255 : i32
    %and3A_154 = vector.broadcast %and3A_153 : i32 to vector<16xi32>
    %and3A_155 = arith.andi %get3A_152, %and3A_154 : vector<16xi32>
    %swap3A_156 = arith.constant 112 : index
    %swap3A_157 = tpu.vector_load %arg10[%swap3A_156] {strides = array<i32>} : memref<256xi32, #tpu.memory_space<vmem>>, vector<16xi32>,
    tpu.vector_store %arg10[%swap3A_156], %and3A_155 {strides = array<i32>} : memref<256xi32, #tpu.memory_space<vmem>>, vector<16xi32>,
    %shift_left3A_158 = arith.constant 8 : i32
    %shift_left3A_159 = vector.broadcast %shift_left3A_158 : i32 to vector<16xi32>
    %shift_left3A_160 = arith.shli %and3A_155, %shift_left3A_159 : vector<16xi32>
    %swap3A_161 = arith.constant 112 : index
    %swap3A_162 = tpu.vector_load %arg11[%swap3A_161] {strides = array<i32>} : memref<256xi32, #tpu.memory_space<vmem>>, vector<16xi32>,
    tpu.vector_store %arg11[%swap3A_161], %shift_left3A_160 {strides = array<i32>} : memref<256xi32, #tpu.memory_space<vmem>>, vector<16xi32>,
    %shift_left3A_163 = arith.constant 16 : i32
    %shift_left3A_164 = vector.broadcast %shift_left3A_163 : i32 to vector<16xi32>
    %shift_left3A_165 = arith.shli %and3A_155, %shift_left3A_164 : vector<16xi32>
    %swap3A_166 = arith.constant 112 : index
    %swap3A_167 = tpu.vector_load %arg12[%swap3A_166] {strides = array<i32>} : memref<256xi32, #tpu.memory_space<vmem>>, vector<16xi32>,
    tpu.vector_store %arg12[%swap3A_166], %shift_left3A_165 {strides = array<i32>} : memref<256xi32, #tpu.memory_space<vmem>>, vector<16xi32>,
    %shift_left3A_168 = arith.constant 24 : i32
    %shift_left3A_169 = vector.broadcast %shift_left3A_168 : i32 to vector<16xi32>
    %shift_left3A_170 = arith.shli %and3A_155, %shift_left3A_169 : vector<16xi32>
    %swap3A_171 = arith.constant 112 : index
    %swap3A_172 = tpu.vector_load %arg13[%swap3A_171] {strides = array<i32>} : memref<256xi32, #tpu.memory_space<vmem>>, vector<16xi32>,
    tpu.vector_store %arg13[%swap3A_171], %shift_left3A_170 {strides = array<i32>} : memref<256xi32, #tpu.memory_space<vmem>>, vector<16xi32>,
    %get3A_173 = arith.constant 128 : index
    %get3A_174 = tpu.vector_load %arg9[%get3A_173] {strides = array<i32>} : memref<256xi32, #tpu.memory_space<vmem>>, vector<16xi32>,
    %and3A_175 = arith.constant 255 : i32
    %and3A_176 = vector.broadcast %and3A_175 : i32 to vector<16xi32>
    %and3A_177 = arith.andi %get3A_174, %and3A_176 : vector<16xi32>
    %swap3A_178 = arith.constant 128 : index
    %swap3A_179 = tpu.vector_load %arg10[%swap3A_178] {strides = array<i32>} : memref<256xi32, #tpu.memory_space<vmem>>, vector<16xi32>,
    tpu.vector_store %arg10[%swap3A_178], %and3A_177 {strides = array<i32>} : memref<256xi32, #tpu.memory_space<vmem>>, vector<16xi32>,
    %shift_left3A_180 = arith.constant 8 : i32
    %shift_left3A_181 = vector.broadcast %shift_left3A_180 : i32 to vector<16xi32>
    %shift_left3A_182 = arith.shli %and3A_177, %shift_left3A_181 : vector<16xi32>
    %swap3A_183 = arith.constant 128 : index
    %swap3A_184 = tpu.vector_load %arg11[%swap3A_183] {strides = array<i32>} : memref<256xi32, #tpu.memory_space<vmem>>, vector<16xi32>,
    tpu.vector_store %arg11[%swap3A_183], %shift_left3A_182 {strides = array<i32>} : memref<256xi32, #tpu.memory_space<vmem>>, vector<16xi32>,
    %shift_left3A_185 = arith.constant 16 : i32
    %shift_left3A_186 = vector.broadcast %shift_left3A_185 : i32 to vector<16xi32>
    %shift_left3A_187 = arith.shli %and3A_177, %shift_left3A_186 : vector<16xi32>
    %swap3A_188 = arith.constant 128 : index
    %swap3A_189 = tpu.vector_load %arg12[%swap3A_188] {strides = array<i32>} : memref<256xi32, #tpu.memory_space<vmem>>, vector<16xi32>,
    tpu.vector_store %arg12[%swap3A_188], %shift_left3A_187 {strides = array<i32>} : memref<256xi32, #tpu.memory_space<vmem>>, vector<16xi32>,
    %shift_left3A_190 = arith.constant 24 : i32
    %shift_left3A_191 = vector.broadcast %shift_left3A_190 : i32 to vector<16xi32>
    %shift_left3A_192 = arith.shli %and3A_177, %shift_left3A_191 : vector<16xi32>
    %swap3A_193 = arith.constant 128 : index
    %swap3A_194 = tpu.vector_load %arg13[%swap3A_193] {strides = array<i32>} : memref<256xi32, #tpu.memory_space<vmem>>, vector<16xi32>,
    tpu.vector_store %arg13[%swap3A_193], %shift_left3A_192 {strides = array<i32>} : memref<256xi32, #tpu.memory_space<vmem>>, vector<16xi32>,
    %get3A_195 = arith.constant 144 : index
    %get3A_196 = tpu.vector_load %arg9[%get3A_195] {strides = array<i32>} : memref<256xi32, #tpu.memory_space<vmem>>, vector<16xi32>,
    %and3A_197 = arith.constant 255 : i32
    %and3A_198 = vector.broadcast %and3A_197 : i32 to vector<16xi32>
    %and3A_199 = arith.andi %get3A_196, %and3A_198 : vector<16xi32>
    %swap3A_200 = arith.constant 144 : index
    %swap3A_201 = tpu.vector_load %arg10[%swap3A_200] {strides = array<i32>} : memref<256xi32, #tpu.memory_space<vmem>>, vector<16xi32>,
    tpu.vector_store %arg10[%swap3A_200], %and3A_199 {strides = array<i32>} : memref<256xi32, #tpu.memory_space<vmem>>, vector<16xi32>,
    %shift_left3A_202 = arith.constant 8 : i32
    %shift_left3A_203 = vector.broadcast %shift_left3A_202 : i32 to vector<16xi32>
    %shift_left3A_204 = arith.shli %and3A_199, %shift_left3A_203 : vector<16xi32>
    %swap3A_205 = arith.constant 144 : index
    %swap3A_206 = tpu.vector_load %arg11[%swap3A_205] {strides = array<i32>} : memref<256xi32, #tpu.memory_space<vmem>>, vector<16xi32>,
    tpu.vector_store %arg11[%swap3A_205], %shift_left3A_204 {strides = array<i32>} : memref<256xi32, #tpu.memory_space<vmem>>, vector<16xi32>,
    %shift_left3A_207 = arith.constant 16 : i32
    %shift_left3A_208 = vector.broadcast %shift_left3A_207 : i32 to vector<16xi32>
    %shift_left3A_209 = arith.shli %and3A_199, %shift_left3A_208 : vector<16xi32>
    %swap3A_210 = arith.constant 144 : index
    %swap3A_211 = tpu.vector_load %arg12[%swap3A_210] {strides = array<i32>} : memref<256xi32, #tpu.memory_space<vmem>>, vector<16xi32>,
    tpu.vector_store %arg12[%swap3A_210], %shift_left3A_209 {strides = array<i32>} : memref<256xi32, #tpu.memory_space<vmem>>, vector<16xi32>,
    %shift_left3A_212 = arith.constant 24 : i32
    %shift_left3A_213 = vector.broadcast %shift_left3A_212 : i32 to vector<16xi32>
    %shift_left3A_214 = arith.shli %and3A_199, %shift_left3A_213 : vector<16xi32>
    %swap3A_215 = arith.constant 144 : index
    %swap3A_216 = tpu.vector_load %arg13[%swap3A_215] {strides = array<i32>} : memref<256xi32, #tpu.memory_space<vmem>>, vector<16xi32>,
    tpu.vector_store %arg13[%swap3A_215], %shift_left3A_214 {strides = array<i32>} : memref<256xi32, #tpu.memory_space<vmem>>, vector<16xi32>,
    %get3A_217 = arith.constant 160 : index
    %get3A_218 = tpu.vector_load %arg9[%get3A_217] {strides = array<i32>} : memref<256xi32, #tpu.memory_space<vmem>>, vector<16xi32>,
    %and3A_219 = arith.constant 255 : i32
    %and3A_220 = vector.broadcast %and3A_219 : i32 to vector<16xi32>
    %and3A_221 = arith.andi %get3A_218, %and3A_220 : vector<16xi32>
    %swap3A_222 = arith.constant 160 : index
    %swap3A_223 = tpu.vector_load %arg10[%swap3A_222] {strides = array<i32>} : memref<256xi32, #tpu.memory_space<vmem>>, vector<16xi32>,
    tpu.vector_store %arg10[%swap3A_222], %and3A_221 {strides = array<i32>} : memref<256xi32, #tpu.memory_space<vmem>>, vector<16xi32>,
    %shift_left3A_224 = arith.constant 8 : i32
    %shift_left3A_225 = vector.broadcast %shift_left3A_224 : i32 to vector<16xi32>
    %shift_left3A_226 = arith.shli %and3A_221, %shift_left3A_225 : vector<16xi32>
    %swap3A_227 = arith.constant 160 : index
    %swap3A_228 = tpu.vector_load %arg11[%swap3A_227] {strides = array<i32>} : memref<256xi32, #tpu.memory_space<vmem>>, vector<16xi32>,
    tpu.vector_store %arg11[%swap3A_227], %shift_left3A_226 {strides = array<i32>} : memref<256xi32, #tpu.memory_space<vmem>>, vector<16xi32>,
    %shift_left3A_229 = arith.constant 16 : i32
    %shift_left3A_230 = vector.broadcast %shift_left3A_229 : i32 to vector<16xi32>
    %shift_left3A_231 = arith.shli %and3A_221, %shift_left3A_230 : vector<16xi32>
    %swap3A_232 = arith.constant 160 : index
    %swap3A_233 = tpu.vector_load %arg12[%swap3A_232] {strides = array<i32>} : memref<256xi32, #tpu.memory_space<vmem>>, vector<16xi32>,
    tpu.vector_store %arg12[%swap3A_232], %shift_left3A_231 {strides = array<i32>} : memref<256xi32, #tpu.memory_space<vmem>>, vector<16xi32>,
    %shift_left3A_234 = arith.constant 24 : i32
    %shift_left3A_235 = vector.broadcast %shift_left3A_234 : i32 to vector<16xi32>
    %shift_left3A_236 = arith.shli %and3A_221, %shift_left3A_235 : vector<16xi32>
    %swap3A_237 = arith.constant 160 : index
    %swap3A_238 = tpu.vector_load %arg13[%swap3A_237] {strides = array<i32>} : memref<256xi32, #tpu.memory_space<vmem>>, vector<16xi32>,
    tpu.vector_store %arg13[%swap3A_237], %shift_left3A_236 {strides = array<i32>} : memref<256xi32, #tpu.memory_space<vmem>>, vector<16xi32>,
    %get3A_239 = arith.constant 176 : index
    %get3A_240 = tpu.vector_load %arg9[%get3A_239] {strides = array<i32>} : memref<256xi32, #tpu.memory_space<vmem>>, vector<16xi32>,
    %and3A_241 = arith.constant 255 : i32
    %and3A_242 = vector.broadcast %and3A_241 : i32 to vector<16xi32>
    %and3A_243 = arith.andi %get3A_240, %and3A_242 : vector<16xi32>
    %swap3A_244 = arith.constant 176 : index
    %swap3A_245 = tpu.vector_load %arg10[%swap3A_244] {strides = array<i32>} : memref<256xi32, #tpu.memory_space<vmem>>, vector<16xi32>,
    tpu.vector_store %arg10[%swap3A_244], %and3A_243 {strides = array<i32>} : memref<256xi32, #tpu.memory_space<vmem>>, vector<16xi32>,
    %shift_left3A_246 = arith.constant 8 : i32
    %shift_left3A_247 = vector.broadcast %shift_left3A_246 : i32 to vector<16xi32>
    %shift_left3A_248 = arith.shli %and3A_243, %shift_left3A_247 : vector<16xi32>
    %swap3A_249 = arith.constant 176 : index
    %swap3A_250 = tpu.vector_load %arg11[%swap3A_249] {strides = array<i32>} : memref<256xi32, #tpu.memory_space<vmem>>, vector<16xi32>,
    tpu.vector_store %arg11[%swap3A_249], %shift_left3A_248 {strides = array<i32>} : memref<256xi32, #tpu.memory_space<vmem>>, vector<16xi32>,
    %shift_left3A_251 = arith.constant 16 : i32
    %shift_left3A_252 = vector.broadcast %shift_left3A_251 : i32 to vector<16xi32>
    %shift_left3A_253 = arith.shli %and3A_243, %shift_left3A_252 : vector<16xi32>
    %swap3A_254 = arith.constant 176 : index
    %swap3A_255 = tpu.vector_load %arg12[%swap3A_254] {strides = array<i32>} : memref<256xi32, #tpu.memory_space<vmem>>, vector<16xi32>,
    tpu.vector_store %arg12[%swap3A_254], %shift_left3A_253 {strides = array<i32>} : memref<256xi32, #tpu.memory_space<vmem>>, vector<16xi32>,
    %shift_left3A_256 = arith.constant 24 : i32
    %shift_left3A_257 = vector.broadcast %shift_left3A_256 : i32 to vector<16xi32>
    %shift_left3A_258 = arith.shli %and3A_243, %shift_left3A_257 : vector<16xi32>
    %swap3A_259 = arith.constant 176 : index
    %swap3A_260 = tpu.vector_load %arg13[%swap3A_259] {strides = array<i32>} : memref<256xi32, #tpu.memory_space<vmem>>, vector<16xi32>,
    tpu.vector_store %arg13[%swap3A_259], %shift_left3A_258 {strides = array<i32>} : memref<256xi32, #tpu.memory_space<vmem>>, vector<16xi32>,
    %get3A_261 = arith.constant 192 : index
    %get3A_262 = tpu.vector_load %arg9[%get3A_261] {strides = array<i32>} : memref<256xi32, #tpu.memory_space<vmem>>, vector<16xi32>,
    %and3A_263 = arith.constant 255 : i32
    %and3A_264 = vector.broadcast %and3A_263 : i32 to vector<16xi32>
    %and3A_265 = arith.andi %get3A_262, %and3A_264 : vector<16xi32>
    %swap3A_266 = arith.constant 192 : index
    %swap3A_267 = tpu.vector_load %arg10[%swap3A_266] {strides = array<i32>} : memref<256xi32, #tpu.memory_space<vmem>>, vector<16xi32>,
    tpu.vector_store %arg10[%swap3A_266], %and3A_265 {strides = array<i32>} : memref<256xi32, #tpu.memory_space<vmem>>, vector<16xi32>,
    %shift_left3A_268 = arith.constant 8 : i32
    %shift_left3A_269 = vector.broadcast %shift_left3A_268 : i32 to vector<16xi32>
    %shift_left3A_270 = arith.shli %and3A_265, %shift_left3A_269 : vector<16xi32>
    %swap3A_271 = arith.constant 192 : index
    %swap3A_272 = tpu.vector_load %arg11[%swap3A_271] {strides = array<i32>} : memref<256xi32, #tpu.memory_space<vmem>>, vector<16xi32>,
    tpu.vector_store %arg11[%swap3A_271], %shift_left3A_270 {strides = array<i32>} : memref<256xi32, #tpu.memory_space<vmem>>, vector<16xi32>,
    %shift_left3A_273 = arith.constant 16 : i32
    %shift_left3A_274 = vector.broadcast %shift_left3A_273 : i32 to vector<16xi32>
    %shift_left3A_275 = arith.shli %and3A_265, %shift_left3A_274 : vector<16xi32>
    %swap3A_276 = arith.constant 192 : index
    %swap3A_277 = tpu.vector_load %arg12[%swap3A_276] {strides = array<i32>} : memref<256xi32, #tpu.memory_space<vmem>>, vector<16xi32>,
    tpu.vector_store %arg12[%swap3A_276], %shift_left3A_275 {strides = array<i32>} : memref<256xi32, #tpu.memory_space<vmem>>, vector<16xi32>,
    %shift_left3A_278 = arith.constant 24 : i32
    %shift_left3A_279 = vector.broadcast %shift_left3A_278 : i32 to vector<16xi32>
    %shift_left3A_280 = arith.shli %and3A_265, %shift_left3A_279 : vector<16xi32>
    %swap3A_281 = arith.constant 192 : index
    %swap3A_282 = tpu.vector_load %arg13[%swap3A_281] {strides = array<i32>} : memref<256xi32, #tpu.memory_space<vmem>>, vector<16xi32>,
    tpu.vector_store %arg13[%swap3A_281], %shift_left3A_280 {strides = array<i32>} : memref<256xi32, #tpu.memory_space<vmem>>, vector<16xi32>,
    %get3A_283 = arith.constant 208 : index
    %get3A_284 = tpu.vector_load %arg9[%get3A_283] {strides = array<i32>} : memref<256xi32, #tpu.memory_space<vmem>>, vector<16xi32>,
    %and3A_285 = arith.constant 255 : i32
    %and3A_286 = vector.broadcast %and3A_285 : i32 to vector<16xi32>
    %and3A_287 = arith.andi %get3A_284, %and3A_286 : vector<16xi32>
    %swap3A_288 = arith.constant 208 : index
    %swap3A_289 = tpu.vector_load %arg10[%swap3A_288] {strides = array<i32>} : memref<256xi32, #tpu.memory_space<vmem>>, vector<16xi32>,
    tpu.vector_store %arg10[%swap3A_288], %and3A_287 {strides = array<i32>} : memref<256xi32, #tpu.memory_space<vmem>>, vector<16xi32>,
    %shift_left3A_290 = arith.constant 8 : i32
    %shift_left3A_291 = vector.broadcast %shift_left3A_290 : i32 to vector<16xi32>
    %shift_left3A_292 = arith.shli %and3A_287, %shift_left3A_291 : vector<16xi32>
    %swap3A_293 = arith.constant 208 : index
    %swap3A_294 = tpu.vector_load %arg11[%swap3A_293] {strides = array<i32>} : memref<256xi32, #tpu.memory_space<vmem>>, vector<16xi32>,
    tpu.vector_store %arg11[%swap3A_293], %shift_left3A_292 {strides = array<i32>} : memref<256xi32, #tpu.memory_space<vmem>>, vector<16xi32>,
    %shift_left3A_295 = arith.constant 16 : i32
    %shift_left3A_296 = vector.broadcast %shift_left3A_295 : i32 to vector<16xi32>
    %shift_left3A_297 = arith.shli %and3A_287, %shift_left3A_296 : vector<16xi32>
    %swap3A_298 = arith.constant 208 : index
    %swap3A_299 = tpu.vector_load %arg12[%swap3A_298] {strides = array<i32>} : memref<256xi32, #tpu.memory_space<vmem>>, vector<16xi32>,
    tpu.vector_store %arg12[%swap3A_298], %shift_left3A_297 {strides = array<i32>} : memref<256xi32, #tpu.memory_space<vmem>>, vector<16xi32>,
    %shift_left3A_300 = arith.constant 24 : i32
    %shift_left3A_301 = vector.broadcast %shift_left3A_300 : i32 to vector<16xi32>
    %shift_left3A_302 = arith.shli %and3A_287, %shift_left3A_301 : vector<16xi32>
    %swap3A_303 = arith.constant 208 : index
    %swap3A_304 = tpu.vector_load %arg13[%swap3A_303] {strides = array<i32>} : memref<256xi32, #tpu.memory_space<vmem>>, vector<16xi32>,
    tpu.vector_store %arg13[%swap3A_303], %shift_left3A_302 {strides = array<i32>} : memref<256xi32, #tpu.memory_space<vmem>>, vector<16xi32>,
    %get3A_305 = arith.constant 224 : index
    %get3A_306 = tpu.vector_load %arg9[%get3A_305] {strides = array<i32>} : memref<256xi32, #tpu.memory_space<vmem>>, vector<16xi32>,
    %and3A_307 = arith.constant 255 : i32
    %and3A_308 = vector.broadcast %and3A_307 : i32 to vector<16xi32>
    %and3A_309 = arith.andi %get3A_306, %and3A_308 : vector<16xi32>
    %swap3A_310 = arith.constant 224 : index
    %swap3A_311 = tpu.vector_load %arg10[%swap3A_310] {strides = array<i32>} : memref<256xi32, #tpu.memory_space<vmem>>, vector<16xi32>,
    tpu.vector_store %arg10[%swap3A_310], %and3A_309 {strides = array<i32>} : memref<256xi32, #tpu.memory_space<vmem>>, vector<16xi32>,
    %shift_left3A_312 = arith.constant 8 : i32
    %shift_left3A_313 = vector.broadcast %shift_left3A_312 : i32 to vector<16xi32>
    %shift_left3A_314 = arith.shli %and3A_309, %shift_left3A_313 : vector<16xi32>
    %swap3A_315 = arith.constant 224 : index
    %swap3A_316 = tpu.vector_load %arg11[%swap3A_315] {strides = array<i32>} : memref<256xi32, #tpu.memory_space<vmem>>, vector<16xi32>,
    tpu.vector_store %arg11[%swap3A_315], %shift_left3A_314 {strides = array<i32>} : memref<256xi32, #tpu.memory_space<vmem>>, vector<16xi32>,
    %shift_left3A_317 = arith.constant 16 : i32
    %shift_left3A_318 = vector.broadcast %shift_left3A_317 : i32 to vector<16xi32>
    %shift_left3A_319 = arith.shli %and3A_309, %shift_left3A_318 : vector<16xi32>
    %swap3A_320 = arith.constant 224 : index
    %swap3A_321 = tpu.vector_load %arg12[%swap3A_320] {strides = array<i32>} : memref<256xi32, #tpu.memory_space<vmem>>, vector<16xi32>,
    tpu.vector_store %arg12[%swap3A_320], %shift_left3A_319 {strides = array<i32>} : memref<256xi32, #tpu.memory_space<vmem>>, vector<16xi32>,
    %shift_left3A_322 = arith.constant 24 : i32
    %shift_left3A_323 = vector.broadcast %shift_left3A_322 : i32 to vector<16xi32>
    %shift_left3A_324 = arith.shli %and3A_309, %shift_left3A_323 : vector<16xi32>
    %swap3A_325 = arith.constant 224 : index
    %swap3A_326 = tpu.vector_load %arg13[%swap3A_325] {strides = array<i32>} : memref<256xi32, #tpu.memory_space<vmem>>, vector<16xi32>,
    tpu.vector_store %arg13[%swap3A_325], %shift_left3A_324 {strides = array<i32>} : memref<256xi32, #tpu.memory_space<vmem>>, vector<16xi32>,
    %get3A_327 = arith.constant 240 : index
    %get3A_328 = tpu.vector_load %arg9[%get3A_327] {strides = array<i32>} : memref<256xi32, #tpu.memory_space<vmem>>, vector<16xi32>,
    %and3A_329 = arith.constant 255 : i32
    %and3A_330 = vector.broadcast %and3A_329 : i32 to vector<16xi32>
    %and3A_331 = arith.andi %get3A_328, %and3A_330 : vector<16xi32>
    %swap3A_332 = arith.constant 240 : index
    %swap3A_333 = tpu.vector_load %arg10[%swap3A_332] {strides = array<i32>} : memref<256xi32, #tpu.memory_space<vmem>>, vector<16xi32>,
    tpu.vector_store %arg10[%swap3A_332], %and3A_331 {strides = array<i32>} : memref<256xi32, #tpu.memory_space<vmem>>, vector<16xi32>,
    %shift_left3A_334 = arith.constant 8 : i32
    %shift_left3A_335 = vector.broadcast %shift_left3A_334 : i32 to vector<16xi32>
    %shift_left3A_336 = arith.shli %and3A_331, %shift_left3A_335 : vector<16xi32>
    %swap3A_337 = arith.constant 240 : index
    %swap3A_338 = tpu.vector_load %arg11[%swap3A_337] {strides = array<i32>} : memref<256xi32, #tpu.memory_space<vmem>>, vector<16xi32>,
    tpu.vector_store %arg11[%swap3A_337], %shift_left3A_336 {strides = array<i32>} : memref<256xi32, #tpu.memory_space<vmem>>, vector<16xi32>,
    %shift_left3A_339 = arith.constant 16 : i32
    %shift_left3A_340 = vector.broadcast %shift_left3A_339 : i32 to vector<16xi32>
    %shift_left3A_341 = arith.shli %and3A_331, %shift_left3A_340 : vector<16xi32>
    %swap3A_342 = arith.constant 240 : index
    %swap3A_343 = tpu.vector_load %arg12[%swap3A_342] {strides = array<i32>} : memref<256xi32, #tpu.memory_space<vmem>>, vector<16xi32>,
    tpu.vector_store %arg12[%swap3A_342], %shift_left3A_341 {strides = array<i32>} : memref<256xi32, #tpu.memory_space<vmem>>, vector<16xi32>,
    %shift_left3A_344 = arith.constant 24 : i32
    %shift_left3A_345 = vector.broadcast %shift_left3A_344 : i32 to vector<16xi32>
    %shift_left3A_346 = arith.shli %and3A_331, %shift_left3A_345 : vector<16xi32>
    %swap3A_347 = arith.constant 240 : index
    %swap3A_348 = tpu.vector_load %arg13[%swap3A_347] {strides = array<i32>} : memref<256xi32, #tpu.memory_space<vmem>>, vector<16xi32>,
    tpu.vector_store %arg13[%swap3A_347], %shift_left3A_346 {strides = array<i32>} : memref<256xi32, #tpu.memory_space<vmem>>, vector<16xi32>,
    %mul3A_349 = arith.constant 512 : i32
    %mul3A_350 = arith.muli %add3A, %mul3A_349 : i32
    %add3A_351 = arith.constant 0 : i32
    %add3A_352 = arith.addi %mul3A_350, %add3A_351 : i32
    %dma_start3A = arith.constant 0 : i32
    %dma_start3A_353 = tpu.memref_slice %arg2[%dma_start3A, %add3A_352] : memref<200x16384xi32, #tpu.memory_space<hbm>> -> memref<200x128xi32, #tpu.memory_space<hbm>>
    %dma_start3A_354 = arith.constant 0 : i32
    %dma_start3A_355 = tpu.memref_slice %arg2[%dma_start3A_354, %add3A_352] : memref<200x16384xi32, #tpu.memory_space<hbm>> -> memref<200x128xi32, #tpu.memory_space<hbm>>
    tpu.enqueue_dma source(%dma_start3A_355 : memref<200x128xi32, #tpu.memory_space<hbm>>) target(%arg5 : memref<200x128xi32, #tpu.memory_space<vmem>>) target_semaphore(%arg14 : memref<!tpu.dma_semaphore, #tpu.memory_space<semaphore_mem>>)
    %mul3A_356 = arith.constant 512 : i32
    %mul3A_357 = arith.muli %add3A, %mul3A_356 : i32
    %add3A_358 = arith.constant 128 : i32
    %add3A_359 = arith.addi %mul3A_357, %add3A_358 : i32
    %dma_start3A_360 = arith.constant 0 : i32
    %dma_start3A_361 = tpu.memref_slice %arg2[%dma_start3A_360, %add3A_359] : memref<200x16384xi32, #tpu.memory_space<hbm>> -> memref<200x128xi32, #tpu.memory_space<hbm>>
    %dma_start3A_362 = arith.constant 0 : i32
    %dma_start3A_363 = tpu.memref_slice %arg2[%dma_start3A_362, %add3A_359] : memref<200x16384xi32, #tpu.memory_space<hbm>> -> memref<200x128xi32, #tpu.memory_space<hbm>>
    tpu.enqueue_dma source(%dma_start3A_363 : memref<200x128xi32, #tpu.memory_space<hbm>>) target(%arg6 : memref<200x128xi32, #tpu.memory_space<vmem>>) target_semaphore(%arg15 : memref<!tpu.dma_semaphore, #tpu.memory_space<semaphore_mem>>)
    %mul3A_364 = arith.constant 512 : i32
    %mul3A_365 = arith.muli %add3A, %mul3A_364 : i32
    %add3A_366 = arith.constant 0 : i32
    %add3A_367 = arith.addi %mul3A_365, %add3A_366 : i32
    %dma_wait3A = arith.constant 0 : i32
    %dma_wait3A_368 = tpu.memref_slice %arg2[%dma_wait3A, %add3A_367] : memref<200x16384xi32, #tpu.memory_space<hbm>> -> memref<200x128xi32, #tpu.memory_space<hbm>>
    %dma_wait3A_369 = arith.constant 0 : i32
    %dma_wait3A_370 = tpu.memref_slice %arg2[%dma_wait3A_369, %add3A_367] : memref<200x16384xi32, #tpu.memory_space<hbm>> -> memref<200x128xi32, #tpu.memory_space<hbm>>
    tpu.wait_dma2 semaphore(%arg14 : memref<!tpu.dma_semaphore, #tpu.memory_space<semaphore_mem>>) src(%dma_wait3A_370 : memref<200x128xi32, #tpu.memory_space<hbm>>) dst(%arg5 : memref<200x128xi32, #tpu.memory_space<vmem>>)
    %parallel_loop3A = arith.constant 0 : i32
    %parallel_loop3A_371 = arith.constant 50 : i32
    %parallel_loop3A_372 = arith.constant 1 : i32
    scf.for %parallel_loop3A_486 = %parallel_loop3A to %parallel_loop3A_371 step %parallel_loop3A_372  : i32 {
      %parallel_loop3A_487 = arith.constant 4 : i32
      %parallel_loop3A_488 = arith.muli %parallel_loop3A_486, %parallel_loop3A_487 : i32
      %parallel_loop3A_489 = arith.index_cast %parallel_loop3A_488 : i32 to index
      %parallel_loop3A_490 = arith.constant 0 : index
      %parallel_loop3A_491 = tpu.vector_load %arg5[%parallel_loop3A_489, %parallel_loop3A_490] {strides = array<i32>} : memref<200x128xi32, #tpu.memory_space<vmem>>, vector<16xi32>,
      %parallel_loop3A_492 = arith.constant 1 : i32
      %parallel_loop3A_493 = arith.addi %parallel_loop3A_488, %parallel_loop3A_492 : i32
      %parallel_loop3A_494 = arith.index_cast %parallel_loop3A_493 : i32 to index
      %parallel_loop3A_495 = arith.constant 0 : index
      %parallel_loop3A_496 = tpu.vector_load %arg5[%parallel_loop3A_494, %parallel_loop3A_495] {strides = array<i32>} : memref<200x128xi32, #tpu.memory_space<vmem>>, vector<16xi32>,
      %parallel_loop3A_497 = arith.constant 2 : i32
      %parallel_loop3A_498 = arith.addi %parallel_loop3A_488, %parallel_loop3A_497 : i32
      %parallel_loop3A_499 = arith.index_cast %parallel_loop3A_498 : i32 to index
      %parallel_loop3A_500 = arith.constant 0 : index
      %parallel_loop3A_501 = tpu.vector_load %arg5[%parallel_loop3A_499, %parallel_loop3A_500] {strides = array<i32>} : memref<200x128xi32, #tpu.memory_space<vmem>>, vector<16xi32>,
      %parallel_loop3A_502 = arith.constant 3 : i32
      %parallel_loop3A_503 = arith.addi %parallel_loop3A_488, %parallel_loop3A_502 : i32
      %parallel_loop3A_504 = arith.index_cast %parallel_loop3A_503 : i32 to index
      %parallel_loop3A_505 = arith.constant 0 : index
      %parallel_loop3A_506 = tpu.vector_load %arg5[%parallel_loop3A_504, %parallel_loop3A_505] {strides = array<i32>} : memref<200x128xi32, #tpu.memory_space<vmem>>, vector<16xi32>,
      %parallel_loop3A_507 = tpu.vector_load_idx %arg10[%parallel_loop3A_491] : memref<256xi32, #tpu.memory_space<vmem>>[vector<16xi32>], vector<16xi32>,
      %parallel_loop3A_508 = tpu.vector_load_idx %arg11[%parallel_loop3A_496] : memref<256xi32, #tpu.memory_space<vmem>>[vector<16xi32>], vector<16xi32>,
      %parallel_loop3A_509 = arith.ori %parallel_loop3A_507, %parallel_loop3A_508 : vector<16xi32>
      %parallel_loop3A_510 = tpu.vector_load_idx %arg12[%parallel_loop3A_501] : memref<256xi32, #tpu.memory_space<vmem>>[vector<16xi32>], vector<16xi32>,
      %parallel_loop3A_511 = arith.ori %parallel_loop3A_509, %parallel_loop3A_510 : vector<16xi32>
      %parallel_loop3A_512 = tpu.vector_load_idx %arg13[%parallel_loop3A_506] : memref<256xi32, #tpu.memory_space<vmem>>[vector<16xi32>], vector<16xi32>,
      %parallel_loop3A_513 = arith.ori %parallel_loop3A_511, %parallel_loop3A_512 : vector<16xi32>
      %parallel_loop3A_514 = vector.bitcast %parallel_loop3A_513 : vector<16xi32> to vector<64xi8>
      %parallel_loop3A_515 = arith.index_cast %parallel_loop3A_488 : i32 to index
      %parallel_loop3A_516 = arith.constant 0 : index
      %parallel_loop3A_517 = tpu.vector_load %arg7[%parallel_loop3A_515, %parallel_loop3A_516] {strides = array<i32>} : memref<200x128xi8, #tpu.memory_space<vmem>>, vector<64xi8>,
      tpu.vector_store %arg7[%parallel_loop3A_515, %parallel_loop3A_516], %parallel_loop3A_514 {strides = array<i32>} : memref<200x128xi8, #tpu.memory_space<vmem>>, vector<64xi8>,
      %parallel_loop3A_518 = arith.index_cast %parallel_loop3A_488 : i32 to index
      %parallel_loop3A_519 = arith.constant 16 : index
      %parallel_loop3A_520 = tpu.vector_load %arg5[%parallel_loop3A_518, %parallel_loop3A_519] {strides = array<i32>} : memref<200x128xi32, #tpu.memory_space<vmem>>, vector<16xi32>,
      %parallel_loop3A_521 = arith.constant 1 : i32
      %parallel_loop3A_522 = arith.addi %parallel_loop3A_488, %parallel_loop3A_521 : i32
      %parallel_loop3A_523 = arith.index_cast %parallel_loop3A_522 : i32 to index
      %parallel_loop3A_524 = arith.constant 16 : index
      %parallel_loop3A_525 = tpu.vector_load %arg5[%parallel_loop3A_523, %parallel_loop3A_524] {strides = array<i32>} : memref<200x128xi32, #tpu.memory_space<vmem>>, vector<16xi32>,
      %parallel_loop3A_526 = arith.constant 2 : i32
      %parallel_loop3A_527 = arith.addi %parallel_loop3A_488, %parallel_loop3A_526 : i32
      %parallel_loop3A_528 = arith.index_cast %parallel_loop3A_527 : i32 to index
      %parallel_loop3A_529 = arith.constant 16 : index
      %parallel_loop3A_530 = tpu.vector_load %arg5[%parallel_loop3A_528, %parallel_loop3A_529] {strides = array<i32>} : memref<200x128xi32, #tpu.memory_space<vmem>>, vector<16xi32>,
      %parallel_loop3A_531 = arith.constant 3 : i32
      %parallel_loop3A_532 = arith.addi %parallel_loop3A_488, %parallel_loop3A_531 : i32
      %parallel_loop3A_533 = arith.index_cast %parallel_loop3A_532 : i32 to index
      %parallel_loop3A_534 = arith.constant 16 : index
      %parallel_loop3A_535 = tpu.vector_load %arg5[%parallel_loop3A_533, %parallel_loop3A_534] {strides = array<i32>} : memref<200x128xi32, #tpu.memory_space<vmem>>, vector<16xi32>,
      %parallel_loop3A_536 = tpu.vector_load_idx %arg10[%parallel_loop3A_520] : memref<256xi32, #tpu.memory_space<vmem>>[vector<16xi32>], vector<16xi32>,
      %parallel_loop3A_537 = tpu.vector_load_idx %arg11[%parallel_loop3A_525] : memref<256xi32, #tpu.memory_space<vmem>>[vector<16xi32>], vector<16xi32>,
      %parallel_loop3A_538 = arith.ori %parallel_loop3A_536, %parallel_loop3A_537 : vector<16xi32>
      %parallel_loop3A_539 = tpu.vector_load_idx %arg12[%parallel_loop3A_530] : memref<256xi32, #tpu.memory_space<vmem>>[vector<16xi32>], vector<16xi32>,
      %parallel_loop3A_540 = arith.ori %parallel_loop3A_538, %parallel_loop3A_539 : vector<16xi32>
      %parallel_loop3A_541 = tpu.vector_load_idx %arg13[%parallel_loop3A_535] : memref<256xi32, #tpu.memory_space<vmem>>[vector<16xi32>], vector<16xi32>,
      %parallel_loop3A_542 = arith.ori %parallel_loop3A_540, %parallel_loop3A_541 : vector<16xi32>
      %parallel_loop3A_543 = vector.bitcast %parallel_loop3A_542 : vector<16xi32> to vector<64xi8>
      %parallel_loop3A_544 = arith.index_cast %parallel_loop3A_488 : i32 to index
      %parallel_loop3A_545 = arith.constant 16 : index
      %parallel_loop3A_546 = tpu.vector_load %arg7[%parallel_loop3A_544, %parallel_loop3A_545] {strides = array<i32>} : memref<200x128xi8, #tpu.memory_space<vmem>>, vector<64xi8>,
      tpu.vector_store %arg7[%parallel_loop3A_544, %parallel_loop3A_545], %parallel_loop3A_543 {strides = array<i32>} : memref<200x128xi8, #tpu.memory_space<vmem>>, vector<64xi8>,
      %parallel_loop3A_547 = arith.index_cast %parallel_loop3A_488 : i32 to index
      %parallel_loop3A_548 = arith.constant 32 : index
      %parallel_loop3A_549 = tpu.vector_load %arg5[%parallel_loop3A_547, %parallel_loop3A_548] {strides = array<i32>} : memref<200x128xi32, #tpu.memory_space<vmem>>, vector<16xi32>,
      %parallel_loop3A_550 = arith.constant 1 : i32
      %parallel_loop3A_551 = arith.addi %parallel_loop3A_488, %parallel_loop3A_550 : i32
      %parallel_loop3A_552 = arith.index_cast %parallel_loop3A_551 : i32 to index
      %parallel_loop3A_553 = arith.constant 32 : index
      %parallel_loop3A_554 = tpu.vector_load %arg5[%parallel_loop3A_552, %parallel_loop3A_553] {strides = array<i32>} : memref<200x128xi32, #tpu.memory_space<vmem>>, vector<16xi32>,
      %parallel_loop3A_555 = arith.constant 2 : i32
      %parallel_loop3A_556 = arith.addi %parallel_loop3A_488, %parallel_loop3A_555 : i32
      %parallel_loop3A_557 = arith.index_cast %parallel_loop3A_556 : i32 to index
      %parallel_loop3A_558 = arith.constant 32 : index
      %parallel_loop3A_559 = tpu.vector_load %arg5[%parallel_loop3A_557, %parallel_loop3A_558] {strides = array<i32>} : memref<200x128xi32, #tpu.memory_space<vmem>>, vector<16xi32>,
      %parallel_loop3A_560 = arith.constant 3 : i32
      %parallel_loop3A_561 = arith.addi %parallel_loop3A_488, %parallel_loop3A_560 : i32
      %parallel_loop3A_562 = arith.index_cast %parallel_loop3A_561 : i32 to index
      %parallel_loop3A_563 = arith.constant 32 : index
      %parallel_loop3A_564 = tpu.vector_load %arg5[%parallel_loop3A_562, %parallel_loop3A_563] {strides = array<i32>} : memref<200x128xi32, #tpu.memory_space<vmem>>, vector<16xi32>,
      %parallel_loop3A_565 = tpu.vector_load_idx %arg10[%parallel_loop3A_549] : memref<256xi32, #tpu.memory_space<vmem>>[vector<16xi32>], vector<16xi32>,
      %parallel_loop3A_566 = tpu.vector_load_idx %arg11[%parallel_loop3A_554] : memref<256xi32, #tpu.memory_space<vmem>>[vector<16xi32>], vector<16xi32>,
      %parallel_loop3A_567 = arith.ori %parallel_loop3A_565, %parallel_loop3A_566 : vector<16xi32>
      %parallel_loop3A_568 = tpu.vector_load_idx %arg12[%parallel_loop3A_559] : memref<256xi32, #tpu.memory_space<vmem>>[vector<16xi32>], vector<16xi32>,
      %parallel_loop3A_569 = arith.ori %parallel_loop3A_567, %parallel_loop3A_568 : vector<16xi32>
      %parallel_loop3A_570 = tpu.vector_load_idx %arg13[%parallel_loop3A_564] : memref<256xi32, #tpu.memory_space<vmem>>[vector<16xi32>], vector<16xi32>,
      %parallel_loop3A_571 = arith.ori %parallel_loop3A_569, %parallel_loop3A_570 : vector<16xi32>
      %parallel_loop3A_572 = vector.bitcast %parallel_loop3A_571 : vector<16xi32> to vector<64xi8>
      %parallel_loop3A_573 = arith.index_cast %parallel_loop3A_488 : i32 to index
      %parallel_loop3A_574 = arith.constant 32 : index
      %parallel_loop3A_575 = tpu.vector_load %arg7[%parallel_loop3A_573, %parallel_loop3A_574] {strides = array<i32>} : memref<200x128xi8, #tpu.memory_space<vmem>>, vector<64xi8>,
      tpu.vector_store %arg7[%parallel_loop3A_573, %parallel_loop3A_574], %parallel_loop3A_572 {strides = array<i32>} : memref<200x128xi8, #tpu.memory_space<vmem>>, vector<64xi8>,
      %parallel_loop3A_576 = arith.index_cast %parallel_loop3A_488 : i32 to index
      %parallel_loop3A_577 = arith.constant 48 : index
      %parallel_loop3A_578 = tpu.vector_load %arg5[%parallel_loop3A_576, %parallel_loop3A_577] {strides = array<i32>} : memref<200x128xi32, #tpu.memory_space<vmem>>, vector<16xi32>,
      %parallel_loop3A_579 = arith.constant 1 : i32
      %parallel_loop3A_580 = arith.addi %parallel_loop3A_488, %parallel_loop3A_579 : i32
      %parallel_loop3A_581 = arith.index_cast %parallel_loop3A_580 : i32 to index
      %parallel_loop3A_582 = arith.constant 48 : index
      %parallel_loop3A_583 = tpu.vector_load %arg5[%parallel_loop3A_581, %parallel_loop3A_582] {strides = array<i32>} : memref<200x128xi32, #tpu.memory_space<vmem>>, vector<16xi32>,
      %parallel_loop3A_584 = arith.constant 2 : i32
      %parallel_loop3A_585 = arith.addi %parallel_loop3A_488, %parallel_loop3A_584 : i32
      %parallel_loop3A_586 = arith.index_cast %parallel_loop3A_585 : i32 to index
      %parallel_loop3A_587 = arith.constant 48 : index
      %parallel_loop3A_588 = tpu.vector_load %arg5[%parallel_loop3A_586, %parallel_loop3A_587] {strides = array<i32>} : memref<200x128xi32, #tpu.memory_space<vmem>>, vector<16xi32>,
      %parallel_loop3A_589 = arith.constant 3 : i32
      %parallel_loop3A_590 = arith.addi %parallel_loop3A_488, %parallel_loop3A_589 : i32
      %parallel_loop3A_591 = arith.index_cast %parallel_loop3A_590 : i32 to index
      %parallel_loop3A_592 = arith.constant 48 : index
      %parallel_loop3A_593 = tpu.vector_load %arg5[%parallel_loop3A_591, %parallel_loop3A_592] {strides = array<i32>} : memref<200x128xi32, #tpu.memory_space<vmem>>, vector<16xi32>,
      %parallel_loop3A_594 = tpu.vector_load_idx %arg10[%parallel_loop3A_578] : memref<256xi32, #tpu.memory_space<vmem>>[vector<16xi32>], vector<16xi32>,
      %parallel_loop3A_595 = tpu.vector_load_idx %arg11[%parallel_loop3A_583] : memref<256xi32, #tpu.memory_space<vmem>>[vector<16xi32>], vector<16xi32>,
      %parallel_loop3A_596 = arith.ori %parallel_loop3A_594, %parallel_loop3A_595 : vector<16xi32>
      %parallel_loop3A_597 = tpu.vector_load_idx %arg12[%parallel_loop3A_588] : memref<256xi32, #tpu.memory_space<vmem>>[vector<16xi32>], vector<16xi32>,
      %parallel_loop3A_598 = arith.ori %parallel_loop3A_596, %parallel_loop3A_597 : vector<16xi32>
      %parallel_loop3A_599 = tpu.vector_load_idx %arg13[%parallel_loop3A_593] : memref<256xi32, #tpu.memory_space<vmem>>[vector<16xi32>], vector<16xi32>,
      %parallel_loop3A_600 = arith.ori %parallel_loop3A_598, %parallel_loop3A_599 : vector<16xi32>
      %parallel_loop3A_601 = vector.bitcast %parallel_loop3A_600 : vector<16xi32> to vector<64xi8>
      %parallel_loop3A_602 = arith.index_cast %parallel_loop3A_488 : i32 to index
      %parallel_loop3A_603 = arith.constant 48 : index
      %parallel_loop3A_604 = tpu.vector_load %arg7[%parallel_loop3A_602, %parallel_loop3A_603] {strides = array<i32>} : memref<200x128xi8, #tpu.memory_space<vmem>>, vector<64xi8>,
      tpu.vector_store %arg7[%parallel_loop3A_602, %parallel_loop3A_603], %parallel_loop3A_601 {strides = array<i32>} : memref<200x128xi8, #tpu.memory_space<vmem>>, vector<64xi8>,
      %parallel_loop3A_605 = arith.index_cast %parallel_loop3A_488 : i32 to index
      %parallel_loop3A_606 = arith.constant 64 : index
      %parallel_loop3A_607 = tpu.vector_load %arg5[%parallel_loop3A_605, %parallel_loop3A_606] {strides = array<i32>} : memref<200x128xi32, #tpu.memory_space<vmem>>, vector<16xi32>,
      %parallel_loop3A_608 = arith.constant 1 : i32
      %parallel_loop3A_609 = arith.addi %parallel_loop3A_488, %parallel_loop3A_608 : i32
      %parallel_loop3A_610 = arith.index_cast %parallel_loop3A_609 : i32 to index
      %parallel_loop3A_611 = arith.constant 64 : index
      %parallel_loop3A_612 = tpu.vector_load %arg5[%parallel_loop3A_610, %parallel_loop3A_611] {strides = array<i32>} : memref<200x128xi32, #tpu.memory_space<vmem>>, vector<16xi32>,
      %parallel_loop3A_613 = arith.constant 2 : i32
      %parallel_loop3A_614 = arith.addi %parallel_loop3A_488, %parallel_loop3A_613 : i32
      %parallel_loop3A_615 = arith.index_cast %parallel_loop3A_614 : i32 to index
      %parallel_loop3A_616 = arith.constant 64 : index
      %parallel_loop3A_617 = tpu.vector_load %arg5[%parallel_loop3A_615, %parallel_loop3A_616] {strides = array<i32>} : memref<200x128xi32, #tpu.memory_space<vmem>>, vector<16xi32>,
      %parallel_loop3A_618 = arith.constant 3 : i32
      %parallel_loop3A_619 = arith.addi %parallel_loop3A_488, %parallel_loop3A_618 : i32
      %parallel_loop3A_620 = arith.index_cast %parallel_loop3A_619 : i32 to index
      %parallel_loop3A_621 = arith.constant 64 : index
      %parallel_loop3A_622 = tpu.vector_load %arg5[%parallel_loop3A_620, %parallel_loop3A_621] {strides = array<i32>} : memref<200x128xi32, #tpu.memory_space<vmem>>, vector<16xi32>,
      %parallel_loop3A_623 = tpu.vector_load_idx %arg10[%parallel_loop3A_607] : memref<256xi32, #tpu.memory_space<vmem>>[vector<16xi32>], vector<16xi32>,
      %parallel_loop3A_624 = tpu.vector_load_idx %arg11[%parallel_loop3A_612] : memref<256xi32, #tpu.memory_space<vmem>>[vector<16xi32>], vector<16xi32>,
      %parallel_loop3A_625 = arith.ori %parallel_loop3A_623, %parallel_loop3A_624 : vector<16xi32>
      %parallel_loop3A_626 = tpu.vector_load_idx %arg12[%parallel_loop3A_617] : memref<256xi32, #tpu.memory_space<vmem>>[vector<16xi32>], vector<16xi32>,
      %parallel_loop3A_627 = arith.ori %parallel_loop3A_625, %parallel_loop3A_626 : vector<16xi32>
      %parallel_loop3A_628 = tpu.vector_load_idx %arg13[%parallel_loop3A_622] : memref<256xi32, #tpu.memory_space<vmem>>[vector<16xi32>], vector<16xi32>,
      %parallel_loop3A_629 = arith.ori %parallel_loop3A_627, %parallel_loop3A_628 : vector<16xi32>
      %parallel_loop3A_630 = vector.bitcast %parallel_loop3A_629 : vector<16xi32> to vector<64xi8>
      %parallel_loop3A_631 = arith.index_cast %parallel_loop3A_488 : i32 to index
      %parallel_loop3A_632 = arith.constant 64 : index
      %parallel_loop3A_633 = tpu.vector_load %arg7[%parallel_loop3A_631, %parallel_loop3A_632] {strides = array<i32>} : memref<200x128xi8, #tpu.memory_space<vmem>>, vector<64xi8>,
      tpu.vector_store %arg7[%parallel_loop3A_631, %parallel_loop3A_632], %parallel_loop3A_630 {strides = array<i32>} : memref<200x128xi8, #tpu.memory_space<vmem>>, vector<64xi8>,
      %parallel_loop3A_634 = arith.index_cast %parallel_loop3A_488 : i32 to index
      %parallel_loop3A_635 = arith.constant 80 : index
      %parallel_loop3A_636 = tpu.vector_load %arg5[%parallel_loop3A_634, %parallel_loop3A_635] {strides = array<i32>} : memref<200x128xi32, #tpu.memory_space<vmem>>, vector<16xi32>,
      %parallel_loop3A_637 = arith.constant 1 : i32
      %parallel_loop3A_638 = arith.addi %parallel_loop3A_488, %parallel_loop3A_637 : i32
      %parallel_loop3A_639 = arith.index_cast %parallel_loop3A_638 : i32 to index
      %parallel_loop3A_640 = arith.constant 80 : index
      %parallel_loop3A_641 = tpu.vector_load %arg5[%parallel_loop3A_639, %parallel_loop3A_640] {strides = array<i32>} : memref<200x128xi32, #tpu.memory_space<vmem>>, vector<16xi32>,
      %parallel_loop3A_642 = arith.constant 2 : i32
      %parallel_loop3A_643 = arith.addi %parallel_loop3A_488, %parallel_loop3A_642 : i32
      %parallel_loop3A_644 = arith.index_cast %parallel_loop3A_643 : i32 to index
      %parallel_loop3A_645 = arith.constant 80 : index
      %parallel_loop3A_646 = tpu.vector_load %arg5[%parallel_loop3A_644, %parallel_loop3A_645] {strides = array<i32>} : memref<200x128xi32, #tpu.memory_space<vmem>>, vector<16xi32>,
      %parallel_loop3A_647 = arith.constant 3 : i32
      %parallel_loop3A_648 = arith.addi %parallel_loop3A_488, %parallel_loop3A_647 : i32
      %parallel_loop3A_649 = arith.index_cast %parallel_loop3A_648 : i32 to index
      %parallel_loop3A_650 = arith.constant 80 : index
      %parallel_loop3A_651 = tpu.vector_load %arg5[%parallel_loop3A_649, %parallel_loop3A_650] {strides = array<i32>} : memref<200x128xi32, #tpu.memory_space<vmem>>, vector<16xi32>,
      %parallel_loop3A_652 = tpu.vector_load_idx %arg10[%parallel_loop3A_636] : memref<256xi32, #tpu.memory_space<vmem>>[vector<16xi32>], vector<16xi32>,
      %parallel_loop3A_653 = tpu.vector_load_idx %arg11[%parallel_loop3A_641] : memref<256xi32, #tpu.memory_space<vmem>>[vector<16xi32>], vector<16xi32>,
      %parallel_loop3A_654 = arith.ori %parallel_loop3A_652, %parallel_loop3A_653 : vector<16xi32>
      %parallel_loop3A_655 = tpu.vector_load_idx %arg12[%parallel_loop3A_646] : memref<256xi32, #tpu.memory_space<vmem>>[vector<16xi32>], vector<16xi32>,
      %parallel_loop3A_656 = arith.ori %parallel_loop3A_654, %parallel_loop3A_655 : vector<16xi32>
      %parallel_loop3A_657 = tpu.vector_load_idx %arg13[%parallel_loop3A_651] : memref<256xi32, #tpu.memory_space<vmem>>[vector<16xi32>], vector<16xi32>,
      %parallel_loop3A_658 = arith.ori %parallel_loop3A_656, %parallel_loop3A_657 : vector<16xi32>
      %parallel_loop3A_659 = vector.bitcast %parallel_loop3A_658 : vector<16xi32> to vector<64xi8>
      %parallel_loop3A_660 = arith.constant 80 : i32
      %parallel_loop3A_661 = arith.index_cast %parallel_loop3A_488 : i32 to index
      %parallel_loop3A_662 = arith.index_cast %parallel_loop3A_660 : i32 to index
      %parallel_loop3A_663 = tpu.vector_load %arg7[%parallel_loop3A_661, %parallel_loop3A_662] {strides = array<i32>} : memref<200x128xi8, #tpu.memory_space<vmem>>, vector<64xi8>,
      tpu.vector_store %arg7[%parallel_loop3A_661, %parallel_loop3A_662], %parallel_loop3A_659 {strides = array<i32>} : memref<200x128xi8, #tpu.memory_space<vmem>>, vector<64xi8>,
      %parallel_loop3A_664 = arith.index_cast %parallel_loop3A_488 : i32 to index
      %parallel_loop3A_665 = arith.constant 96 : index
      %parallel_loop3A_666 = tpu.vector_load %arg5[%parallel_loop3A_664, %parallel_loop3A_665] {strides = array<i32>} : memref<200x128xi32, #tpu.memory_space<vmem>>, vector<16xi32>,
      %parallel_loop3A_667 = arith.constant 1 : i32
      %parallel_loop3A_668 = arith.addi %parallel_loop3A_488, %parallel_loop3A_667 : i32
      %parallel_loop3A_669 = arith.index_cast %parallel_loop3A_668 : i32 to index
      %parallel_loop3A_670 = arith.constant 96 : index
      %parallel_loop3A_671 = tpu.vector_load %arg5[%parallel_loop3A_669, %parallel_loop3A_670] {strides = array<i32>} : memref<200x128xi32, #tpu.memory_space<vmem>>, vector<16xi32>,
      %parallel_loop3A_672 = arith.constant 2 : i32
      %parallel_loop3A_673 = arith.addi %parallel_loop3A_488, %parallel_loop3A_672 : i32
      %parallel_loop3A_674 = arith.index_cast %parallel_loop3A_673 : i32 to index
      %parallel_loop3A_675 = arith.constant 96 : index
      %parallel_loop3A_676 = tpu.vector_load %arg5[%parallel_loop3A_674, %parallel_loop3A_675] {strides = array<i32>} : memref<200x128xi32, #tpu.memory_space<vmem>>, vector<16xi32>,
      %parallel_loop3A_677 = arith.constant 3 : i32
      %parallel_loop3A_678 = arith.addi %parallel_loop3A_488, %parallel_loop3A_677 : i32
      %parallel_loop3A_679 = arith.index_cast %parallel_loop3A_678 : i32 to index
      %parallel_loop3A_680 = arith.constant 96 : index
      %parallel_loop3A_681 = tpu.vector_load %arg5[%parallel_loop3A_679, %parallel_loop3A_680] {strides = array<i32>} : memref<200x128xi32, #tpu.memory_space<vmem>>, vector<16xi32>,
      %parallel_loop3A_682 = tpu.vector_load_idx %arg10[%parallel_loop3A_666] : memref<256xi32, #tpu.memory_space<vmem>>[vector<16xi32>], vector<16xi32>,
      %parallel_loop3A_683 = tpu.vector_load_idx %arg11[%parallel_loop3A_671] : memref<256xi32, #tpu.memory_space<vmem>>[vector<16xi32>], vector<16xi32>,
      %parallel_loop3A_684 = arith.ori %parallel_loop3A_682, %parallel_loop3A_683 : vector<16xi32>
      %parallel_loop3A_685 = tpu.vector_load_idx %arg12[%parallel_loop3A_676] : memref<256xi32, #tpu.memory_space<vmem>>[vector<16xi32>], vector<16xi32>,
      %parallel_loop3A_686 = arith.ori %parallel_loop3A_684, %parallel_loop3A_685 : vector<16xi32>
      %parallel_loop3A_687 = tpu.vector_load_idx %arg13[%parallel_loop3A_681] : memref<256xi32, #tpu.memory_space<vmem>>[vector<16xi32>], vector<16xi32>,
      %parallel_loop3A_688 = arith.ori %parallel_loop3A_686, %parallel_loop3A_687 : vector<16xi32>
      %parallel_loop3A_689 = vector.bitcast %parallel_loop3A_688 : vector<16xi32> to vector<64xi8>
      %parallel_loop3A_690 = arith.constant 96 : i32
      %parallel_loop3A_691 = arith.index_cast %parallel_loop3A_488 : i32 to index
      %parallel_loop3A_692 = arith.index_cast %parallel_loop3A_690 : i32 to index
      %parallel_loop3A_693 = tpu.vector_load %arg7[%parallel_loop3A_691, %parallel_loop3A_692] {strides = array<i32>} : memref<200x128xi8, #tpu.memory_space<vmem>>, vector<64xi8>,
      tpu.vector_store %arg7[%parallel_loop3A_691, %parallel_loop3A_692], %parallel_loop3A_689 {strides = array<i32>} : memref<200x128xi8, #tpu.memory_space<vmem>>, vector<64xi8>,
      %parallel_loop3A_694 = arith.index_cast %parallel_loop3A_488 : i32 to index
      %parallel_loop3A_695 = arith.constant 112 : index
      %parallel_loop3A_696 = tpu.vector_load %arg5[%parallel_loop3A_694, %parallel_loop3A_695] {strides = array<i32>} : memref<200x128xi32, #tpu.memory_space<vmem>>, vector<16xi32>,
      %parallel_loop3A_697 = arith.constant 1 : i32
      %parallel_loop3A_698 = arith.addi %parallel_loop3A_488, %parallel_loop3A_697 : i32
      %parallel_loop3A_699 = arith.index_cast %parallel_loop3A_698 : i32 to index
      %parallel_loop3A_700 = arith.constant 112 : index
      %parallel_loop3A_701 = tpu.vector_load %arg5[%parallel_loop3A_699, %parallel_loop3A_700] {strides = array<i32>} : memref<200x128xi32, #tpu.memory_space<vmem>>, vector<16xi32>,
      %parallel_loop3A_702 = arith.constant 2 : i32
      %parallel_loop3A_703 = arith.addi %parallel_loop3A_488, %parallel_loop3A_702 : i32
      %parallel_loop3A_704 = arith.index_cast %parallel_loop3A_703 : i32 to index
      %parallel_loop3A_705 = arith.constant 112 : index
      %parallel_loop3A_706 = tpu.vector_load %arg5[%parallel_loop3A_704, %parallel_loop3A_705] {strides = array<i32>} : memref<200x128xi32, #tpu.memory_space<vmem>>, vector<16xi32>,
      %parallel_loop3A_707 = arith.constant 3 : i32
      %parallel_loop3A_708 = arith.addi %parallel_loop3A_488, %parallel_loop3A_707 : i32
      %parallel_loop3A_709 = arith.index_cast %parallel_loop3A_708 : i32 to index
      %parallel_loop3A_710 = arith.constant 112 : index
      %parallel_loop3A_711 = tpu.vector_load %arg5[%parallel_loop3A_709, %parallel_loop3A_710] {strides = array<i32>} : memref<200x128xi32, #tpu.memory_space<vmem>>, vector<16xi32>,
      %parallel_loop3A_712 = tpu.vector_load_idx %arg10[%parallel_loop3A_696] : memref<256xi32, #tpu.memory_space<vmem>>[vector<16xi32>], vector<16xi32>,
      %parallel_loop3A_713 = tpu.vector_load_idx %arg11[%parallel_loop3A_701] : memref<256xi32, #tpu.memory_space<vmem>>[vector<16xi32>], vector<16xi32>,
      %parallel_loop3A_714 = arith.ori %parallel_loop3A_712, %parallel_loop3A_713 : vector<16xi32>
      %parallel_loop3A_715 = tpu.vector_load_idx %arg12[%parallel_loop3A_706] : memref<256xi32, #tpu.memory_space<vmem>>[vector<16xi32>], vector<16xi32>,
      %parallel_loop3A_716 = arith.ori %parallel_loop3A_714, %parallel_loop3A_715 : vector<16xi32>
      %parallel_loop3A_717 = tpu.vector_load_idx %arg13[%parallel_loop3A_711] : memref<256xi32, #tpu.memory_space<vmem>>[vector<16xi32>], vector<16xi32>,
      %parallel_loop3A_718 = arith.ori %parallel_loop3A_716, %parallel_loop3A_717 : vector<16xi32>
      %parallel_loop3A_719 = vector.bitcast %parallel_loop3A_718 : vector<16xi32> to vector<64xi8>
      %parallel_loop3A_720 = arith.constant 112 : i32
      %parallel_loop3A_721 = arith.index_cast %parallel_loop3A_488 : i32 to index
      %parallel_loop3A_722 = arith.index_cast %parallel_loop3A_720 : i32 to index
      %parallel_loop3A_723 = tpu.vector_load %arg7[%parallel_loop3A_721, %parallel_loop3A_722] {strides = array<i32>} : memref<200x128xi8, #tpu.memory_space<vmem>>, vector<64xi8>,
      tpu.vector_store %arg7[%parallel_loop3A_721, %parallel_loop3A_722], %parallel_loop3A_719 {strides = array<i32>} : memref<200x128xi8, #tpu.memory_space<vmem>>, vector<64xi8>,
    } {sc.loop_unroll_factor = 2 : i64, sc.parallel_access}
    %mul3A_373 = arith.constant 512 : i32
    %mul3A_374 = arith.muli %add3A, %mul3A_373 : i32
    %add3A_375 = arith.constant 0 : i32
    %add3A_376 = arith.addi %mul3A_374, %add3A_375 : i32
    %dma_start3A_377 = arith.constant 0 : i32
    %dma_start3A_378 = tpu.memref_slice %arg4[%dma_start3A_377, %add3A_376] : memref<200x16384xi8, #tpu.memory_space<hbm>> -> memref<200x128xi8, #tpu.memory_space<hbm>>
    %dma_start3A_379 = arith.constant 0 : i32
    %dma_start3A_380 = tpu.memref_slice %arg4[%dma_start3A_379, %add3A_376] : memref<200x16384xi8, #tpu.memory_space<hbm>> -> memref<200x128xi8, #tpu.memory_space<hbm>>
    tpu.enqueue_dma source(%arg7 : memref<200x128xi8, #tpu.memory_space<vmem>>) target(%dma_start3A_380 : memref<200x128xi8, #tpu.memory_space<hbm>>) target_semaphore(%arg16 : memref<!tpu.dma_semaphore, #tpu.memory_space<semaphore_mem>>)
    %mul3A_381 = arith.constant 512 : i32
    %mul3A_382 = arith.muli %add3A, %mul3A_381 : i32
    %add3A_383 = arith.constant 256 : i32
    %add3A_384 = arith.addi %mul3A_382, %add3A_383 : i32
    %dma_start3A_385 = arith.constant 0 : i32
    %dma_start3A_386 = tpu.memref_slice %arg2[%dma_start3A_385, %add3A_384] : memref<200x16384xi32, #tpu.memory_space<hbm>> -> memref<200x128xi32, #tpu.memory_space<hbm>>
    %dma_start3A_387 = arith.constant 0 : i32
    %dma_start3A_388 = tpu.memref_slice %arg2[%dma_start3A_387, %add3A_384] : memref<200x16384xi32, #tpu.memory_space<hbm>> -> memref<200x128xi32, #tpu.memory_space<hbm>>
    tpu.enqueue_dma source(%dma_start3A_388 : memref<200x128xi32, #tpu.memory_space<hbm>>) target(%arg5 : memref<200x128xi32, #tpu.memory_space<vmem>>) target_semaphore(%arg14 : memref<!tpu.dma_semaphore, #tpu.memory_space<semaphore_mem>>)
    %mul3A_389 = arith.constant 512 : i32
    %mul3A_390 = arith.muli %add3A, %mul3A_389 : i32
    %add3A_391 = arith.constant 128 : i32
    %add3A_392 = arith.addi %mul3A_390, %add3A_391 : i32
    %dma_wait3A_393 = arith.constant 0 : i32
    %dma_wait3A_394 = tpu.memref_slice %arg2[%dma_wait3A_393, %add3A_392] : memref<200x16384xi32, #tpu.memory_space<hbm>> -> memref<200x128xi32, #tpu.memory_space<hbm>>
    %dma_wait3A_395 = arith.constant 0 : i32
    %dma_wait3A_396 = tpu.memref_slice %arg2[%dma_wait3A_395, %add3A_392] : memref<200x16384xi32, #tpu.memory_space<hbm>> -> memref<200x128xi32, #tpu.memory_space<hbm>>
    tpu.wait_dma2 semaphore(%arg15 : memref<!tpu.dma_semaphore, #tpu.memory_space<semaphore_mem>>) src(%dma_wait3A_396 : memref<200x128xi32, #tpu.memory_space<hbm>>) dst(%arg6 : memref<200x128xi32, #tpu.memory_space<vmem>>)
    %parallel_loop3A_397 = arith.constant 0 : i32
    %parallel_loop3A_398 = arith.constant 50 : i32
    %parallel_loop3A_399 = arith.constant 1 : i32
    scf.for %parallel_loop3A_486 = %parallel_loop3A_397 to %parallel_loop3A_398 step %parallel_loop3A_399  : i32 {
      %parallel_loop3A_487 = arith.constant 4 : i32
      %parallel_loop3A_488 = arith.muli %parallel_loop3A_486, %parallel_loop3A_487 : i32
      %parallel_loop3A_489 = arith.index_cast %parallel_loop3A_488 : i32 to index
      %parallel_loop3A_490 = arith.constant 0 : index
      %parallel_loop3A_491 = tpu.vector_load %arg6[%parallel_loop3A_489, %parallel_loop3A_490] {strides = array<i32>} : memref<200x128xi32, #tpu.memory_space<vmem>>, vector<16xi32>,
      %parallel_loop3A_492 = arith.constant 1 : i32
      %parallel_loop3A_493 = arith.addi %parallel_loop3A_488, %parallel_loop3A_492 : i32
      %parallel_loop3A_494 = arith.index_cast %parallel_loop3A_493 : i32 to index
      %parallel_loop3A_495 = arith.constant 0 : index
      %parallel_loop3A_496 = tpu.vector_load %arg6[%parallel_loop3A_494, %parallel_loop3A_495] {strides = array<i32>} : memref<200x128xi32, #tpu.memory_space<vmem>>, vector<16xi32>,
      %parallel_loop3A_497 = arith.constant 2 : i32
      %parallel_loop3A_498 = arith.addi %parallel_loop3A_488, %parallel_loop3A_497 : i32
      %parallel_loop3A_499 = arith.index_cast %parallel_loop3A_498 : i32 to index
      %parallel_loop3A_500 = arith.constant 0 : index
      %parallel_loop3A_501 = tpu.vector_load %arg6[%parallel_loop3A_499, %parallel_loop3A_500] {strides = array<i32>} : memref<200x128xi32, #tpu.memory_space<vmem>>, vector<16xi32>,
      %parallel_loop3A_502 = arith.constant 3 : i32
      %parallel_loop3A_503 = arith.addi %parallel_loop3A_488, %parallel_loop3A_502 : i32
      %parallel_loop3A_504 = arith.index_cast %parallel_loop3A_503 : i32 to index
      %parallel_loop3A_505 = arith.constant 0 : index
      %parallel_loop3A_506 = tpu.vector_load %arg6[%parallel_loop3A_504, %parallel_loop3A_505] {strides = array<i32>} : memref<200x128xi32, #tpu.memory_space<vmem>>, vector<16xi32>,
      %parallel_loop3A_507 = tpu.vector_load_idx %arg10[%parallel_loop3A_491] : memref<256xi32, #tpu.memory_space<vmem>>[vector<16xi32>], vector<16xi32>,
      %parallel_loop3A_508 = tpu.vector_load_idx %arg11[%parallel_loop3A_496] : memref<256xi32, #tpu.memory_space<vmem>>[vector<16xi32>], vector<16xi32>,
      %parallel_loop3A_509 = arith.ori %parallel_loop3A_507, %parallel_loop3A_508 : vector<16xi32>
      %parallel_loop3A_510 = tpu.vector_load_idx %arg12[%parallel_loop3A_501] : memref<256xi32, #tpu.memory_space<vmem>>[vector<16xi32>], vector<16xi32>,
      %parallel_loop3A_511 = arith.ori %parallel_loop3A_509, %parallel_loop3A_510 : vector<16xi32>
      %parallel_loop3A_512 = tpu.vector_load_idx %arg13[%parallel_loop3A_506] : memref<256xi32, #tpu.memory_space<vmem>>[vector<16xi32>], vector<16xi32>,
      %parallel_loop3A_513 = arith.ori %parallel_loop3A_511, %parallel_loop3A_512 : vector<16xi32>
      %parallel_loop3A_514 = vector.bitcast %parallel_loop3A_513 : vector<16xi32> to vector<64xi8>
      %parallel_loop3A_515 = arith.index_cast %parallel_loop3A_488 : i32 to index
      %parallel_loop3A_516 = arith.constant 0 : index
      %parallel_loop3A_517 = tpu.vector_load %arg8[%parallel_loop3A_515, %parallel_loop3A_516] {strides = array<i32>} : memref<200x128xi8, #tpu.memory_space<vmem>>, vector<64xi8>,
      tpu.vector_store %arg8[%parallel_loop3A_515, %parallel_loop3A_516], %parallel_loop3A_514 {strides = array<i32>} : memref<200x128xi8, #tpu.memory_space<vmem>>, vector<64xi8>,
      %parallel_loop3A_518 = arith.index_cast %parallel_loop3A_488 : i32 to index
      %parallel_loop3A_519 = arith.constant 16 : index
      %parallel_loop3A_520 = tpu.vector_load %arg6[%parallel_loop3A_518, %parallel_loop3A_519] {strides = array<i32>} : memref<200x128xi32, #tpu.memory_space<vmem>>, vector<16xi32>,
      %parallel_loop3A_521 = arith.constant 1 : i32
      %parallel_loop3A_522 = arith.addi %parallel_loop3A_488, %parallel_loop3A_521 : i32
      %parallel_loop3A_523 = arith.index_cast %parallel_loop3A_522 : i32 to index
      %parallel_loop3A_524 = arith.constant 16 : index
      %parallel_loop3A_525 = tpu.vector_load %arg6[%parallel_loop3A_523, %parallel_loop3A_524] {strides = array<i32>} : memref<200x128xi32, #tpu.memory_space<vmem>>, vector<16xi32>,
      %parallel_loop3A_526 = arith.constant 2 : i32
      %parallel_loop3A_527 = arith.addi %parallel_loop3A_488, %parallel_loop3A_526 : i32
      %parallel_loop3A_528 = arith.index_cast %parallel_loop3A_527 : i32 to index
      %parallel_loop3A_529 = arith.constant 16 : index
      %parallel_loop3A_530 = tpu.vector_load %arg6[%parallel_loop3A_528, %parallel_loop3A_529] {strides = array<i32>} : memref<200x128xi32, #tpu.memory_space<vmem>>, vector<16xi32>,
      %parallel_loop3A_531 = arith.constant 3 : i32
      %parallel_loop3A_532 = arith.addi %parallel_loop3A_488, %parallel_loop3A_531 : i32
      %parallel_loop3A_533 = arith.index_cast %parallel_loop3A_532 : i32 to index
      %parallel_loop3A_534 = arith.constant 16 : index
      %parallel_loop3A_535 = tpu.vector_load %arg6[%parallel_loop3A_533, %parallel_loop3A_534] {strides = array<i32>} : memref<200x128xi32, #tpu.memory_space<vmem>>, vector<16xi32>,
      %parallel_loop3A_536 = tpu.vector_load_idx %arg10[%parallel_loop3A_520] : memref<256xi32, #tpu.memory_space<vmem>>[vector<16xi32>], vector<16xi32>,
      %parallel_loop3A_537 = tpu.vector_load_idx %arg11[%parallel_loop3A_525] : memref<256xi32, #tpu.memory_space<vmem>>[vector<16xi32>], vector<16xi32>,
      %parallel_loop3A_538 = arith.ori %parallel_loop3A_536, %parallel_loop3A_537 : vector<16xi32>
      %parallel_loop3A_539 = tpu.vector_load_idx %arg12[%parallel_loop3A_530] : memref<256xi32, #tpu.memory_space<vmem>>[vector<16xi32>], vector<16xi32>,
      %parallel_loop3A_540 = arith.ori %parallel_loop3A_538, %parallel_loop3A_539 : vector<16xi32>
      %parallel_loop3A_541 = tpu.vector_load_idx %arg13[%parallel_loop3A_535] : memref<256xi32, #tpu.memory_space<vmem>>[vector<16xi32>], vector<16xi32>,
      %parallel_loop3A_542 = arith.ori %parallel_loop3A_540, %parallel_loop3A_541 : vector<16xi32>
      %parallel_loop3A_543 = vector.bitcast %parallel_loop3A_542 : vector<16xi32> to vector<64xi8>
      %parallel_loop3A_544 = arith.index_cast %parallel_loop3A_488 : i32 to index
      %parallel_loop3A_545 = arith.constant 16 : index
      %parallel_loop3A_546 = tpu.vector_load %arg8[%parallel_loop3A_544, %parallel_loop3A_545] {strides = array<i32>} : memref<200x128xi8, #tpu.memory_space<vmem>>, vector<64xi8>,
      tpu.vector_store %arg8[%parallel_loop3A_544, %parallel_loop3A_545], %parallel_loop3A_543 {strides = array<i32>} : memref<200x128xi8, #tpu.memory_space<vmem>>, vector<64xi8>,
      %parallel_loop3A_547 = arith.index_cast %parallel_loop3A_488 : i32 to index
      %parallel_loop3A_548 = arith.constant 32 : index
      %parallel_loop3A_549 = tpu.vector_load %arg6[%parallel_loop3A_547, %parallel_loop3A_548] {strides = array<i32>} : memref<200x128xi32, #tpu.memory_space<vmem>>, vector<16xi32>,
      %parallel_loop3A_550 = arith.constant 1 : i32
      %parallel_loop3A_551 = arith.addi %parallel_loop3A_488, %parallel_loop3A_550 : i32
      %parallel_loop3A_552 = arith.index_cast %parallel_loop3A_551 : i32 to index
      %parallel_loop3A_553 = arith.constant 32 : index
      %parallel_loop3A_554 = tpu.vector_load %arg6[%parallel_loop3A_552, %parallel_loop3A_553] {strides = array<i32>} : memref<200x128xi32, #tpu.memory_space<vmem>>, vector<16xi32>,
      %parallel_loop3A_555 = arith.constant 2 : i32
      %parallel_loop3A_556 = arith.addi %parallel_loop3A_488, %parallel_loop3A_555 : i32
      %parallel_loop3A_557 = arith.index_cast %parallel_loop3A_556 : i32 to index
      %parallel_loop3A_558 = arith.constant 32 : index
      %parallel_loop3A_559 = tpu.vector_load %arg6[%parallel_loop3A_557, %parallel_loop3A_558] {strides = array<i32>} : memref<200x128xi32, #tpu.memory_space<vmem>>, vector<16xi32>,
      %parallel_loop3A_560 = arith.constant 3 : i32
      %parallel_loop3A_561 = arith.addi %parallel_loop3A_488, %parallel_loop3A_560 : i32
      %parallel_loop3A_562 = arith.index_cast %parallel_loop3A_561 : i32 to index
      %parallel_loop3A_563 = arith.constant 32 : index
      %parallel_loop3A_564 = tpu.vector_load %arg6[%parallel_loop3A_562, %parallel_loop3A_563] {strides = array<i32>} : memref<200x128xi32, #tpu.memory_space<vmem>>, vector<16xi32>,
      %parallel_loop3A_565 = tpu.vector_load_idx %arg10[%parallel_loop3A_549] : memref<256xi32, #tpu.memory_space<vmem>>[vector<16xi32>], vector<16xi32>,
      %parallel_loop3A_566 = tpu.vector_load_idx %arg11[%parallel_loop3A_554] : memref<256xi32, #tpu.memory_space<vmem>>[vector<16xi32>], vector<16xi32>,
      %parallel_loop3A_567 = arith.ori %parallel_loop3A_565, %parallel_loop3A_566 : vector<16xi32>
      %parallel_loop3A_568 = tpu.vector_load_idx %arg12[%parallel_loop3A_559] : memref<256xi32, #tpu.memory_space<vmem>>[vector<16xi32>], vector<16xi32>,
      %parallel_loop3A_569 = arith.ori %parallel_loop3A_567, %parallel_loop3A_568 : vector<16xi32>
      %parallel_loop3A_570 = tpu.vector_load_idx %arg13[%parallel_loop3A_564] : memref<256xi32, #tpu.memory_space<vmem>>[vector<16xi32>], vector<16xi32>,
      %parallel_loop3A_571 = arith.ori %parallel_loop3A_569, %parallel_loop3A_570 : vector<16xi32>
      %parallel_loop3A_572 = vector.bitcast %parallel_loop3A_571 : vector<16xi32> to vector<64xi8>
      %parallel_loop3A_573 = arith.index_cast %parallel_loop3A_488 : i32 to index
      %parallel_loop3A_574 = arith.constant 32 : index
      %parallel_loop3A_575 = tpu.vector_load %arg8[%parallel_loop3A_573, %parallel_loop3A_574] {strides = array<i32>} : memref<200x128xi8, #tpu.memory_space<vmem>>, vector<64xi8>,
      tpu.vector_store %arg8[%parallel_loop3A_573, %parallel_loop3A_574], %parallel_loop3A_572 {strides = array<i32>} : memref<200x128xi8, #tpu.memory_space<vmem>>, vector<64xi8>,
      %parallel_loop3A_576 = arith.index_cast %parallel_loop3A_488 : i32 to index
      %parallel_loop3A_577 = arith.constant 48 : index
      %parallel_loop3A_578 = tpu.vector_load %arg6[%parallel_loop3A_576, %parallel_loop3A_577] {strides = array<i32>} : memref<200x128xi32, #tpu.memory_space<vmem>>, vector<16xi32>,
      %parallel_loop3A_579 = arith.constant 1 : i32
      %parallel_loop3A_580 = arith.addi %parallel_loop3A_488, %parallel_loop3A_579 : i32
      %parallel_loop3A_581 = arith.index_cast %parallel_loop3A_580 : i32 to index
      %parallel_loop3A_582 = arith.constant 48 : index
      %parallel_loop3A_583 = tpu.vector_load %arg6[%parallel_loop3A_581, %parallel_loop3A_582] {strides = array<i32>} : memref<200x128xi32, #tpu.memory_space<vmem>>, vector<16xi32>,
      %parallel_loop3A_584 = arith.constant 2 : i32
      %parallel_loop3A_585 = arith.addi %parallel_loop3A_488, %parallel_loop3A_584 : i32
      %parallel_loop3A_586 = arith.index_cast %parallel_loop3A_585 : i32 to index
      %parallel_loop3A_587 = arith.constant 48 : index
      %parallel_loop3A_588 = tpu.vector_load %arg6[%parallel_loop3A_586, %parallel_loop3A_587] {strides = array<i32>} : memref<200x128xi32, #tpu.memory_space<vmem>>, vector<16xi32>,
      %parallel_loop3A_589 = arith.constant 3 : i32
      %parallel_loop3A_590 = arith.addi %parallel_loop3A_488, %parallel_loop3A_589 : i32
      %parallel_loop3A_591 = arith.index_cast %parallel_loop3A_590 : i32 to index
      %parallel_loop3A_592 = arith.constant 48 : index
      %parallel_loop3A_593 = tpu.vector_load %arg6[%parallel_loop3A_591, %parallel_loop3A_592] {strides = array<i32>} : memref<200x128xi32, #tpu.memory_space<vmem>>, vector<16xi32>,
      %parallel_loop3A_594 = tpu.vector_load_idx %arg10[%parallel_loop3A_578] : memref<256xi32, #tpu.memory_space<vmem>>[vector<16xi32>], vector<16xi32>,
      %parallel_loop3A_595 = tpu.vector_load_idx %arg11[%parallel_loop3A_583] : memref<256xi32, #tpu.memory_space<vmem>>[vector<16xi32>], vector<16xi32>,
      %parallel_loop3A_596 = arith.ori %parallel_loop3A_594, %parallel_loop3A_595 : vector<16xi32>
      %parallel_loop3A_597 = tpu.vector_load_idx %arg12[%parallel_loop3A_588] : memref<256xi32, #tpu.memory_space<vmem>>[vector<16xi32>], vector<16xi32>,
      %parallel_loop3A_598 = arith.ori %parallel_loop3A_596, %parallel_loop3A_597 : vector<16xi32>
      %parallel_loop3A_599 = tpu.vector_load_idx %arg13[%parallel_loop3A_593] : memref<256xi32, #tpu.memory_space<vmem>>[vector<16xi32>], vector<16xi32>,
      %parallel_loop3A_600 = arith.ori %parallel_loop3A_598, %parallel_loop3A_599 : vector<16xi32>
      %parallel_loop3A_601 = vector.bitcast %parallel_loop3A_600 : vector<16xi32> to vector<64xi8>
      %parallel_loop3A_602 = arith.index_cast %parallel_loop3A_488 : i32 to index
      %parallel_loop3A_603 = arith.constant 48 : index
      %parallel_loop3A_604 = tpu.vector_load %arg8[%parallel_loop3A_602, %parallel_loop3A_603] {strides = array<i32>} : memref<200x128xi8, #tpu.memory_space<vmem>>, vector<64xi8>,
      tpu.vector_store %arg8[%parallel_loop3A_602, %parallel_loop3A_603], %parallel_loop3A_601 {strides = array<i32>} : memref<200x128xi8, #tpu.memory_space<vmem>>, vector<64xi8>,
      %parallel_loop3A_605 = arith.index_cast %parallel_loop3A_488 : i32 to index
      %parallel_loop3A_606 = arith.constant 64 : index
      %parallel_loop3A_607 = tpu.vector_load %arg6[%parallel_loop3A_605, %parallel_loop3A_606] {strides = array<i32>} : memref<200x128xi32, #tpu.memory_space<vmem>>, vector<16xi32>,
      %parallel_loop3A_608 = arith.constant 1 : i32
      %parallel_loop3A_609 = arith.addi %parallel_loop3A_488, %parallel_loop3A_608 : i32
      %parallel_loop3A_610 = arith.index_cast %parallel_loop3A_609 : i32 to index
      %parallel_loop3A_611 = arith.constant 64 : index
      %parallel_loop3A_612 = tpu.vector_load %arg6[%parallel_loop3A_610, %parallel_loop3A_611] {strides = array<i32>} : memref<200x128xi32, #tpu.memory_space<vmem>>, vector<16xi32>,
      %parallel_loop3A_613 = arith.constant 2 : i32
      %parallel_loop3A_614 = arith.addi %parallel_loop3A_488, %parallel_loop3A_613 : i32
      %parallel_loop3A_615 = arith.index_cast %parallel_loop3A_614 : i32 to index
      %parallel_loop3A_616 = arith.constant 64 : index
      %parallel_loop3A_617 = tpu.vector_load %arg6[%parallel_loop3A_615, %parallel_loop3A_616] {strides = array<i32>} : memref<200x128xi32, #tpu.memory_space<vmem>>, vector<16xi32>,
      %parallel_loop3A_618 = arith.constant 3 : i32
      %parallel_loop3A_619 = arith.addi %parallel_loop3A_488, %parallel_loop3A_618 : i32
      %parallel_loop3A_620 = arith.index_cast %parallel_loop3A_619 : i32 to index
      %parallel_loop3A_621 = arith.constant 64 : index
      %parallel_loop3A_622 = tpu.vector_load %arg6[%parallel_loop3A_620, %parallel_loop3A_621] {strides = array<i32>} : memref<200x128xi32, #tpu.memory_space<vmem>>, vector<16xi32>,
      %parallel_loop3A_623 = tpu.vector_load_idx %arg10[%parallel_loop3A_607] : memref<256xi32, #tpu.memory_space<vmem>>[vector<16xi32>], vector<16xi32>,
      %parallel_loop3A_624 = tpu.vector_load_idx %arg11[%parallel_loop3A_612] : memref<256xi32, #tpu.memory_space<vmem>>[vector<16xi32>], vector<16xi32>,
      %parallel_loop3A_625 = arith.ori %parallel_loop3A_623, %parallel_loop3A_624 : vector<16xi32>
      %parallel_loop3A_626 = tpu.vector_load_idx %arg12[%parallel_loop3A_617] : memref<256xi32, #tpu.memory_space<vmem>>[vector<16xi32>], vector<16xi32>,
      %parallel_loop3A_627 = arith.ori %parallel_loop3A_625, %parallel_loop3A_626 : vector<16xi32>
      %parallel_loop3A_628 = tpu.vector_load_idx %arg13[%parallel_loop3A_622] : memref<256xi32, #tpu.memory_space<vmem>>[vector<16xi32>], vector<16xi32>,
      %parallel_loop3A_629 = arith.ori %parallel_loop3A_627, %parallel_loop3A_628 : vector<16xi32>
      %parallel_loop3A_630 = vector.bitcast %parallel_loop3A_629 : vector<16xi32> to vector<64xi8>
      %parallel_loop3A_631 = arith.index_cast %parallel_loop3A_488 : i32 to index
      %parallel_loop3A_632 = arith.constant 64 : index
      %parallel_loop3A_633 = tpu.vector_load %arg8[%parallel_loop3A_631, %parallel_loop3A_632] {strides = array<i32>} : memref<200x128xi8, #tpu.memory_space<vmem>>, vector<64xi8>,
      tpu.vector_store %arg8[%parallel_loop3A_631, %parallel_loop3A_632], %parallel_loop3A_630 {strides = array<i32>} : memref<200x128xi8, #tpu.memory_space<vmem>>, vector<64xi8>,
      %parallel_loop3A_634 = arith.index_cast %parallel_loop3A_488 : i32 to index
      %parallel_loop3A_635 = arith.constant 80 : index
      %parallel_loop3A_636 = tpu.vector_load %arg6[%parallel_loop3A_634, %parallel_loop3A_635] {strides = array<i32>} : memref<200x128xi32, #tpu.memory_space<vmem>>, vector<16xi32>,
      %parallel_loop3A_637 = arith.constant 1 : i32
      %parallel_loop3A_638 = arith.addi %parallel_loop3A_488, %parallel_loop3A_637 : i32
      %parallel_loop3A_639 = arith.index_cast %parallel_loop3A_638 : i32 to index
      %parallel_loop3A_640 = arith.constant 80 : index
      %parallel_loop3A_641 = tpu.vector_load %arg6[%parallel_loop3A_639, %parallel_loop3A_640] {strides = array<i32>} : memref<200x128xi32, #tpu.memory_space<vmem>>, vector<16xi32>,
      %parallel_loop3A_642 = arith.constant 2 : i32
      %parallel_loop3A_643 = arith.addi %parallel_loop3A_488, %parallel_loop3A_642 : i32
      %parallel_loop3A_644 = arith.index_cast %parallel_loop3A_643 : i32 to index
      %parallel_loop3A_645 = arith.constant 80 : index
      %parallel_loop3A_646 = tpu.vector_load %arg6[%parallel_loop3A_644, %parallel_loop3A_645] {strides = array<i32>} : memref<200x128xi32, #tpu.memory_space<vmem>>, vector<16xi32>,
      %parallel_loop3A_647 = arith.constant 3 : i32
      %parallel_loop3A_648 = arith.addi %parallel_loop3A_488, %parallel_loop3A_647 : i32
      %parallel_loop3A_649 = arith.index_cast %parallel_loop3A_648 : i32 to index
      %parallel_loop3A_650 = arith.constant 80 : index
      %parallel_loop3A_651 = tpu.vector_load %arg6[%parallel_loop3A_649, %parallel_loop3A_650] {strides = array<i32>} : memref<200x128xi32, #tpu.memory_space<vmem>>, vector<16xi32>,
      %parallel_loop3A_652 = tpu.vector_load_idx %arg10[%parallel_loop3A_636] : memref<256xi32, #tpu.memory_space<vmem>>[vector<16xi32>], vector<16xi32>,
      %parallel_loop3A_653 = tpu.vector_load_idx %arg11[%parallel_loop3A_641] : memref<256xi32, #tpu.memory_space<vmem>>[vector<16xi32>], vector<16xi32>,
      %parallel_loop3A_654 = arith.ori %parallel_loop3A_652, %parallel_loop3A_653 : vector<16xi32>
      %parallel_loop3A_655 = tpu.vector_load_idx %arg12[%parallel_loop3A_646] : memref<256xi32, #tpu.memory_space<vmem>>[vector<16xi32>], vector<16xi32>,
      %parallel_loop3A_656 = arith.ori %parallel_loop3A_654, %parallel_loop3A_655 : vector<16xi32>
      %parallel_loop3A_657 = tpu.vector_load_idx %arg13[%parallel_loop3A_651] : memref<256xi32, #tpu.memory_space<vmem>>[vector<16xi32>], vector<16xi32>,
      %parallel_loop3A_658 = arith.ori %parallel_loop3A_656, %parallel_loop3A_657 : vector<16xi32>
      %parallel_loop3A_659 = vector.bitcast %parallel_loop3A_658 : vector<16xi32> to vector<64xi8>
      %parallel_loop3A_660 = arith.constant 80 : i32
      %parallel_loop3A_661 = arith.index_cast %parallel_loop3A_488 : i32 to index
      %parallel_loop3A_662 = arith.index_cast %parallel_loop3A_660 : i32 to index
      %parallel_loop3A_663 = tpu.vector_load %arg8[%parallel_loop3A_661, %parallel_loop3A_662] {strides = array<i32>} : memref<200x128xi8, #tpu.memory_space<vmem>>, vector<64xi8>,
      tpu.vector_store %arg8[%parallel_loop3A_661, %parallel_loop3A_662], %parallel_loop3A_659 {strides = array<i32>} : memref<200x128xi8, #tpu.memory_space<vmem>>, vector<64xi8>,
      %parallel_loop3A_664 = arith.index_cast %parallel_loop3A_488 : i32 to index
      %parallel_loop3A_665 = arith.constant 96 : index
      %parallel_loop3A_666 = tpu.vector_load %arg6[%parallel_loop3A_664, %parallel_loop3A_665] {strides = array<i32>} : memref<200x128xi32, #tpu.memory_space<vmem>>, vector<16xi32>,
      %parallel_loop3A_667 = arith.constant 1 : i32
      %parallel_loop3A_668 = arith.addi %parallel_loop3A_488, %parallel_loop3A_667 : i32
      %parallel_loop3A_669 = arith.index_cast %parallel_loop3A_668 : i32 to index
      %parallel_loop3A_670 = arith.constant 96 : index
      %parallel_loop3A_671 = tpu.vector_load %arg6[%parallel_loop3A_669, %parallel_loop3A_670] {strides = array<i32>} : memref<200x128xi32, #tpu.memory_space<vmem>>, vector<16xi32>,
      %parallel_loop3A_672 = arith.constant 2 : i32
      %parallel_loop3A_673 = arith.addi %parallel_loop3A_488, %parallel_loop3A_672 : i32
      %parallel_loop3A_674 = arith.index_cast %parallel_loop3A_673 : i32 to index
      %parallel_loop3A_675 = arith.constant 96 : index
      %parallel_loop3A_676 = tpu.vector_load %arg6[%parallel_loop3A_674, %parallel_loop3A_675] {strides = array<i32>} : memref<200x128xi32, #tpu.memory_space<vmem>>, vector<16xi32>,
      %parallel_loop3A_677 = arith.constant 3 : i32
      %parallel_loop3A_678 = arith.addi %parallel_loop3A_488, %parallel_loop3A_677 : i32
      %parallel_loop3A_679 = arith.index_cast %parallel_loop3A_678 : i32 to index
      %parallel_loop3A_680 = arith.constant 96 : index
      %parallel_loop3A_681 = tpu.vector_load %arg6[%parallel_loop3A_679, %parallel_loop3A_680] {strides = array<i32>} : memref<200x128xi32, #tpu.memory_space<vmem>>, vector<16xi32>,
      %parallel_loop3A_682 = tpu.vector_load_idx %arg10[%parallel_loop3A_666] : memref<256xi32, #tpu.memory_space<vmem>>[vector<16xi32>], vector<16xi32>,
      %parallel_loop3A_683 = tpu.vector_load_idx %arg11[%parallel_loop3A_671] : memref<256xi32, #tpu.memory_space<vmem>>[vector<16xi32>], vector<16xi32>,
      %parallel_loop3A_684 = arith.ori %parallel_loop3A_682, %parallel_loop3A_683 : vector<16xi32>
      %parallel_loop3A_685 = tpu.vector_load_idx %arg12[%parallel_loop3A_676] : memref<256xi32, #tpu.memory_space<vmem>>[vector<16xi32>], vector<16xi32>,
      %parallel_loop3A_686 = arith.ori %parallel_loop3A_684, %parallel_loop3A_685 : vector<16xi32>
      %parallel_loop3A_687 = tpu.vector_load_idx %arg13[%parallel_loop3A_681] : memref<256xi32, #tpu.memory_space<vmem>>[vector<16xi32>], vector<16xi32>,
      %parallel_loop3A_688 = arith.ori %parallel_loop3A_686, %parallel_loop3A_687 : vector<16xi32>
      %parallel_loop3A_689 = vector.bitcast %parallel_loop3A_688 : vector<16xi32> to vector<64xi8>
      %parallel_loop3A_690 = arith.constant 96 : i32
      %parallel_loop3A_691 = arith.index_cast %parallel_loop3A_488 : i32 to index
      %parallel_loop3A_692 = arith.index_cast %parallel_loop3A_690 : i32 to index
      %parallel_loop3A_693 = tpu.vector_load %arg8[%parallel_loop3A_691, %parallel_loop3A_692] {strides = array<i32>} : memref<200x128xi8, #tpu.memory_space<vmem>>, vector<64xi8>,
      tpu.vector_store %arg8[%parallel_loop3A_691, %parallel_loop3A_692], %parallel_loop3A_689 {strides = array<i32>} : memref<200x128xi8, #tpu.memory_space<vmem>>, vector<64xi8>,
      %parallel_loop3A_694 = arith.index_cast %parallel_loop3A_488 : i32 to index
      %parallel_loop3A_695 = arith.constant 112 : index
      %parallel_loop3A_696 = tpu.vector_load %arg6[%parallel_loop3A_694, %parallel_loop3A_695] {strides = array<i32>} : memref<200x128xi32, #tpu.memory_space<vmem>>, vector<16xi32>,
      %parallel_loop3A_697 = arith.constant 1 : i32
      %parallel_loop3A_698 = arith.addi %parallel_loop3A_488, %parallel_loop3A_697 : i32
      %parallel_loop3A_699 = arith.index_cast %parallel_loop3A_698 : i32 to index
      %parallel_loop3A_700 = arith.constant 112 : index
      %parallel_loop3A_701 = tpu.vector_load %arg6[%parallel_loop3A_699, %parallel_loop3A_700] {strides = array<i32>} : memref<200x128xi32, #tpu.memory_space<vmem>>, vector<16xi32>,
      %parallel_loop3A_702 = arith.constant 2 : i32
      %parallel_loop3A_703 = arith.addi %parallel_loop3A_488, %parallel_loop3A_702 : i32
      %parallel_loop3A_704 = arith.index_cast %parallel_loop3A_703 : i32 to index
      %parallel_loop3A_705 = arith.constant 112 : index
      %parallel_loop3A_706 = tpu.vector_load %arg6[%parallel_loop3A_704, %parallel_loop3A_705] {strides = array<i32>} : memref<200x128xi32, #tpu.memory_space<vmem>>, vector<16xi32>,
      %parallel_loop3A_707 = arith.constant 3 : i32
      %parallel_loop3A_708 = arith.addi %parallel_loop3A_488, %parallel_loop3A_707 : i32
      %parallel_loop3A_709 = arith.index_cast %parallel_loop3A_708 : i32 to index
      %parallel_loop3A_710 = arith.constant 112 : index
      %parallel_loop3A_711 = tpu.vector_load %arg6[%parallel_loop3A_709, %parallel_loop3A_710] {strides = array<i32>} : memref<200x128xi32, #tpu.memory_space<vmem>>, vector<16xi32>,
      %parallel_loop3A_712 = tpu.vector_load_idx %arg10[%parallel_loop3A_696] : memref<256xi32, #tpu.memory_space<vmem>>[vector<16xi32>], vector<16xi32>,
      %parallel_loop3A_713 = tpu.vector_load_idx %arg11[%parallel_loop3A_701] : memref<256xi32, #tpu.memory_space<vmem>>[vector<16xi32>], vector<16xi32>,
      %parallel_loop3A_714 = arith.ori %parallel_loop3A_712, %parallel_loop3A_713 : vector<16xi32>
      %parallel_loop3A_715 = tpu.vector_load_idx %arg12[%parallel_loop3A_706] : memref<256xi32, #tpu.memory_space<vmem>>[vector<16xi32>], vector<16xi32>,
      %parallel_loop3A_716 = arith.ori %parallel_loop3A_714, %parallel_loop3A_715 : vector<16xi32>
      %parallel_loop3A_717 = tpu.vector_load_idx %arg13[%parallel_loop3A_711] : memref<256xi32, #tpu.memory_space<vmem>>[vector<16xi32>], vector<16xi32>,
      %parallel_loop3A_718 = arith.ori %parallel_loop3A_716, %parallel_loop3A_717 : vector<16xi32>
      %parallel_loop3A_719 = vector.bitcast %parallel_loop3A_718 : vector<16xi32> to vector<64xi8>
      %parallel_loop3A_720 = arith.constant 112 : i32
      %parallel_loop3A_721 = arith.index_cast %parallel_loop3A_488 : i32 to index
      %parallel_loop3A_722 = arith.index_cast %parallel_loop3A_720 : i32 to index
      %parallel_loop3A_723 = tpu.vector_load %arg8[%parallel_loop3A_721, %parallel_loop3A_722] {strides = array<i32>} : memref<200x128xi8, #tpu.memory_space<vmem>>, vector<64xi8>,
      tpu.vector_store %arg8[%parallel_loop3A_721, %parallel_loop3A_722], %parallel_loop3A_719 {strides = array<i32>} : memref<200x128xi8, #tpu.memory_space<vmem>>, vector<64xi8>,
    } {sc.loop_unroll_factor = 2 : i64, sc.parallel_access}
    %mul3A_400 = arith.constant 512 : i32
    %mul3A_401 = arith.muli %add3A, %mul3A_400 : i32
    %add3A_402 = arith.constant 128 : i32
    %add3A_403 = arith.addi %mul3A_401, %add3A_402 : i32
    %dma_start3A_404 = arith.constant 0 : i32
    %dma_start3A_405 = tpu.memref_slice %arg4[%dma_start3A_404, %add3A_403] : memref<200x16384xi8, #tpu.memory_space<hbm>> -> memref<200x128xi8, #tpu.memory_space<hbm>>
    %dma_start3A_406 = arith.constant 0 : i32
    %dma_start3A_407 = tpu.memref_slice %arg4[%dma_start3A_406, %add3A_403] : memref<200x16384xi8, #tpu.memory_space<hbm>> -> memref<200x128xi8, #tpu.memory_space<hbm>>
    tpu.enqueue_dma source(%arg8 : memref<200x128xi8, #tpu.memory_space<vmem>>) target(%dma_start3A_407 : memref<200x128xi8, #tpu.memory_space<hbm>>) target_semaphore(%arg17 : memref<!tpu.dma_semaphore, #tpu.memory_space<semaphore_mem>>)
    %mul3A_408 = arith.constant 512 : i32
    %mul3A_409 = arith.muli %add3A, %mul3A_408 : i32
    %add3A_410 = arith.constant 384 : i32
    %add3A_411 = arith.addi %mul3A_409, %add3A_410 : i32
    %dma_start3A_412 = arith.constant 0 : i32
    %dma_start3A_413 = tpu.memref_slice %arg2[%dma_start3A_412, %add3A_411] : memref<200x16384xi32, #tpu.memory_space<hbm>> -> memref<200x128xi32, #tpu.memory_space<hbm>>
    %dma_start3A_414 = arith.constant 0 : i32
    %dma_start3A_415 = tpu.memref_slice %arg2[%dma_start3A_414, %add3A_411] : memref<200x16384xi32, #tpu.memory_space<hbm>> -> memref<200x128xi32, #tpu.memory_space<hbm>>
    tpu.enqueue_dma source(%dma_start3A_415 : memref<200x128xi32, #tpu.memory_space<hbm>>) target(%arg6 : memref<200x128xi32, #tpu.memory_space<vmem>>) target_semaphore(%arg15 : memref<!tpu.dma_semaphore, #tpu.memory_space<semaphore_mem>>)
    %mul3A_416 = arith.constant 512 : i32
    %mul3A_417 = arith.muli %add3A, %mul3A_416 : i32
    %add3A_418 = arith.constant 256 : i32
    %add3A_419 = arith.addi %mul3A_417, %add3A_418 : i32
    %dma_wait3A_420 = arith.constant 0 : i32
    %dma_wait3A_421 = tpu.memref_slice %arg2[%dma_wait3A_420, %add3A_419] : memref<200x16384xi32, #tpu.memory_space<hbm>> -> memref<200x128xi32, #tpu.memory_space<hbm>>
    %dma_wait3A_422 = arith.constant 0 : i32
    %dma_wait3A_423 = tpu.memref_slice %arg2[%dma_wait3A_422, %add3A_419] : memref<200x16384xi32, #tpu.memory_space<hbm>> -> memref<200x128xi32, #tpu.memory_space<hbm>>
    tpu.wait_dma2 semaphore(%arg14 : memref<!tpu.dma_semaphore, #tpu.memory_space<semaphore_mem>>) src(%dma_wait3A_423 : memref<200x128xi32, #tpu.memory_space<hbm>>) dst(%arg5 : memref<200x128xi32, #tpu.memory_space<vmem>>)
    %mul3A_424 = arith.constant 512 : i32
    %mul3A_425 = arith.muli %add3A, %mul3A_424 : i32
    %add3A_426 = arith.constant 0 : i32
    %add3A_427 = arith.addi %mul3A_425, %add3A_426 : i32
    %dma_wait3A_428 = arith.constant 0 : i32
    %dma_wait3A_429 = tpu.memref_slice %arg4[%dma_wait3A_428, %add3A_427] : memref<200x16384xi8, #tpu.memory_space<hbm>> -> memref<200x128xi8, #tpu.memory_space<hbm>>
    %dma_wait3A_430 = arith.constant 0 : i32
    %dma_wait3A_431 = tpu.memref_slice %arg4[%dma_wait3A_430, %add3A_427] : memref<200x16384xi8, #tpu.memory_space<hbm>> -> memref<200x128xi8, #tpu.memory_space<hbm>>
    tpu.wait_dma2 semaphore(%arg16 : memref<!tpu.dma_semaphore, #tpu.memory_space<semaphore_mem>>) src(%arg7 : memref<200x128xi8, #tpu.memory_space<vmem>>) dst(%dma_wait3A_431 : memref<200x128xi8, #tpu.memory_space<hbm>>)
    %parallel_loop3A_432 = arith.constant 0 : i32
    %parallel_loop3A_433 = arith.constant 50 : i32
    %parallel_loop3A_434 = arith.constant 1 : i32
    scf.for %parallel_loop3A_486 = %parallel_loop3A_432 to %parallel_loop3A_433 step %parallel_loop3A_434  : i32 {
      %parallel_loop3A_487 = arith.constant 4 : i32
      %parallel_loop3A_488 = arith.muli %parallel_loop3A_486, %parallel_loop3A_487 : i32
      %parallel_loop3A_489 = arith.index_cast %parallel_loop3A_488 : i32 to index
      %parallel_loop3A_490 = arith.constant 0 : index
      %parallel_loop3A_491 = tpu.vector_load %arg5[%parallel_loop3A_489, %parallel_loop3A_490] {strides = array<i32>} : memref<200x128xi32, #tpu.memory_space<vmem>>, vector<16xi32>,
      %parallel_loop3A_492 = arith.constant 1 : i32
      %parallel_loop3A_493 = arith.addi %parallel_loop3A_488, %parallel_loop3A_492 : i32
      %parallel_loop3A_494 = arith.index_cast %parallel_loop3A_493 : i32 to index
      %parallel_loop3A_495 = arith.constant 0 : index
      %parallel_loop3A_496 = tpu.vector_load %arg5[%parallel_loop3A_494, %parallel_loop3A_495] {strides = array<i32>} : memref<200x128xi32, #tpu.memory_space<vmem>>, vector<16xi32>,
      %parallel_loop3A_497 = arith.constant 2 : i32
      %parallel_loop3A_498 = arith.addi %parallel_loop3A_488, %parallel_loop3A_497 : i32
      %parallel_loop3A_499 = arith.index_cast %parallel_loop3A_498 : i32 to index
      %parallel_loop3A_500 = arith.constant 0 : index
      %parallel_loop3A_501 = tpu.vector_load %arg5[%parallel_loop3A_499, %parallel_loop3A_500] {strides = array<i32>} : memref<200x128xi32, #tpu.memory_space<vmem>>, vector<16xi32>,
      %parallel_loop3A_502 = arith.constant 3 : i32
      %parallel_loop3A_503 = arith.addi %parallel_loop3A_488, %parallel_loop3A_502 : i32
      %parallel_loop3A_504 = arith.index_cast %parallel_loop3A_503 : i32 to index
      %parallel_loop3A_505 = arith.constant 0 : index
      %parallel_loop3A_506 = tpu.vector_load %arg5[%parallel_loop3A_504, %parallel_loop3A_505] {strides = array<i32>} : memref<200x128xi32, #tpu.memory_space<vmem>>, vector<16xi32>,
      %parallel_loop3A_507 = tpu.vector_load_idx %arg10[%parallel_loop3A_491] : memref<256xi32, #tpu.memory_space<vmem>>[vector<16xi32>], vector<16xi32>,
      %parallel_loop3A_508 = tpu.vector_load_idx %arg11[%parallel_loop3A_496] : memref<256xi32, #tpu.memory_space<vmem>>[vector<16xi32>], vector<16xi32>,
      %parallel_loop3A_509 = arith.ori %parallel_loop3A_507, %parallel_loop3A_508 : vector<16xi32>
      %parallel_loop3A_510 = tpu.vector_load_idx %arg12[%parallel_loop3A_501] : memref<256xi32, #tpu.memory_space<vmem>>[vector<16xi32>], vector<16xi32>,
      %parallel_loop3A_511 = arith.ori %parallel_loop3A_509, %parallel_loop3A_510 : vector<16xi32>
      %parallel_loop3A_512 = tpu.vector_load_idx %arg13[%parallel_loop3A_506] : memref<256xi32, #tpu.memory_space<vmem>>[vector<16xi32>], vector<16xi32>,
      %parallel_loop3A_513 = arith.ori %parallel_loop3A_511, %parallel_loop3A_512 : vector<16xi32>
      %parallel_loop3A_514 = vector.bitcast %parallel_loop3A_513 : vector<16xi32> to vector<64xi8>
      %parallel_loop3A_515 = arith.index_cast %parallel_loop3A_488 : i32 to index
      %parallel_loop3A_516 = arith.constant 0 : index
      %parallel_loop3A_517 = tpu.vector_load %arg7[%parallel_loop3A_515, %parallel_loop3A_516] {strides = array<i32>} : memref<200x128xi8, #tpu.memory_space<vmem>>, vector<64xi8>,
      tpu.vector_store %arg7[%parallel_loop3A_515, %parallel_loop3A_516], %parallel_loop3A_514 {strides = array<i32>} : memref<200x128xi8, #tpu.memory_space<vmem>>, vector<64xi8>,
      %parallel_loop3A_518 = arith.index_cast %parallel_loop3A_488 : i32 to index
      %parallel_loop3A_519 = arith.constant 16 : index
      %parallel_loop3A_520 = tpu.vector_load %arg5[%parallel_loop3A_518, %parallel_loop3A_519] {strides = array<i32>} : memref<200x128xi32, #tpu.memory_space<vmem>>, vector<16xi32>,
      %parallel_loop3A_521 = arith.constant 1 : i32
      %parallel_loop3A_522 = arith.addi %parallel_loop3A_488, %parallel_loop3A_521 : i32
      %parallel_loop3A_523 = arith.index_cast %parallel_loop3A_522 : i32 to index
      %parallel_loop3A_524 = arith.constant 16 : index
      %parallel_loop3A_525 = tpu.vector_load %arg5[%parallel_loop3A_523, %parallel_loop3A_524] {strides = array<i32>} : memref<200x128xi32, #tpu.memory_space<vmem>>, vector<16xi32>,
      %parallel_loop3A_526 = arith.constant 2 : i32
      %parallel_loop3A_527 = arith.addi %parallel_loop3A_488, %parallel_loop3A_526 : i32
      %parallel_loop3A_528 = arith.index_cast %parallel_loop3A_527 : i32 to index
      %parallel_loop3A_529 = arith.constant 16 : index
      %parallel_loop3A_530 = tpu.vector_load %arg5[%parallel_loop3A_528, %parallel_loop3A_529] {strides = array<i32>} : memref<200x128xi32, #tpu.memory_space<vmem>>, vector<16xi32>,
      %parallel_loop3A_531 = arith.constant 3 : i32
      %parallel_loop3A_532 = arith.addi %parallel_loop3A_488, %parallel_loop3A_531 : i32
      %parallel_loop3A_533 = arith.index_cast %parallel_loop3A_532 : i32 to index
      %parallel_loop3A_534 = arith.constant 16 : index
      %parallel_loop3A_535 = tpu.vector_load %arg5[%parallel_loop3A_533, %parallel_loop3A_534] {strides = array<i32>} : memref<200x128xi32, #tpu.memory_space<vmem>>, vector<16xi32>,
      %parallel_loop3A_536 = tpu.vector_load_idx %arg10[%parallel_loop3A_520] : memref<256xi32, #tpu.memory_space<vmem>>[vector<16xi32>], vector<16xi32>,
      %parallel_loop3A_537 = tpu.vector_load_idx %arg11[%parallel_loop3A_525] : memref<256xi32, #tpu.memory_space<vmem>>[vector<16xi32>], vector<16xi32>,
      %parallel_loop3A_538 = arith.ori %parallel_loop3A_536, %parallel_loop3A_537 : vector<16xi32>
      %parallel_loop3A_539 = tpu.vector_load_idx %arg12[%parallel_loop3A_530] : memref<256xi32, #tpu.memory_space<vmem>>[vector<16xi32>], vector<16xi32>,
      %parallel_loop3A_540 = arith.ori %parallel_loop3A_538, %parallel_loop3A_539 : vector<16xi32>
      %parallel_loop3A_541 = tpu.vector_load_idx %arg13[%parallel_loop3A_535] : memref<256xi32, #tpu.memory_space<vmem>>[vector<16xi32>], vector<16xi32>,
      %parallel_loop3A_542 = arith.ori %parallel_loop3A_540, %parallel_loop3A_541 : vector<16xi32>
      %parallel_loop3A_543 = vector.bitcast %parallel_loop3A_542 : vector<16xi32> to vector<64xi8>
      %parallel_loop3A_544 = arith.index_cast %parallel_loop3A_488 : i32 to index
      %parallel_loop3A_545 = arith.constant 16 : index
      %parallel_loop3A_546 = tpu.vector_load %arg7[%parallel_loop3A_544, %parallel_loop3A_545] {strides = array<i32>} : memref<200x128xi8, #tpu.memory_space<vmem>>, vector<64xi8>,
      tpu.vector_store %arg7[%parallel_loop3A_544, %parallel_loop3A_545], %parallel_loop3A_543 {strides = array<i32>} : memref<200x128xi8, #tpu.memory_space<vmem>>, vector<64xi8>,
      %parallel_loop3A_547 = arith.index_cast %parallel_loop3A_488 : i32 to index
      %parallel_loop3A_548 = arith.constant 32 : index
      %parallel_loop3A_549 = tpu.vector_load %arg5[%parallel_loop3A_547, %parallel_loop3A_548] {strides = array<i32>} : memref<200x128xi32, #tpu.memory_space<vmem>>, vector<16xi32>,
      %parallel_loop3A_550 = arith.constant 1 : i32
      %parallel_loop3A_551 = arith.addi %parallel_loop3A_488, %parallel_loop3A_550 : i32
      %parallel_loop3A_552 = arith.index_cast %parallel_loop3A_551 : i32 to index
      %parallel_loop3A_553 = arith.constant 32 : index
      %parallel_loop3A_554 = tpu.vector_load %arg5[%parallel_loop3A_552, %parallel_loop3A_553] {strides = array<i32>} : memref<200x128xi32, #tpu.memory_space<vmem>>, vector<16xi32>,
      %parallel_loop3A_555 = arith.constant 2 : i32
      %parallel_loop3A_556 = arith.addi %parallel_loop3A_488, %parallel_loop3A_555 : i32
      %parallel_loop3A_557 = arith.index_cast %parallel_loop3A_556 : i32 to index
      %parallel_loop3A_558 = arith.constant 32 : index
      %parallel_loop3A_559 = tpu.vector_load %arg5[%parallel_loop3A_557, %parallel_loop3A_558] {strides = array<i32>} : memref<200x128xi32, #tpu.memory_space<vmem>>, vector<16xi32>,
      %parallel_loop3A_560 = arith.constant 3 : i32
      %parallel_loop3A_561 = arith.addi %parallel_loop3A_488, %parallel_loop3A_560 : i32
      %parallel_loop3A_562 = arith.index_cast %parallel_loop3A_561 : i32 to index
      %parallel_loop3A_563 = arith.constant 32 : index
      %parallel_loop3A_564 = tpu.vector_load %arg5[%parallel_loop3A_562, %parallel_loop3A_563] {strides = array<i32>} : memref<200x128xi32, #tpu.memory_space<vmem>>, vector<16xi32>,
      %parallel_loop3A_565 = tpu.vector_load_idx %arg10[%parallel_loop3A_549] : memref<256xi32, #tpu.memory_space<vmem>>[vector<16xi32>], vector<16xi32>,
      %parallel_loop3A_566 = tpu.vector_load_idx %arg11[%parallel_loop3A_554] : memref<256xi32, #tpu.memory_space<vmem>>[vector<16xi32>], vector<16xi32>,
      %parallel_loop3A_567 = arith.ori %parallel_loop3A_565, %parallel_loop3A_566 : vector<16xi32>
      %parallel_loop3A_568 = tpu.vector_load_idx %arg12[%parallel_loop3A_559] : memref<256xi32, #tpu.memory_space<vmem>>[vector<16xi32>], vector<16xi32>,
      %parallel_loop3A_569 = arith.ori %parallel_loop3A_567, %parallel_loop3A_568 : vector<16xi32>
      %parallel_loop3A_570 = tpu.vector_load_idx %arg13[%parallel_loop3A_564] : memref<256xi32, #tpu.memory_space<vmem>>[vector<16xi32>], vector<16xi32>,
      %parallel_loop3A_571 = arith.ori %parallel_loop3A_569, %parallel_loop3A_570 : vector<16xi32>
      %parallel_loop3A_572 = vector.bitcast %parallel_loop3A_571 : vector<16xi32> to vector<64xi8>
      %parallel_loop3A_573 = arith.index_cast %parallel_loop3A_488 : i32 to index
      %parallel_loop3A_574 = arith.constant 32 : index
      %parallel_loop3A_575 = tpu.vector_load %arg7[%parallel_loop3A_573, %parallel_loop3A_574] {strides = array<i32>} : memref<200x128xi8, #tpu.memory_space<vmem>>, vector<64xi8>,
      tpu.vector_store %arg7[%parallel_loop3A_573, %parallel_loop3A_574], %parallel_loop3A_572 {strides = array<i32>} : memref<200x128xi8, #tpu.memory_space<vmem>>, vector<64xi8>,
      %parallel_loop3A_576 = arith.index_cast %parallel_loop3A_488 : i32 to index
      %parallel_loop3A_577 = arith.constant 48 : index
      %parallel_loop3A_578 = tpu.vector_load %arg5[%parallel_loop3A_576, %parallel_loop3A_577] {strides = array<i32>} : memref<200x128xi32, #tpu.memory_space<vmem>>, vector<16xi32>,
      %parallel_loop3A_579 = arith.constant 1 : i32
      %parallel_loop3A_580 = arith.addi %parallel_loop3A_488, %parallel_loop3A_579 : i32
      %parallel_loop3A_581 = arith.index_cast %parallel_loop3A_580 : i32 to index
      %parallel_loop3A_582 = arith.constant 48 : index
      %parallel_loop3A_583 = tpu.vector_load %arg5[%parallel_loop3A_581, %parallel_loop3A_582] {strides = array<i32>} : memref<200x128xi32, #tpu.memory_space<vmem>>, vector<16xi32>,
      %parallel_loop3A_584 = arith.constant 2 : i32
      %parallel_loop3A_585 = arith.addi %parallel_loop3A_488, %parallel_loop3A_584 : i32
      %parallel_loop3A_586 = arith.index_cast %parallel_loop3A_585 : i32 to index
      %parallel_loop3A_587 = arith.constant 48 : index
      %parallel_loop3A_588 = tpu.vector_load %arg5[%parallel_loop3A_586, %parallel_loop3A_587] {strides = array<i32>} : memref<200x128xi32, #tpu.memory_space<vmem>>, vector<16xi32>,
      %parallel_loop3A_589 = arith.constant 3 : i32
      %parallel_loop3A_590 = arith.addi %parallel_loop3A_488, %parallel_loop3A_589 : i32
      %parallel_loop3A_591 = arith.index_cast %parallel_loop3A_590 : i32 to index
      %parallel_loop3A_592 = arith.constant 48 : index
      %parallel_loop3A_593 = tpu.vector_load %arg5[%parallel_loop3A_591, %parallel_loop3A_592] {strides = array<i32>} : memref<200x128xi32, #tpu.memory_space<vmem>>, vector<16xi32>,
      %parallel_loop3A_594 = tpu.vector_load_idx %arg10[%parallel_loop3A_578] : memref<256xi32, #tpu.memory_space<vmem>>[vector<16xi32>], vector<16xi32>,
      %parallel_loop3A_595 = tpu.vector_load_idx %arg11[%parallel_loop3A_583] : memref<256xi32, #tpu.memory_space<vmem>>[vector<16xi32>], vector<16xi32>,
      %parallel_loop3A_596 = arith.ori %parallel_loop3A_594, %parallel_loop3A_595 : vector<16xi32>
      %parallel_loop3A_597 = tpu.vector_load_idx %arg12[%parallel_loop3A_588] : memref<256xi32, #tpu.memory_space<vmem>>[vector<16xi32>], vector<16xi32>,
      %parallel_loop3A_598 = arith.ori %parallel_loop3A_596, %parallel_loop3A_597 : vector<16xi32>
      %parallel_loop3A_599 = tpu.vector_load_idx %arg13[%parallel_loop3A_593] : memref<256xi32, #tpu.memory_space<vmem>>[vector<16xi32>], vector<16xi32>,
      %parallel_loop3A_600 = arith.ori %parallel_loop3A_598, %parallel_loop3A_599 : vector<16xi32>
      %parallel_loop3A_601 = vector.bitcast %parallel_loop3A_600 : vector<16xi32> to vector<64xi8>
      %parallel_loop3A_602 = arith.index_cast %parallel_loop3A_488 : i32 to index
      %parallel_loop3A_603 = arith.constant 48 : index
      %parallel_loop3A_604 = tpu.vector_load %arg7[%parallel_loop3A_602, %parallel_loop3A_603] {strides = array<i32>} : memref<200x128xi8, #tpu.memory_space<vmem>>, vector<64xi8>,
      tpu.vector_store %arg7[%parallel_loop3A_602, %parallel_loop3A_603], %parallel_loop3A_601 {strides = array<i32>} : memref<200x128xi8, #tpu.memory_space<vmem>>, vector<64xi8>,
      %parallel_loop3A_605 = arith.index_cast %parallel_loop3A_488 : i32 to index
      %parallel_loop3A_606 = arith.constant 64 : index
      %parallel_loop3A_607 = tpu.vector_load %arg5[%parallel_loop3A_605, %parallel_loop3A_606] {strides = array<i32>} : memref<200x128xi32, #tpu.memory_space<vmem>>, vector<16xi32>,
      %parallel_loop3A_608 = arith.constant 1 : i32
      %parallel_loop3A_609 = arith.addi %parallel_loop3A_488, %parallel_loop3A_608 : i32
      %parallel_loop3A_610 = arith.index_cast %parallel_loop3A_609 : i32 to index
      %parallel_loop3A_611 = arith.constant 64 : index
      %parallel_loop3A_612 = tpu.vector_load %arg5[%parallel_loop3A_610, %parallel_loop3A_611] {strides = array<i32>} : memref<200x128xi32, #tpu.memory_space<vmem>>, vector<16xi32>,
      %parallel_loop3A_613 = arith.constant 2 : i32
      %parallel_loop3A_614 = arith.addi %parallel_loop3A_488, %parallel_loop3A_613 : i32
      %parallel_loop3A_615 = arith.index_cast %parallel_loop3A_614 : i32 to index
      %parallel_loop3A_616 = arith.constant 64 : index
      %parallel_loop3A_617 = tpu.vector_load %arg5[%parallel_loop3A_615, %parallel_loop3A_616] {strides = array<i32>} : memref<200x128xi32, #tpu.memory_space<vmem>>, vector<16xi32>,
      %parallel_loop3A_618 = arith.constant 3 : i32
      %parallel_loop3A_619 = arith.addi %parallel_loop3A_488, %parallel_loop3A_618 : i32
      %parallel_loop3A_620 = arith.index_cast %parallel_loop3A_619 : i32 to index
      %parallel_loop3A_621 = arith.constant 64 : index
      %parallel_loop3A_622 = tpu.vector_load %arg5[%parallel_loop3A_620, %parallel_loop3A_621] {strides = array<i32>} : memref<200x128xi32, #tpu.memory_space<vmem>>, vector<16xi32>,
      %parallel_loop3A_623 = tpu.vector_load_idx %arg10[%parallel_loop3A_607] : memref<256xi32, #tpu.memory_space<vmem>>[vector<16xi32>], vector<16xi32>,
      %parallel_loop3A_624 = tpu.vector_load_idx %arg11[%parallel_loop3A_612] : memref<256xi32, #tpu.memory_space<vmem>>[vector<16xi32>], vector<16xi32>,
      %parallel_loop3A_625 = arith.ori %parallel_loop3A_623, %parallel_loop3A_624 : vector<16xi32>
      %parallel_loop3A_626 = tpu.vector_load_idx %arg12[%parallel_loop3A_617] : memref<256xi32, #tpu.memory_space<vmem>>[vector<16xi32>], vector<16xi32>,
      %parallel_loop3A_627 = arith.ori %parallel_loop3A_625, %parallel_loop3A_626 : vector<16xi32>
      %parallel_loop3A_628 = tpu.vector_load_idx %arg13[%parallel_loop3A_622] : memref<256xi32, #tpu.memory_space<vmem>>[vector<16xi32>], vector<16xi32>,
      %parallel_loop3A_629 = arith.ori %parallel_loop3A_627, %parallel_loop3A_628 : vector<16xi32>
      %parallel_loop3A_630 = vector.bitcast %parallel_loop3A_629 : vector<16xi32> to vector<64xi8>
      %parallel_loop3A_631 = arith.index_cast %parallel_loop3A_488 : i32 to index
      %parallel_loop3A_632 = arith.constant 64 : index
      %parallel_loop3A_633 = tpu.vector_load %arg7[%parallel_loop3A_631, %parallel_loop3A_632] {strides = array<i32>} : memref<200x128xi8, #tpu.memory_space<vmem>>, vector<64xi8>,
      tpu.vector_store %arg7[%parallel_loop3A_631, %parallel_loop3A_632], %parallel_loop3A_630 {strides = array<i32>} : memref<200x128xi8, #tpu.memory_space<vmem>>, vector<64xi8>,
      %parallel_loop3A_634 = arith.index_cast %parallel_loop3A_488 : i32 to index
      %parallel_loop3A_635 = arith.constant 80 : index
      %parallel_loop3A_636 = tpu.vector_load %arg5[%parallel_loop3A_634, %parallel_loop3A_635] {strides = array<i32>} : memref<200x128xi32, #tpu.memory_space<vmem>>, vector<16xi32>,
      %parallel_loop3A_637 = arith.constant 1 : i32
      %parallel_loop3A_638 = arith.addi %parallel_loop3A_488, %parallel_loop3A_637 : i32
      %parallel_loop3A_639 = arith.index_cast %parallel_loop3A_638 : i32 to index
      %parallel_loop3A_640 = arith.constant 80 : index
      %parallel_loop3A_641 = tpu.vector_load %arg5[%parallel_loop3A_639, %parallel_loop3A_640] {strides = array<i32>} : memref<200x128xi32, #tpu.memory_space<vmem>>, vector<16xi32>,
      %parallel_loop3A_642 = arith.constant 2 : i32
      %parallel_loop3A_643 = arith.addi %parallel_loop3A_488, %parallel_loop3A_642 : i32
      %parallel_loop3A_644 = arith.index_cast %parallel_loop3A_643 : i32 to index
      %parallel_loop3A_645 = arith.constant 80 : index
      %parallel_loop3A_646 = tpu.vector_load %arg5[%parallel_loop3A_644, %parallel_loop3A_645] {strides = array<i32>} : memref<200x128xi32, #tpu.memory_space<vmem>>, vector<16xi32>,
      %parallel_loop3A_647 = arith.constant 3 : i32
      %parallel_loop3A_648 = arith.addi %parallel_loop3A_488, %parallel_loop3A_647 : i32
      %parallel_loop3A_649 = arith.index_cast %parallel_loop3A_648 : i32 to index
      %parallel_loop3A_650 = arith.constant 80 : index
      %parallel_loop3A_651 = tpu.vector_load %arg5[%parallel_loop3A_649, %parallel_loop3A_650] {strides = array<i32>} : memref<200x128xi32, #tpu.memory_space<vmem>>, vector<16xi32>,
      %parallel_loop3A_652 = tpu.vector_load_idx %arg10[%parallel_loop3A_636] : memref<256xi32, #tpu.memory_space<vmem>>[vector<16xi32>], vector<16xi32>,
      %parallel_loop3A_653 = tpu.vector_load_idx %arg11[%parallel_loop3A_641] : memref<256xi32, #tpu.memory_space<vmem>>[vector<16xi32>], vector<16xi32>,
      %parallel_loop3A_654 = arith.ori %parallel_loop3A_652, %parallel_loop3A_653 : vector<16xi32>
      %parallel_loop3A_655 = tpu.vector_load_idx %arg12[%parallel_loop3A_646] : memref<256xi32, #tpu.memory_space<vmem>>[vector<16xi32>], vector<16xi32>,
      %parallel_loop3A_656 = arith.ori %parallel_loop3A_654, %parallel_loop3A_655 : vector<16xi32>
      %parallel_loop3A_657 = tpu.vector_load_idx %arg13[%parallel_loop3A_651] : memref<256xi32, #tpu.memory_space<vmem>>[vector<16xi32>], vector<16xi32>,
      %parallel_loop3A_658 = arith.ori %parallel_loop3A_656, %parallel_loop3A_657 : vector<16xi32>
      %parallel_loop3A_659 = vector.bitcast %parallel_loop3A_658 : vector<16xi32> to vector<64xi8>
      %parallel_loop3A_660 = arith.constant 80 : i32
      %parallel_loop3A_661 = arith.index_cast %parallel_loop3A_488 : i32 to index
      %parallel_loop3A_662 = arith.index_cast %parallel_loop3A_660 : i32 to index
      %parallel_loop3A_663 = tpu.vector_load %arg7[%parallel_loop3A_661, %parallel_loop3A_662] {strides = array<i32>} : memref<200x128xi8, #tpu.memory_space<vmem>>, vector<64xi8>,
      tpu.vector_store %arg7[%parallel_loop3A_661, %parallel_loop3A_662], %parallel_loop3A_659 {strides = array<i32>} : memref<200x128xi8, #tpu.memory_space<vmem>>, vector<64xi8>,
      %parallel_loop3A_664 = arith.index_cast %parallel_loop3A_488 : i32 to index
      %parallel_loop3A_665 = arith.constant 96 : index
      %parallel_loop3A_666 = tpu.vector_load %arg5[%parallel_loop3A_664, %parallel_loop3A_665] {strides = array<i32>} : memref<200x128xi32, #tpu.memory_space<vmem>>, vector<16xi32>,
      %parallel_loop3A_667 = arith.constant 1 : i32
      %parallel_loop3A_668 = arith.addi %parallel_loop3A_488, %parallel_loop3A_667 : i32
      %parallel_loop3A_669 = arith.index_cast %parallel_loop3A_668 : i32 to index
      %parallel_loop3A_670 = arith.constant 96 : index
      %parallel_loop3A_671 = tpu.vector_load %arg5[%parallel_loop3A_669, %parallel_loop3A_670] {strides = array<i32>} : memref<200x128xi32, #tpu.memory_space<vmem>>, vector<16xi32>,
      %parallel_loop3A_672 = arith.constant 2 : i32
      %parallel_loop3A_673 = arith.addi %parallel_loop3A_488, %parallel_loop3A_672 : i32
      %parallel_loop3A_674 = arith.index_cast %parallel_loop3A_673 : i32 to index
      %parallel_loop3A_675 = arith.constant 96 : index
      %parallel_loop3A_676 = tpu.vector_load %arg5[%parallel_loop3A_674, %parallel_loop3A_675] {strides = array<i32>} : memref<200x128xi32, #tpu.memory_space<vmem>>, vector<16xi32>,
      %parallel_loop3A_677 = arith.constant 3 : i32
      %parallel_loop3A_678 = arith.addi %parallel_loop3A_488, %parallel_loop3A_677 : i32
      %parallel_loop3A_679 = arith.index_cast %parallel_loop3A_678 : i32 to index
      %parallel_loop3A_680 = arith.constant 96 : index
      %parallel_loop3A_681 = tpu.vector_load %arg5[%parallel_loop3A_679, %parallel_loop3A_680] {strides = array<i32>} : memref<200x128xi32, #tpu.memory_space<vmem>>, vector<16xi32>,
      %parallel_loop3A_682 = tpu.vector_load_idx %arg10[%parallel_loop3A_666] : memref<256xi32, #tpu.memory_space<vmem>>[vector<16xi32>], vector<16xi32>,
      %parallel_loop3A_683 = tpu.vector_load_idx %arg11[%parallel_loop3A_671] : memref<256xi32, #tpu.memory_space<vmem>>[vector<16xi32>], vector<16xi32>,
      %parallel_loop3A_684 = arith.ori %parallel_loop3A_682, %parallel_loop3A_683 : vector<16xi32>
      %parallel_loop3A_685 = tpu.vector_load_idx %arg12[%parallel_loop3A_676] : memref<256xi32, #tpu.memory_space<vmem>>[vector<16xi32>], vector<16xi32>,
      %parallel_loop3A_686 = arith.ori %parallel_loop3A_684, %parallel_loop3A_685 : vector<16xi32>
      %parallel_loop3A_687 = tpu.vector_load_idx %arg13[%parallel_loop3A_681] : memref<256xi32, #tpu.memory_space<vmem>>[vector<16xi32>], vector<16xi32>,
      %parallel_loop3A_688 = arith.ori %parallel_loop3A_686, %parallel_loop3A_687 : vector<16xi32>
      %parallel_loop3A_689 = vector.bitcast %parallel_loop3A_688 : vector<16xi32> to vector<64xi8>
      %parallel_loop3A_690 = arith.constant 96 : i32
      %parallel_loop3A_691 = arith.index_cast %parallel_loop3A_488 : i32 to index
      %parallel_loop3A_692 = arith.index_cast %parallel_loop3A_690 : i32 to index
      %parallel_loop3A_693 = tpu.vector_load %arg7[%parallel_loop3A_691, %parallel_loop3A_692] {strides = array<i32>} : memref<200x128xi8, #tpu.memory_space<vmem>>, vector<64xi8>,
      tpu.vector_store %arg7[%parallel_loop3A_691, %parallel_loop3A_692], %parallel_loop3A_689 {strides = array<i32>} : memref<200x128xi8, #tpu.memory_space<vmem>>, vector<64xi8>,
      %parallel_loop3A_694 = arith.index_cast %parallel_loop3A_488 : i32 to index
      %parallel_loop3A_695 = arith.constant 112 : index
      %parallel_loop3A_696 = tpu.vector_load %arg5[%parallel_loop3A_694, %parallel_loop3A_695] {strides = array<i32>} : memref<200x128xi32, #tpu.memory_space<vmem>>, vector<16xi32>,
      %parallel_loop3A_697 = arith.constant 1 : i32
      %parallel_loop3A_698 = arith.addi %parallel_loop3A_488, %parallel_loop3A_697 : i32
      %parallel_loop3A_699 = arith.index_cast %parallel_loop3A_698 : i32 to index
      %parallel_loop3A_700 = arith.constant 112 : index
      %parallel_loop3A_701 = tpu.vector_load %arg5[%parallel_loop3A_699, %parallel_loop3A_700] {strides = array<i32>} : memref<200x128xi32, #tpu.memory_space<vmem>>, vector<16xi32>,
      %parallel_loop3A_702 = arith.constant 2 : i32
      %parallel_loop3A_703 = arith.addi %parallel_loop3A_488, %parallel_loop3A_702 : i32
      %parallel_loop3A_704 = arith.index_cast %parallel_loop3A_703 : i32 to index
      %parallel_loop3A_705 = arith.constant 112 : index
      %parallel_loop3A_706 = tpu.vector_load %arg5[%parallel_loop3A_704, %parallel_loop3A_705] {strides = array<i32>} : memref<200x128xi32, #tpu.memory_space<vmem>>, vector<16xi32>,
      %parallel_loop3A_707 = arith.constant 3 : i32
      %parallel_loop3A_708 = arith.addi %parallel_loop3A_488, %parallel_loop3A_707 : i32
      %parallel_loop3A_709 = arith.index_cast %parallel_loop3A_708 : i32 to index
      %parallel_loop3A_710 = arith.constant 112 : index
      %parallel_loop3A_711 = tpu.vector_load %arg5[%parallel_loop3A_709, %parallel_loop3A_710] {strides = array<i32>} : memref<200x128xi32, #tpu.memory_space<vmem>>, vector<16xi32>,
      %parallel_loop3A_712 = tpu.vector_load_idx %arg10[%parallel_loop3A_696] : memref<256xi32, #tpu.memory_space<vmem>>[vector<16xi32>], vector<16xi32>,
      %parallel_loop3A_713 = tpu.vector_load_idx %arg11[%parallel_loop3A_701] : memref<256xi32, #tpu.memory_space<vmem>>[vector<16xi32>], vector<16xi32>,
      %parallel_loop3A_714 = arith.ori %parallel_loop3A_712, %parallel_loop3A_713 : vector<16xi32>
      %parallel_loop3A_715 = tpu.vector_load_idx %arg12[%parallel_loop3A_706] : memref<256xi32, #tpu.memory_space<vmem>>[vector<16xi32>], vector<16xi32>,
      %parallel_loop3A_716 = arith.ori %parallel_loop3A_714, %parallel_loop3A_715 : vector<16xi32>
      %parallel_loop3A_717 = tpu.vector_load_idx %arg13[%parallel_loop3A_711] : memref<256xi32, #tpu.memory_space<vmem>>[vector<16xi32>], vector<16xi32>,
      %parallel_loop3A_718 = arith.ori %parallel_loop3A_716, %parallel_loop3A_717 : vector<16xi32>
      %parallel_loop3A_719 = vector.bitcast %parallel_loop3A_718 : vector<16xi32> to vector<64xi8>
      %parallel_loop3A_720 = arith.constant 112 : i32
      %parallel_loop3A_721 = arith.index_cast %parallel_loop3A_488 : i32 to index
      %parallel_loop3A_722 = arith.index_cast %parallel_loop3A_720 : i32 to index
      %parallel_loop3A_723 = tpu.vector_load %arg7[%parallel_loop3A_721, %parallel_loop3A_722] {strides = array<i32>} : memref<200x128xi8, #tpu.memory_space<vmem>>, vector<64xi8>,
      tpu.vector_store %arg7[%parallel_loop3A_721, %parallel_loop3A_722], %parallel_loop3A_719 {strides = array<i32>} : memref<200x128xi8, #tpu.memory_space<vmem>>, vector<64xi8>,
    } {sc.loop_unroll_factor = 2 : i64, sc.parallel_access}
    %mul3A_435 = arith.constant 512 : i32
    %mul3A_436 = arith.muli %add3A, %mul3A_435 : i32
    %add3A_437 = arith.constant 256 : i32
    %add3A_438 = arith.addi %mul3A_436, %add3A_437 : i32
    %dma_start3A_439 = arith.constant 0 : i32
    %dma_start3A_440 = tpu.memref_slice %arg4[%dma_start3A_439, %add3A_438] : memref<200x16384xi8, #tpu.memory_space<hbm>> -> memref<200x128xi8, #tpu.memory_space<hbm>>
    %dma_start3A_441 = arith.constant 0 : i32
    %dma_start3A_442 = tpu.memref_slice %arg4[%dma_start3A_441, %add3A_438] : memref<200x16384xi8, #tpu.memory_space<hbm>> -> memref<200x128xi8, #tpu.memory_space<hbm>>
    tpu.enqueue_dma source(%arg7 : memref<200x128xi8, #tpu.memory_space<vmem>>) target(%dma_start3A_442 : memref<200x128xi8, #tpu.memory_space<hbm>>) target_semaphore(%arg16 : memref<!tpu.dma_semaphore, #tpu.memory_space<semaphore_mem>>)
    %mul3A_443 = arith.constant 512 : i32
    %mul3A_444 = arith.muli %add3A, %mul3A_443 : i32
    %add3A_445 = arith.constant 384 : i32
    %add3A_446 = arith.addi %mul3A_444, %add3A_445 : i32
    %dma_wait3A_447 = arith.constant 0 : i32
    %dma_wait3A_448 = tpu.memref_slice %arg2[%dma_wait3A_447, %add3A_446] : memref<200x16384xi32, #tpu.memory_space<hbm>> -> memref<200x128xi32, #tpu.memory_space<hbm>>
    %dma_wait3A_449 = arith.constant 0 : i32
    %dma_wait3A_450 = tpu.memref_slice %arg2[%dma_wait3A_449, %add3A_446] : memref<200x16384xi32, #tpu.memory_space<hbm>> -> memref<200x128xi32, #tpu.memory_space<hbm>>
    tpu.wait_dma2 semaphore(%arg15 : memref<!tpu.dma_semaphore, #tpu.memory_space<semaphore_mem>>) src(%dma_wait3A_450 : memref<200x128xi32, #tpu.memory_space<hbm>>) dst(%arg6 : memref<200x128xi32, #tpu.memory_space<vmem>>)
    %mul3A_451 = arith.constant 512 : i32
    %mul3A_452 = arith.muli %add3A, %mul3A_451 : i32
    %add3A_453 = arith.constant 128 : i32
    %add3A_454 = arith.addi %mul3A_452, %add3A_453 : i32
    %dma_wait3A_455 = arith.constant 0 : i32
    %dma_wait3A_456 = tpu.memref_slice %arg4[%dma_wait3A_455, %add3A_454] : memref<200x16384xi8, #tpu.memory_space<hbm>> -> memref<200x128xi8, #tpu.memory_space<hbm>>
    %dma_wait3A_457 = arith.constant 0 : i32
    %dma_wait3A_458 = tpu.memref_slice %arg4[%dma_wait3A_457, %add3A_454] : memref<200x16384xi8, #tpu.memory_space<hbm>> -> memref<200x128xi8, #tpu.memory_space<hbm>>
    tpu.wait_dma2 semaphore(%arg17 : memref<!tpu.dma_semaphore, #tpu.memory_space<semaphore_mem>>) src(%arg8 : memref<200x128xi8, #tpu.memory_space<vmem>>) dst(%dma_wait3A_458 : memref<200x128xi8, #tpu.memory_space<hbm>>)
    %parallel_loop3A_459 = arith.constant 0 : i32
    %parallel_loop3A_460 = arith.constant 50 : i32
    %parallel_loop3A_461 = arith.constant 1 : i32
    scf.for %parallel_loop3A_486 = %parallel_loop3A_459 to %parallel_loop3A_460 step %parallel_loop3A_461  : i32 {
      %parallel_loop3A_487 = arith.constant 4 : i32
      %parallel_loop3A_488 = arith.muli %parallel_loop3A_486, %parallel_loop3A_487 : i32
      %parallel_loop3A_489 = arith.index_cast %parallel_loop3A_488 : i32 to index
      %parallel_loop3A_490 = arith.constant 0 : index
      %parallel_loop3A_491 = tpu.vector_load %arg6[%parallel_loop3A_489, %parallel_loop3A_490] {strides = array<i32>} : memref<200x128xi32, #tpu.memory_space<vmem>>, vector<16xi32>,
      %parallel_loop3A_492 = arith.constant 1 : i32
      %parallel_loop3A_493 = arith.addi %parallel_loop3A_488, %parallel_loop3A_492 : i32
      %parallel_loop3A_494 = arith.index_cast %parallel_loop3A_493 : i32 to index
      %parallel_loop3A_495 = arith.constant 0 : index
      %parallel_loop3A_496 = tpu.vector_load %arg6[%parallel_loop3A_494, %parallel_loop3A_495] {strides = array<i32>} : memref<200x128xi32, #tpu.memory_space<vmem>>, vector<16xi32>,
      %parallel_loop3A_497 = arith.constant 2 : i32
      %parallel_loop3A_498 = arith.addi %parallel_loop3A_488, %parallel_loop3A_497 : i32
      %parallel_loop3A_499 = arith.index_cast %parallel_loop3A_498 : i32 to index
      %parallel_loop3A_500 = arith.constant 0 : index
      %parallel_loop3A_501 = tpu.vector_load %arg6[%parallel_loop3A_499, %parallel_loop3A_500] {strides = array<i32>} : memref<200x128xi32, #tpu.memory_space<vmem>>, vector<16xi32>,
      %parallel_loop3A_502 = arith.constant 3 : i32
      %parallel_loop3A_503 = arith.addi %parallel_loop3A_488, %parallel_loop3A_502 : i32
      %parallel_loop3A_504 = arith.index_cast %parallel_loop3A_503 : i32 to index
      %parallel_loop3A_505 = arith.constant 0 : index
      %parallel_loop3A_506 = tpu.vector_load %arg6[%parallel_loop3A_504, %parallel_loop3A_505] {strides = array<i32>} : memref<200x128xi32, #tpu.memory_space<vmem>>, vector<16xi32>,
      %parallel_loop3A_507 = tpu.vector_load_idx %arg10[%parallel_loop3A_491] : memref<256xi32, #tpu.memory_space<vmem>>[vector<16xi32>], vector<16xi32>,
      %parallel_loop3A_508 = tpu.vector_load_idx %arg11[%parallel_loop3A_496] : memref<256xi32, #tpu.memory_space<vmem>>[vector<16xi32>], vector<16xi32>,
      %parallel_loop3A_509 = arith.ori %parallel_loop3A_507, %parallel_loop3A_508 : vector<16xi32>
      %parallel_loop3A_510 = tpu.vector_load_idx %arg12[%parallel_loop3A_501] : memref<256xi32, #tpu.memory_space<vmem>>[vector<16xi32>], vector<16xi32>,
      %parallel_loop3A_511 = arith.ori %parallel_loop3A_509, %parallel_loop3A_510 : vector<16xi32>
      %parallel_loop3A_512 = tpu.vector_load_idx %arg13[%parallel_loop3A_506] : memref<256xi32, #tpu.memory_space<vmem>>[vector<16xi32>], vector<16xi32>,
      %parallel_loop3A_513 = arith.ori %parallel_loop3A_511, %parallel_loop3A_512 : vector<16xi32>
      %parallel_loop3A_514 = vector.bitcast %parallel_loop3A_513 : vector<16xi32> to vector<64xi8>
      %parallel_loop3A_515 = arith.index_cast %parallel_loop3A_488 : i32 to index
      %parallel_loop3A_516 = arith.constant 0 : index
      %parallel_loop3A_517 = tpu.vector_load %arg8[%parallel_loop3A_515, %parallel_loop3A_516] {strides = array<i32>} : memref<200x128xi8, #tpu.memory_space<vmem>>, vector<64xi8>,
      tpu.vector_store %arg8[%parallel_loop3A_515, %parallel_loop3A_516], %parallel_loop3A_514 {strides = array<i32>} : memref<200x128xi8, #tpu.memory_space<vmem>>, vector<64xi8>,
      %parallel_loop3A_518 = arith.index_cast %parallel_loop3A_488 : i32 to index
      %parallel_loop3A_519 = arith.constant 16 : index
      %parallel_loop3A_520 = tpu.vector_load %arg6[%parallel_loop3A_518, %parallel_loop3A_519] {strides = array<i32>} : memref<200x128xi32, #tpu.memory_space<vmem>>, vector<16xi32>,
      %parallel_loop3A_521 = arith.constant 1 : i32
      %parallel_loop3A_522 = arith.addi %parallel_loop3A_488, %parallel_loop3A_521 : i32
      %parallel_loop3A_523 = arith.index_cast %parallel_loop3A_522 : i32 to index
      %parallel_loop3A_524 = arith.constant 16 : index
      %parallel_loop3A_525 = tpu.vector_load %arg6[%parallel_loop3A_523, %parallel_loop3A_524] {strides = array<i32>} : memref<200x128xi32, #tpu.memory_space<vmem>>, vector<16xi32>,
      %parallel_loop3A_526 = arith.constant 2 : i32
      %parallel_loop3A_527 = arith.addi %parallel_loop3A_488, %parallel_loop3A_526 : i32
      %parallel_loop3A_528 = arith.index_cast %parallel_loop3A_527 : i32 to index
      %parallel_loop3A_529 = arith.constant 16 : index
      %parallel_loop3A_530 = tpu.vector_load %arg6[%parallel_loop3A_528, %parallel_loop3A_529] {strides = array<i32>} : memref<200x128xi32, #tpu.memory_space<vmem>>, vector<16xi32>,
      %parallel_loop3A_531 = arith.constant 3 : i32
      %parallel_loop3A_532 = arith.addi %parallel_loop3A_488, %parallel_loop3A_531 : i32
      %parallel_loop3A_533 = arith.index_cast %parallel_loop3A_532 : i32 to index
      %parallel_loop3A_534 = arith.constant 16 : index
      %parallel_loop3A_535 = tpu.vector_load %arg6[%parallel_loop3A_533, %parallel_loop3A_534] {strides = array<i32>} : memref<200x128xi32, #tpu.memory_space<vmem>>, vector<16xi32>,
      %parallel_loop3A_536 = tpu.vector_load_idx %arg10[%parallel_loop3A_520] : memref<256xi32, #tpu.memory_space<vmem>>[vector<16xi32>], vector<16xi32>,
      %parallel_loop3A_537 = tpu.vector_load_idx %arg11[%parallel_loop3A_525] : memref<256xi32, #tpu.memory_space<vmem>>[vector<16xi32>], vector<16xi32>,
      %parallel_loop3A_538 = arith.ori %parallel_loop3A_536, %parallel_loop3A_537 : vector<16xi32>
      %parallel_loop3A_539 = tpu.vector_load_idx %arg12[%parallel_loop3A_530] : memref<256xi32, #tpu.memory_space<vmem>>[vector<16xi32>], vector<16xi32>,
      %parallel_loop3A_540 = arith.ori %parallel_loop3A_538, %parallel_loop3A_539 : vector<16xi32>
      %parallel_loop3A_541 = tpu.vector_load_idx %arg13[%parallel_loop3A_535] : memref<256xi32, #tpu.memory_space<vmem>>[vector<16xi32>], vector<16xi32>,
      %parallel_loop3A_542 = arith.ori %parallel_loop3A_540, %parallel_loop3A_541 : vector<16xi32>
      %parallel_loop3A_543 = vector.bitcast %parallel_loop3A_542 : vector<16xi32> to vector<64xi8>
      %parallel_loop3A_544 = arith.index_cast %parallel_loop3A_488 : i32 to index
      %parallel_loop3A_545 = arith.constant 16 : index
      %parallel_loop3A_546 = tpu.vector_load %arg8[%parallel_loop3A_544, %parallel_loop3A_545] {strides = array<i32>} : memref<200x128xi8, #tpu.memory_space<vmem>>, vector<64xi8>,
      tpu.vector_store %arg8[%parallel_loop3A_544, %parallel_loop3A_545], %parallel_loop3A_543 {strides = array<i32>} : memref<200x128xi8, #tpu.memory_space<vmem>>, vector<64xi8>,
      %parallel_loop3A_547 = arith.index_cast %parallel_loop3A_488 : i32 to index
      %parallel_loop3A_548 = arith.constant 32 : index
      %parallel_loop3A_549 = tpu.vector_load %arg6[%parallel_loop3A_547, %parallel_loop3A_548] {strides = array<i32>} : memref<200x128xi32, #tpu.memory_space<vmem>>, vector<16xi32>,
      %parallel_loop3A_550 = arith.constant 1 : i32
      %parallel_loop3A_551 = arith.addi %parallel_loop3A_488, %parallel_loop3A_550 : i32
      %parallel_loop3A_552 = arith.index_cast %parallel_loop3A_551 : i32 to index
      %parallel_loop3A_553 = arith.constant 32 : index
      %parallel_loop3A_554 = tpu.vector_load %arg6[%parallel_loop3A_552, %parallel_loop3A_553] {strides = array<i32>} : memref<200x128xi32, #tpu.memory_space<vmem>>, vector<16xi32>,
      %parallel_loop3A_555 = arith.constant 2 : i32
      %parallel_loop3A_556 = arith.addi %parallel_loop3A_488, %parallel_loop3A_555 : i32
      %parallel_loop3A_557 = arith.index_cast %parallel_loop3A_556 : i32 to index
      %parallel_loop3A_558 = arith.constant 32 : index
      %parallel_loop3A_559 = tpu.vector_load %arg6[%parallel_loop3A_557, %parallel_loop3A_558] {strides = array<i32>} : memref<200x128xi32, #tpu.memory_space<vmem>>, vector<16xi32>,
      %parallel_loop3A_560 = arith.constant 3 : i32
      %parallel_loop3A_561 = arith.addi %parallel_loop3A_488, %parallel_loop3A_560 : i32
      %parallel_loop3A_562 = arith.index_cast %parallel_loop3A_561 : i32 to index
      %parallel_loop3A_563 = arith.constant 32 : index
      %parallel_loop3A_564 = tpu.vector_load %arg6[%parallel_loop3A_562, %parallel_loop3A_563] {strides = array<i32>} : memref<200x128xi32, #tpu.memory_space<vmem>>, vector<16xi32>,
      %parallel_loop3A_565 = tpu.vector_load_idx %arg10[%parallel_loop3A_549] : memref<256xi32, #tpu.memory_space<vmem>>[vector<16xi32>], vector<16xi32>,
      %parallel_loop3A_566 = tpu.vector_load_idx %arg11[%parallel_loop3A_554] : memref<256xi32, #tpu.memory_space<vmem>>[vector<16xi32>], vector<16xi32>,
      %parallel_loop3A_567 = arith.ori %parallel_loop3A_565, %parallel_loop3A_566 : vector<16xi32>
      %parallel_loop3A_568 = tpu.vector_load_idx %arg12[%parallel_loop3A_559] : memref<256xi32, #tpu.memory_space<vmem>>[vector<16xi32>], vector<16xi32>,
      %parallel_loop3A_569 = arith.ori %parallel_loop3A_567, %parallel_loop3A_568 : vector<16xi32>
      %parallel_loop3A_570 = tpu.vector_load_idx %arg13[%parallel_loop3A_564] : memref<256xi32, #tpu.memory_space<vmem>>[vector<16xi32>], vector<16xi32>,
      %parallel_loop3A_571 = arith.ori %parallel_loop3A_569, %parallel_loop3A_570 : vector<16xi32>
      %parallel_loop3A_572 = vector.bitcast %parallel_loop3A_571 : vector<16xi32> to vector<64xi8>
      %parallel_loop3A_573 = arith.index_cast %parallel_loop3A_488 : i32 to index
      %parallel_loop3A_574 = arith.constant 32 : index
      %parallel_loop3A_575 = tpu.vector_load %arg8[%parallel_loop3A_573, %parallel_loop3A_574] {strides = array<i32>} : memref<200x128xi8, #tpu.memory_space<vmem>>, vector<64xi8>,
      tpu.vector_store %arg8[%parallel_loop3A_573, %parallel_loop3A_574], %parallel_loop3A_572 {strides = array<i32>} : memref<200x128xi8, #tpu.memory_space<vmem>>, vector<64xi8>,
      %parallel_loop3A_576 = arith.index_cast %parallel_loop3A_488 : i32 to index
      %parallel_loop3A_577 = arith.constant 48 : index
      %parallel_loop3A_578 = tpu.vector_load %arg6[%parallel_loop3A_576, %parallel_loop3A_577] {strides = array<i32>} : memref<200x128xi32, #tpu.memory_space<vmem>>, vector<16xi32>,
      %parallel_loop3A_579 = arith.constant 1 : i32
      %parallel_loop3A_580 = arith.addi %parallel_loop3A_488, %parallel_loop3A_579 : i32
      %parallel_loop3A_581 = arith.index_cast %parallel_loop3A_580 : i32 to index
      %parallel_loop3A_582 = arith.constant 48 : index
      %parallel_loop3A_583 = tpu.vector_load %arg6[%parallel_loop3A_581, %parallel_loop3A_582] {strides = array<i32>} : memref<200x128xi32, #tpu.memory_space<vmem>>, vector<16xi32>,
      %parallel_loop3A_584 = arith.constant 2 : i32
      %parallel_loop3A_585 = arith.addi %parallel_loop3A_488, %parallel_loop3A_584 : i32
      %parallel_loop3A_586 = arith.index_cast %parallel_loop3A_585 : i32 to index
      %parallel_loop3A_587 = arith.constant 48 : index
      %parallel_loop3A_588 = tpu.vector_load %arg6[%parallel_loop3A_586, %parallel_loop3A_587] {strides = array<i32>} : memref<200x128xi32, #tpu.memory_space<vmem>>, vector<16xi32>,
      %parallel_loop3A_589 = arith.constant 3 : i32
      %parallel_loop3A_590 = arith.addi %parallel_loop3A_488, %parallel_loop3A_589 : i32
      %parallel_loop3A_591 = arith.index_cast %parallel_loop3A_590 : i32 to index
      %parallel_loop3A_592 = arith.constant 48 : index
      %parallel_loop3A_593 = tpu.vector_load %arg6[%parallel_loop3A_591, %parallel_loop3A_592] {strides = array<i32>} : memref<200x128xi32, #tpu.memory_space<vmem>>, vector<16xi32>,
      %parallel_loop3A_594 = tpu.vector_load_idx %arg10[%parallel_loop3A_578] : memref<256xi32, #tpu.memory_space<vmem>>[vector<16xi32>], vector<16xi32>,
      %parallel_loop3A_595 = tpu.vector_load_idx %arg11[%parallel_loop3A_583] : memref<256xi32, #tpu.memory_space<vmem>>[vector<16xi32>], vector<16xi32>,
      %parallel_loop3A_596 = arith.ori %parallel_loop3A_594, %parallel_loop3A_595 : vector<16xi32>
      %parallel_loop3A_597 = tpu.vector_load_idx %arg12[%parallel_loop3A_588] : memref<256xi32, #tpu.memory_space<vmem>>[vector<16xi32>], vector<16xi32>,
      %parallel_loop3A_598 = arith.ori %parallel_loop3A_596, %parallel_loop3A_597 : vector<16xi32>
      %parallel_loop3A_599 = tpu.vector_load_idx %arg13[%parallel_loop3A_593] : memref<256xi32, #tpu.memory_space<vmem>>[vector<16xi32>], vector<16xi32>,
      %parallel_loop3A_600 = arith.ori %parallel_loop3A_598, %parallel_loop3A_599 : vector<16xi32>
      %parallel_loop3A_601 = vector.bitcast %parallel_loop3A_600 : vector<16xi32> to vector<64xi8>
      %parallel_loop3A_602 = arith.index_cast %parallel_loop3A_488 : i32 to index
      %parallel_loop3A_603 = arith.constant 48 : index
      %parallel_loop3A_604 = tpu.vector_load %arg8[%parallel_loop3A_602, %parallel_loop3A_603] {strides = array<i32>} : memref<200x128xi8, #tpu.memory_space<vmem>>, vector<64xi8>,
      tpu.vector_store %arg8[%parallel_loop3A_602, %parallel_loop3A_603], %parallel_loop3A_601 {strides = array<i32>} : memref<200x128xi8, #tpu.memory_space<vmem>>, vector<64xi8>,
      %parallel_loop3A_605 = arith.index_cast %parallel_loop3A_488 : i32 to index
      %parallel_loop3A_606 = arith.constant 64 : index
      %parallel_loop3A_607 = tpu.vector_load %arg6[%parallel_loop3A_605, %parallel_loop3A_606] {strides = array<i32>} : memref<200x128xi32, #tpu.memory_space<vmem>>, vector<16xi32>,
      %parallel_loop3A_608 = arith.constant 1 : i32
      %parallel_loop3A_609 = arith.addi %parallel_loop3A_488, %parallel_loop3A_608 : i32
      %parallel_loop3A_610 = arith.index_cast %parallel_loop3A_609 : i32 to index
      %parallel_loop3A_611 = arith.constant 64 : index
      %parallel_loop3A_612 = tpu.vector_load %arg6[%parallel_loop3A_610, %parallel_loop3A_611] {strides = array<i32>} : memref<200x128xi32, #tpu.memory_space<vmem>>, vector<16xi32>,
      %parallel_loop3A_613 = arith.constant 2 : i32
      %parallel_loop3A_614 = arith.addi %parallel_loop3A_488, %parallel_loop3A_613 : i32
      %parallel_loop3A_615 = arith.index_cast %parallel_loop3A_614 : i32 to index
      %parallel_loop3A_616 = arith.constant 64 : index
      %parallel_loop3A_617 = tpu.vector_load %arg6[%parallel_loop3A_615, %parallel_loop3A_616] {strides = array<i32>} : memref<200x128xi32, #tpu.memory_space<vmem>>, vector<16xi32>,
      %parallel_loop3A_618 = arith.constant 3 : i32
      %parallel_loop3A_619 = arith.addi %parallel_loop3A_488, %parallel_loop3A_618 : i32
      %parallel_loop3A_620 = arith.index_cast %parallel_loop3A_619 : i32 to index
      %parallel_loop3A_621 = arith.constant 64 : index
      %parallel_loop3A_622 = tpu.vector_load %arg6[%parallel_loop3A_620, %parallel_loop3A_621] {strides = array<i32>} : memref<200x128xi32, #tpu.memory_space<vmem>>, vector<16xi32>,
      %parallel_loop3A_623 = tpu.vector_load_idx %arg10[%parallel_loop3A_607] : memref<256xi32, #tpu.memory_space<vmem>>[vector<16xi32>], vector<16xi32>,
      %parallel_loop3A_624 = tpu.vector_load_idx %arg11[%parallel_loop3A_612] : memref<256xi32, #tpu.memory_space<vmem>>[vector<16xi32>], vector<16xi32>,
      %parallel_loop3A_625 = arith.ori %parallel_loop3A_623, %parallel_loop3A_624 : vector<16xi32>
      %parallel_loop3A_626 = tpu.vector_load_idx %arg12[%parallel_loop3A_617] : memref<256xi32, #tpu.memory_space<vmem>>[vector<16xi32>], vector<16xi32>,
      %parallel_loop3A_627 = arith.ori %parallel_loop3A_625, %parallel_loop3A_626 : vector<16xi32>
      %parallel_loop3A_628 = tpu.vector_load_idx %arg13[%parallel_loop3A_622] : memref<256xi32, #tpu.memory_space<vmem>>[vector<16xi32>], vector<16xi32>,
      %parallel_loop3A_629 = arith.ori %parallel_loop3A_627, %parallel_loop3A_628 : vector<16xi32>
      %parallel_loop3A_630 = vector.bitcast %parallel_loop3A_629 : vector<16xi32> to vector<64xi8>
      %parallel_loop3A_631 = arith.index_cast %parallel_loop3A_488 : i32 to index
      %parallel_loop3A_632 = arith.constant 64 : index
      %parallel_loop3A_633 = tpu.vector_load %arg8[%parallel_loop3A_631, %parallel_loop3A_632] {strides = array<i32>} : memref<200x128xi8, #tpu.memory_space<vmem>>, vector<64xi8>,
      tpu.vector_store %arg8[%parallel_loop3A_631, %parallel_loop3A_632], %parallel_loop3A_630 {strides = array<i32>} : memref<200x128xi8, #tpu.memory_space<vmem>>, vector<64xi8>,
      %parallel_loop3A_634 = arith.index_cast %parallel_loop3A_488 : i32 to index
      %parallel_loop3A_635 = arith.constant 80 : index
      %parallel_loop3A_636 = tpu.vector_load %arg6[%parallel_loop3A_634, %parallel_loop3A_635] {strides = array<i32>} : memref<200x128xi32, #tpu.memory_space<vmem>>, vector<16xi32>,
      %parallel_loop3A_637 = arith.constant 1 : i32
      %parallel_loop3A_638 = arith.addi %parallel_loop3A_488, %parallel_loop3A_637 : i32
      %parallel_loop3A_639 = arith.index_cast %parallel_loop3A_638 : i32 to index
      %parallel_loop3A_640 = arith.constant 80 : index
      %parallel_loop3A_641 = tpu.vector_load %arg6[%parallel_loop3A_639, %parallel_loop3A_640] {strides = array<i32>} : memref<200x128xi32, #tpu.memory_space<vmem>>, vector<16xi32>,
      %parallel_loop3A_642 = arith.constant 2 : i32
      %parallel_loop3A_643 = arith.addi %parallel_loop3A_488, %parallel_loop3A_642 : i32
      %parallel_loop3A_644 = arith.index_cast %parallel_loop3A_643 : i32 to index
      %parallel_loop3A_645 = arith.constant 80 : index
      %parallel_loop3A_646 = tpu.vector_load %arg6[%parallel_loop3A_644, %parallel_loop3A_645] {strides = array<i32>} : memref<200x128xi32, #tpu.memory_space<vmem>>, vector<16xi32>,
      %parallel_loop3A_647 = arith.constant 3 : i32
      %parallel_loop3A_648 = arith.addi %parallel_loop3A_488, %parallel_loop3A_647 : i32
      %parallel_loop3A_649 = arith.index_cast %parallel_loop3A_648 : i32 to index
      %parallel_loop3A_650 = arith.constant 80 : index
      %parallel_loop3A_651 = tpu.vector_load %arg6[%parallel_loop3A_649, %parallel_loop3A_650] {strides = array<i32>} : memref<200x128xi32, #tpu.memory_space<vmem>>, vector<16xi32>,
      %parallel_loop3A_652 = tpu.vector_load_idx %arg10[%parallel_loop3A_636] : memref<256xi32, #tpu.memory_space<vmem>>[vector<16xi32>], vector<16xi32>,
      %parallel_loop3A_653 = tpu.vector_load_idx %arg11[%parallel_loop3A_641] : memref<256xi32, #tpu.memory_space<vmem>>[vector<16xi32>], vector<16xi32>,
      %parallel_loop3A_654 = arith.ori %parallel_loop3A_652, %parallel_loop3A_653 : vector<16xi32>
      %parallel_loop3A_655 = tpu.vector_load_idx %arg12[%parallel_loop3A_646] : memref<256xi32, #tpu.memory_space<vmem>>[vector<16xi32>], vector<16xi32>,
      %parallel_loop3A_656 = arith.ori %parallel_loop3A_654, %parallel_loop3A_655 : vector<16xi32>
      %parallel_loop3A_657 = tpu.vector_load_idx %arg13[%parallel_loop3A_651] : memref<256xi32, #tpu.memory_space<vmem>>[vector<16xi32>], vector<16xi32>,
      %parallel_loop3A_658 = arith.ori %parallel_loop3A_656, %parallel_loop3A_657 : vector<16xi32>
      %parallel_loop3A_659 = vector.bitcast %parallel_loop3A_658 : vector<16xi32> to vector<64xi8>
      %parallel_loop3A_660 = arith.constant 80 : i32
      %parallel_loop3A_661 = arith.index_cast %parallel_loop3A_488 : i32 to index
      %parallel_loop3A_662 = arith.index_cast %parallel_loop3A_660 : i32 to index
      %parallel_loop3A_663 = tpu.vector_load %arg8[%parallel_loop3A_661, %parallel_loop3A_662] {strides = array<i32>} : memref<200x128xi8, #tpu.memory_space<vmem>>, vector<64xi8>,
      tpu.vector_store %arg8[%parallel_loop3A_661, %parallel_loop3A_662], %parallel_loop3A_659 {strides = array<i32>} : memref<200x128xi8, #tpu.memory_space<vmem>>, vector<64xi8>,
      %parallel_loop3A_664 = arith.index_cast %parallel_loop3A_488 : i32 to index
      %parallel_loop3A_665 = arith.constant 96 : index
      %parallel_loop3A_666 = tpu.vector_load %arg6[%parallel_loop3A_664, %parallel_loop3A_665] {strides = array<i32>} : memref<200x128xi32, #tpu.memory_space<vmem>>, vector<16xi32>,
      %parallel_loop3A_667 = arith.constant 1 : i32
      %parallel_loop3A_668 = arith.addi %parallel_loop3A_488, %parallel_loop3A_667 : i32
      %parallel_loop3A_669 = arith.index_cast %parallel_loop3A_668 : i32 to index
      %parallel_loop3A_670 = arith.constant 96 : index
      %parallel_loop3A_671 = tpu.vector_load %arg6[%parallel_loop3A_669, %parallel_loop3A_670] {strides = array<i32>} : memref<200x128xi32, #tpu.memory_space<vmem>>, vector<16xi32>,
      %parallel_loop3A_672 = arith.constant 2 : i32
      %parallel_loop3A_673 = arith.addi %parallel_loop3A_488, %parallel_loop3A_672 : i32
      %parallel_loop3A_674 = arith.index_cast %parallel_loop3A_673 : i32 to index
      %parallel_loop3A_675 = arith.constant 96 : index
      %parallel_loop3A_676 = tpu.vector_load %arg6[%parallel_loop3A_674, %parallel_loop3A_675] {strides = array<i32>} : memref<200x128xi32, #tpu.memory_space<vmem>>, vector<16xi32>,
      %parallel_loop3A_677 = arith.constant 3 : i32
      %parallel_loop3A_678 = arith.addi %parallel_loop3A_488, %parallel_loop3A_677 : i32
      %parallel_loop3A_679 = arith.index_cast %parallel_loop3A_678 : i32 to index
      %parallel_loop3A_680 = arith.constant 96 : index
      %parallel_loop3A_681 = tpu.vector_load %arg6[%parallel_loop3A_679, %parallel_loop3A_680] {strides = array<i32>} : memref<200x128xi32, #tpu.memory_space<vmem>>, vector<16xi32>,
      %parallel_loop3A_682 = tpu.vector_load_idx %arg10[%parallel_loop3A_666] : memref<256xi32, #tpu.memory_space<vmem>>[vector<16xi32>], vector<16xi32>,
      %parallel_loop3A_683 = tpu.vector_load_idx %arg11[%parallel_loop3A_671] : memref<256xi32, #tpu.memory_space<vmem>>[vector<16xi32>], vector<16xi32>,
      %parallel_loop3A_684 = arith.ori %parallel_loop3A_682, %parallel_loop3A_683 : vector<16xi32>
      %parallel_loop3A_685 = tpu.vector_load_idx %arg12[%parallel_loop3A_676] : memref<256xi32, #tpu.memory_space<vmem>>[vector<16xi32>], vector<16xi32>,
      %parallel_loop3A_686 = arith.ori %parallel_loop3A_684, %parallel_loop3A_685 : vector<16xi32>
      %parallel_loop3A_687 = tpu.vector_load_idx %arg13[%parallel_loop3A_681] : memref<256xi32, #tpu.memory_space<vmem>>[vector<16xi32>], vector<16xi32>,
      %parallel_loop3A_688 = arith.ori %parallel_loop3A_686, %parallel_loop3A_687 : vector<16xi32>
      %parallel_loop3A_689 = vector.bitcast %parallel_loop3A_688 : vector<16xi32> to vector<64xi8>
      %parallel_loop3A_690 = arith.constant 96 : i32
      %parallel_loop3A_691 = arith.index_cast %parallel_loop3A_488 : i32 to index
      %parallel_loop3A_692 = arith.index_cast %parallel_loop3A_690 : i32 to index
      %parallel_loop3A_693 = tpu.vector_load %arg8[%parallel_loop3A_691, %parallel_loop3A_692] {strides = array<i32>} : memref<200x128xi8, #tpu.memory_space<vmem>>, vector<64xi8>,
      tpu.vector_store %arg8[%parallel_loop3A_691, %parallel_loop3A_692], %parallel_loop3A_689 {strides = array<i32>} : memref<200x128xi8, #tpu.memory_space<vmem>>, vector<64xi8>,
      %parallel_loop3A_694 = arith.index_cast %parallel_loop3A_488 : i32 to index
      %parallel_loop3A_695 = arith.constant 112 : index
      %parallel_loop3A_696 = tpu.vector_load %arg6[%parallel_loop3A_694, %parallel_loop3A_695] {strides = array<i32>} : memref<200x128xi32, #tpu.memory_space<vmem>>, vector<16xi32>,
      %parallel_loop3A_697 = arith.constant 1 : i32
      %parallel_loop3A_698 = arith.addi %parallel_loop3A_488, %parallel_loop3A_697 : i32
      %parallel_loop3A_699 = arith.index_cast %parallel_loop3A_698 : i32 to index
      %parallel_loop3A_700 = arith.constant 112 : index
      %parallel_loop3A_701 = tpu.vector_load %arg6[%parallel_loop3A_699, %parallel_loop3A_700] {strides = array<i32>} : memref<200x128xi32, #tpu.memory_space<vmem>>, vector<16xi32>,
      %parallel_loop3A_702 = arith.constant 2 : i32
      %parallel_loop3A_703 = arith.addi %parallel_loop3A_488, %parallel_loop3A_702 : i32
      %parallel_loop3A_704 = arith.index_cast %parallel_loop3A_703 : i32 to index
      %parallel_loop3A_705 = arith.constant 112 : index
      %parallel_loop3A_706 = tpu.vector_load %arg6[%parallel_loop3A_704, %parallel_loop3A_705] {strides = array<i32>} : memref<200x128xi32, #tpu.memory_space<vmem>>, vector<16xi32>,
      %parallel_loop3A_707 = arith.constant 3 : i32
      %parallel_loop3A_708 = arith.addi %parallel_loop3A_488, %parallel_loop3A_707 : i32
      %parallel_loop3A_709 = arith.index_cast %parallel_loop3A_708 : i32 to index
      %parallel_loop3A_710 = arith.constant 112 : index
      %parallel_loop3A_711 = tpu.vector_load %arg6[%parallel_loop3A_709, %parallel_loop3A_710] {strides = array<i32>} : memref<200x128xi32, #tpu.memory_space<vmem>>, vector<16xi32>,
      %parallel_loop3A_712 = tpu.vector_load_idx %arg10[%parallel_loop3A_696] : memref<256xi32, #tpu.memory_space<vmem>>[vector<16xi32>], vector<16xi32>,
      %parallel_loop3A_713 = tpu.vector_load_idx %arg11[%parallel_loop3A_701] : memref<256xi32, #tpu.memory_space<vmem>>[vector<16xi32>], vector<16xi32>,
      %parallel_loop3A_714 = arith.ori %parallel_loop3A_712, %parallel_loop3A_713 : vector<16xi32>
      %parallel_loop3A_715 = tpu.vector_load_idx %arg12[%parallel_loop3A_706] : memref<256xi32, #tpu.memory_space<vmem>>[vector<16xi32>], vector<16xi32>,
      %parallel_loop3A_716 = arith.ori %parallel_loop3A_714, %parallel_loop3A_715 : vector<16xi32>
      %parallel_loop3A_717 = tpu.vector_load_idx %arg13[%parallel_loop3A_711] : memref<256xi32, #tpu.memory_space<vmem>>[vector<16xi32>], vector<16xi32>,
      %parallel_loop3A_718 = arith.ori %parallel_loop3A_716, %parallel_loop3A_717 : vector<16xi32>
      %parallel_loop3A_719 = vector.bitcast %parallel_loop3A_718 : vector<16xi32> to vector<64xi8>
      %parallel_loop3A_720 = arith.constant 112 : i32
      %parallel_loop3A_721 = arith.index_cast %parallel_loop3A_488 : i32 to index
      %parallel_loop3A_722 = arith.index_cast %parallel_loop3A_720 : i32 to index
      %parallel_loop3A_723 = tpu.vector_load %arg8[%parallel_loop3A_721, %parallel_loop3A_722] {strides = array<i32>} : memref<200x128xi8, #tpu.memory_space<vmem>>, vector<64xi8>,
      tpu.vector_store %arg8[%parallel_loop3A_721, %parallel_loop3A_722], %parallel_loop3A_719 {strides = array<i32>} : memref<200x128xi8, #tpu.memory_space<vmem>>, vector<64xi8>,
    } {sc.loop_unroll_factor = 2 : i64, sc.parallel_access}
    %mul3A_462 = arith.constant 512 : i32
    %mul3A_463 = arith.muli %add3A, %mul3A_462 : i32
    %add3A_464 = arith.constant 384 : i32
    %add3A_465 = arith.addi %mul3A_463, %add3A_464 : i32
    %dma_start3A_466 = arith.constant 0 : i32
    %dma_start3A_467 = tpu.memref_slice %arg4[%dma_start3A_466, %add3A_465] : memref<200x16384xi8, #tpu.memory_space<hbm>> -> memref<200x128xi8, #tpu.memory_space<hbm>>
    %dma_start3A_468 = arith.constant 0 : i32
    %dma_start3A_469 = tpu.memref_slice %arg4[%dma_start3A_468, %add3A_465] : memref<200x16384xi8, #tpu.memory_space<hbm>> -> memref<200x128xi8, #tpu.memory_space<hbm>>
    tpu.enqueue_dma source(%arg8 : memref<200x128xi8, #tpu.memory_space<vmem>>) target(%dma_start3A_469 : memref<200x128xi8, #tpu.memory_space<hbm>>) target_semaphore(%arg17 : memref<!tpu.dma_semaphore, #tpu.memory_space<semaphore_mem>>)
    %mul3A_470 = arith.constant 512 : i32
    %mul3A_471 = arith.muli %add3A, %mul3A_470 : i32
    %add3A_472 = arith.constant 256 : i32
    %add3A_473 = arith.addi %mul3A_471, %add3A_472 : i32
    %dma_wait3A_474 = arith.constant 0 : i32
    %dma_wait3A_475 = tpu.memref_slice %arg4[%dma_wait3A_474, %add3A_473] : memref<200x16384xi8, #tpu.memory_space<hbm>> -> memref<200x128xi8, #tpu.memory_space<hbm>>
    %dma_wait3A_476 = arith.constant 0 : i32
    %dma_wait3A_477 = tpu.memref_slice %arg4[%dma_wait3A_476, %add3A_473] : memref<200x16384xi8, #tpu.memory_space<hbm>> -> memref<200x128xi8, #tpu.memory_space<hbm>>
    tpu.wait_dma2 semaphore(%arg16 : memref<!tpu.dma_semaphore, #tpu.memory_space<semaphore_mem>>) src(%arg7 : memref<200x128xi8, #tpu.memory_space<vmem>>) dst(%dma_wait3A_477 : memref<200x128xi8, #tpu.memory_space<hbm>>)
    %mul3A_478 = arith.constant 512 : i32
    %mul3A_479 = arith.muli %add3A, %mul3A_478 : i32
    %add3A_480 = arith.constant 384 : i32
    %add3A_481 = arith.addi %mul3A_479, %add3A_480 : i32
    %dma_wait3A_482 = arith.constant 0 : i32
    %dma_wait3A_483 = tpu.memref_slice %arg4[%dma_wait3A_482, %add3A_481] : memref<200x16384xi8, #tpu.memory_space<hbm>> -> memref<200x128xi8, #tpu.memory_space<hbm>>
    %dma_wait3A_484 = arith.constant 0 : i32
    %dma_wait3A_485 = tpu.memref_slice %arg4[%dma_wait3A_484, %add3A_481] : memref<200x16384xi8, #tpu.memory_space<hbm>> -> memref<200x128xi8, #tpu.memory_space<hbm>>
    tpu.wait_dma2 semaphore(%arg17 : memref<!tpu.dma_semaphore, #tpu.memory_space<semaphore_mem>>) src(%arg8 : memref<200x128xi8, #tpu.memory_space<vmem>>) dst(%dma_wait3A_485 : memref<200x128xi8, #tpu.memory_space<hbm>>)
    return
  }
}

</mosaic_0001>

<sc_bundles>
// kernel: kernel.3.cloned.1.call-start
scs
__scs_entry_jumppad:
0x0: {  	(pc) =	sbr.rel $0x88, $3  }
0x1: {  	(tag) =	ssettag $0x0;
	lr =	simm.s32 $0x1  }
0x2: {  	[smem:$0x3F9F] =	sst lr;
	_ =	strace $0xD0000000  }
0x3: {  	_ = 	snop  }
0x4: {  	_ = 	snop  }
0x5: {  	_ = 	snop  }
0x6: {  	_ = 	snop  }
0x7: {  	_ = 	snop  }
__scs_overlays_trampoline_lowered:
0x8: {  	[smem:$0x3FAE] =	sst s0  }
0x9: {  	[smem:$0x3FAF] =	sst s1  }
0xa: {  	[smem:$0x3FB0] =	sst s2  }
0xb: {  	[smem:$0x3FB1] =	sst s3  }
0xc: {  	[smem:$0x3FB2] =	sst s4  }
0xd: {  	[smem:$0x3FB3] =	sst s5  }
0xe: {  	[smem:$0x3FB4] =	sst s6  }
0xf: {  	[smem:$0x3FB5] =	sst s7  }
0x10: {  	[smem:$0x3FB6] =	sst s8  }
0x11: {  	[smem:$0x3FB7] =	sst s9;
	s0 =	simm.s32 @!p0 $0x0  }
0x12: {  	s1 =	sld [smem:$0x3F9D];
	s0 =	simm.s32 @p0 $0x1  }
0x13: {  	[smem:$0x3FB8] =	sst s0;
	s0 =	simm.s32 @!p1 $0x0  }
0x14: {  	s2 =	sld [smem:$0x3F9C];
	s0 =	simm.s32 @p1 $0x1  }
0x15: {  	[smem:$0x3FB9] =	sst s0;
	s0 =	simm.s32 @!p2 $0x0  }
0x16: {  	s3 =	sld [smem:$0x3FDB];
	s0 =	simm.s32 @p2 $0x1  }
0x17: {  	s4 =	simm.s32 $0x1BF5;
	[smem:$0x3FBB] =	sst s0  }
0x18: {  	s0 =	sld [smem:$0x3F9E];
	_ =	swait.ge [sflag:s4], $0x0  }
0x19: {  	s7 =	sld [smem:$0x3F9F]  }
0x1a: {  	s8 =	sadd.s32 $0xFFFFE003, lr  }
0x1b: {  	s9 =	sadd.s32 $0xFFFFFEF7, lr;
	s5 =	simm.s32 $0xFFFFFFFF;
	p2 =	slt.u32 s8, $0xFFFFF086  }
0x1c: {  	p1 =	slt.u32 s9, $0xF7A;
	s5 =	simm.s32 @!p2 $0x0  }
0x1d: {  	s5 =	simm.s32 @p1 $0x1;
	p0 =	seq.s32 s7, s2  }
0x1e: {  	s7 =	smul.u32 @!p0 $0xF7A, s2;
	p2 =	seq.s32 @!p0 s5, $0x0  }
0x1f: {  	s9 =	smul.u32 $0xF7A, s1;
	s8 =	simm.s32 @!p0 $0x1BF5;
	p2 =	por !p2, p0  }
0x20: {  	[sflag:s8] =	ssyncset.s32 @!p0 $0xFFFFF086;
	s6 =	sadd.s32 @!p0 s3, s7;
	s7 =	simm.s32 @!p0 $0x108  }
0x21: {  	s3 =	sadd.s32 s3, s9;
	s6 =	sadd.s32 @!p0 $0x88, s6;
	s7 =	simm.s32 @p2 $0x1082  }
0x22: {  	[simem:s7], [sflag:s8] =	dma.local @!p0 [hbm:s6], $0xF7A  }
0x23: {  	s9 =	sor.u32 $0xD0000000, s2;
	s6 =	simm.s32 $0x108;
	_ =	swait.ge @!p0 [sflag:s8], $0x0  }
0x24: {  	s3 =	sadd.s32 $0x88, s3;
	s6 =	simm.s32 @!p1 $0x1082;
	[sflag:s4] =	ssyncset.s32 $0xFFFFF086  }
0x25: {  	[simem:s6], [sflag:s4] =	dma.local [hbm:s3], $0xF7A  }
0x26: {  	[smem:$0x3F9F] =	sst s1;
	(tag) =	ssettag s2;
	_ =	strace s9  }
0x27: {  	s1 =	sld [smem:$0x3FAF]  }
0x28: {  	s2 =	sld [smem:$0x3FB0]  }
0x29: {  	s4 =	sld [smem:$0x3FB2]  }
0x2a: {  	p0 =	seq.s32 s5, $0x0;
	s5 =	sld [smem:$0x3FB3]  }
0x2b: {  	s6 =	sld [smem:$0x3FB4]  }
0x2c: {  	s7 =	sld [smem:$0x3FB5]  }
0x2d: {  	s3 =	simm.s32 $0x108;
	s8 =	sld [smem:$0x3FB6]  }
0x2e: {  	s3 =	simm.s32 @!p0 $0x1082;
	s9 =	sld [smem:$0x3FB7]  }
0x2f: {  	lr =	sadd.s32 s0, s3;
	s0 =	sld [smem:$0x3FAE]  }
0x30: {  	s3 =	sld [smem:$0x3FB1]  }
0x31: {  	[smem:$0x3FBA] =	sst s10  }
0x32: {  	s10 =	sld [smem:$0x3FB8];
	_ =	sdelay $0x3  }
0x33: {  	p0 =	seq.s32 s10, $0x1;
	s10 =	sld [smem:$0x3FBA];
	_ =	sdelay $0x3  }
0x34: {  	[smem:$0x3FBA] =	sst s10  }
0x35: {  	s10 =	sld [smem:$0x3FB9];
	_ =	sdelay $0x3  }
0x36: {  	p1 =	seq.s32 s10, $0x1;
	s10 =	sld [smem:$0x3FBA];
	_ =	sdelay $0x3  }
0x37: {  	[smem:$0x3FBA] =	sst s10  }
0x38: {  	s10 =	sld [smem:$0x3FBB]  }
0x39: {  	_ = 	snop;
	(pc) =	sbr.ind lr, $3  }
0x3a: {  	_ = 	snop  }
0x3b: {  	_ = 	snop  }
0x3c: {  	p2 =	seq.s32 s10, $0x1;
	s10 =	sld [smem:$0x3FBA]  }
0x3d: {  	_ =	shalt  }
0x3e: {  	_ =	shalt  }
0x3f: {  	_ =	shalt  }
0x40: {  	_ =	shalt  }
0x41: {  	_ =	shalt  }
0x42: {  	_ =	shalt  }
0x43: {  	_ =	shalt  }
0x44: {  	_ =	shalt  }
0x45: {  	_ =	shalt  }
0x46: {  	_ =	shalt  }
0x47: {  	_ =	shalt  }
0x48: {  	_ =	shalt  }
0x49: {  	_ =	shalt  }
0x4a: {  	_ =	shalt  }
0x4b: {  	_ =	shalt  }
0x4c: {  	_ =	shalt  }
0x4d: {  	_ =	shalt  }
0x4e: {  	_ =	shalt  }
0x4f: {  	_ =	shalt  }
0x50: {  	_ =	shalt  }
0x51: {  	_ =	shalt  }
0x52: {  	_ =	shalt  }
0x53: {  	_ =	shalt  }
0x54: {  	_ =	shalt  }
0x55: {  	_ =	shalt  }
0x56: {  	_ =	shalt  }
0x57: {  	_ =	shalt  }
0x58: {  	_ =	shalt  }
0x59: {  	_ =	shalt  }
0x5a: {  	_ =	shalt  }
0x5b: {  	_ =	shalt  }
0x5c: {  	_ =	shalt  }
0x5d: {  	_ =	shalt  }
0x5e: {  	_ =	shalt  }
0x5f: {  	_ =	shalt  }
0x60: {  	_ =	shalt  }
0x61: {  	_ =	shalt  }
0x62: {  	_ =	shalt  }
0x63: {  	_ =	shalt  }
0x64: {  	_ =	shalt  }
0x65: {  	_ =	shalt  }
0x66: {  	_ =	shalt  }
0x67: {  	_ =	shalt  }
0x68: {  	_ =	shalt  }
0x69: {  	_ =	shalt  }
0x6a: {  	_ =	shalt  }
0x6b: {  	_ =	shalt  }
0x6c: {  	_ =	shalt  }
0x6d: {  	_ =	shalt  }
0x6e: {  	_ =	shalt  }
0x6f: {  	_ =	shalt  }
0x70: {  	_ =	shalt  }
0x71: {  	_ =	shalt  }
0x72: {  	_ =	shalt  }
0x73: {  	_ =	shalt  }
0x74: {  	_ =	shalt  }
0x75: {  	_ =	shalt  }
0x76: {  	_ =	shalt  }
0x77: {  	_ =	shalt  }
0x78: {  	_ =	shalt  }
0x79: {  	_ =	shalt  }
0x7a: {  	_ =	shalt  }
0x7b: {  	_ =	shalt  }
0x7c: {  	_ =	shalt  }
0x7d: {  	_ =	shalt  }
0x7e: {  	_ =	shalt  }
0x7f: {  	_ =	shalt  }
0x80: {  	_ =	shalt  }
0x81: {  	_ =	shalt  }
0x82: {  	_ =	shalt  }
0x83: {  	_ =	shalt  }
0x84: {  	_ =	shalt  }
0x85: {  	_ =	shalt  }
0x86: {  	_ =	shalt  }
0x87: {  	_ =	shalt  }
.Lfunc_end0:
.L_simem_size_0:
called_computation_lowered:
.L_overlay_start_0:
0x88: {  	s2 =	sld [smem:$0x3FD9]  }
0x89: {  	s3 =	sld [smem:$0x3FFE];
	_ =	sdelay $0x1  }
0x8a: {  	s1 =	srdreg.scid  }
0x8b: {  	s0 =	sand.u32 $0x1, s1  }
0x8c: {  	s17 =	sshll.u32 s0, $0xA;
	s2 =	sadd.s32 s3, s2  }
0x8d: {  	s2 =	sadd.s32 s2, s17  }
0x8e: {  	[smem:$0x3FC6] =	sst s2  }
0x8f: {  	_ = 	snop  }
0x90: {  	s2 =	sld [smem:$0x3FC9]  }
0x91: {  	s18 =	sld [smem:$0x3FD0];
	(tm) =	ssettm $0x1  }
0x92: {  	s4 =	sld [smem:$0x3FFB];
	_ =	sdelay $0x3  }
0x93: {  	_ =	strace s4  }
0x94: {  	s4 =	sld [smem:$0x3FFC];
	_ =	sdelay $0x3  }
0x95: {  	_ =	strace s4  }
0x96: {  	s4 =	sld [smem:$0x3FFD];
	_ =	sdelay $0x3  }
0x97: {  	_ =	strace s4  }
0x98: {  	_ =	strace $0x8FFFFFFF  }
0x99: {  	s19 =	sld [smem:$0x3FDB];
	_ =	sdelay $0x1  }
0x9a: {  	s5 =	simm.s32 $_scs_section_size  }
0x9b: {  	s6 =	simm.s32 $_size__tile_overlayer_lowered;
	s7 =	simm.s32 $_tile_overlayer_lowered  }
0x9c: {  	s22 =	simm.s32 $0x1BFF;
	s21 =	sshll.u32 s7, $0x1;
	s4 =	sadd.s32 s5, s19  }
0x9d: {  	s8 =	simm.s32 $0x0;
	s20 =	sshll.u32 s6, $0x1;
	s6 =	sadd.s32 s21, s4  }
0x9e: {  	[timem:s8], [sflag:s22] =	dma.local [hbm:s6], s20  }
0x9f: {  	_ =	swait.ge [sflag:s22], s20  }
0xa0: {  	s5 =	ssub.s32 $0x0, s20;
	[sflag:s22] =	ssyncset.done $0x0  }
0xa1: {  	[sflag:s22] =	ssyncadd.s32 s5;
	_ =	sdelay $0x1  }
0xa2: {  	s23 =	simm.s32 $0x1B8B  }
0xa3: {  	_ =	swait.ge [sflag:s23], $0x1  }
0xa4: {  	[sflag:s23] =	ssyncset.done $0x0  }
0xa5: {  	s25 =	simm.s32 $0x1B8E;
	s24 =	sld [smem:$0x3FFE];
	[sflag:s23] =	ssyncadd.s32 $0xFFFFFFFF  }
0xa6: {  	s26 =	simm.s32 $execute0_lowered;
	[smem:$0x3FD2] =	sst s25  }
0xa7: {  	s6 =	sshll.u32 s26, $0x1;
	_ =	strace $0x80000046;
	[dreg:$0x1] =	wrdreg $0xFFFFFFFF  }
0xa8: {  	s28 =	simm.s32 $_size_execute0_lowered;
	s4 =	sadd.s32 s4, s6;
	[dreg:$0x0] =	wrdreg $0x0  }
0xa9: {  	s6 =	sshll.u32 s28, $0x1;
	[dreg:$0x2] =	wrdreg s4  }
0xaa: {  	[dreg:$0x3] =	wrdreg s6  }
0xab: {  	[dreg:$0x4] =	wrdreg $0xC0  }
0xac: {  	_ =	task [dreg:s8], $0x5FFFF  }
0xad: {  	[dreg:$0x1] =	wrdreg $0xFFFFFFFF  }
0xae: {  	[dreg:$0x0] =	wrdreg $0x60  }
0xaf: {  	[dreg:$0x2] =	wrdreg s2  }
0xb0: {  	[dreg:$0x3] =	wrdreg s24  }
0xb1: {  	[dreg:$0x4] =	wrdreg s18  }
0xb2: {  	[dreg:$0x5] =	wrdreg $0x9  }
0xb3: {  	_ =	task.clear_ibuf [dreg:s8], $0x6FFFF;
	_ =	strace $0x90000046  }
0xb4: {  	s29 =	simm.s32 $0x9;
	_ =	strace $0x80000048  }
0xb5: {  	_ =	swait.ge [sflag:s29], $0x1  }
0xb6: {  	[sflag:s29] =	ssyncadd.s32 $0xFFFFFFFF  }
0xb7: {  	_ =	strace $0x90000048  }
0xb8: {  	_ =	sfence  }
0xb9: {  	s30 =	sld [smem:$0x0];
	_ =	sdelay $0x2  }
0xba: {  	s31 =	sshll.u32 s1, $0xD;
	s1 =	sshrl.u32 s1, $0x2  }
0xbb: {  	s3 =	sand.u32 $0x4000, s31;
	s1 =	sadd.s32 s1, s30  }
0xbc: {  	s0 =	sor.u32 s3, s0;
	s1 =	sshll.u32 s1, $0x11  }
0xbd: {  	s0 =	sor.u32 s1, s0  }
0xbe: {  	s0 =	sadd.s32 $0x8F2B, s0  }
0xbf: {  	[sflag:s0] =	ssyncadd.remote.s32 $0x1  }
0xc0: {  	_ =	sfence.sel $0xFFFF  }
0xc1: {  	[dreg:$0x0] =	wrdreg $0xFFFFFFFF;
	(pc) =	sbr.abs _section_cstart, $3  }
0xc2: {  	[dreg:$0x1] =	wrdreg $0xFFFFFFFF  }
0xc3: {  	_ =	task.clear_ibuf [dreg:s8], $0x2FFFF;
	_ =	strace $0x9FFFFFFF  }
0xc4: {  	(tm) =	ssettm $0x7FFFFFFF  }
0xc5: {  	_ =	shalt  }
tec
execute0_lowered:
.L_overlay_start_1:
0x0: {  	(tag) =	ssettag $0x1  }
0x1: {  	s0 =	rddreg [dreg:$0x0]  }
0x2: {  	s1 =	rddreg [dreg:$0x1]  }
0x3: {  	s11 =	rddreg [dreg:$0x2]  }
0x4: {  	s2 =	srdreg.scid;
	s4 =	stileid.u32  }
0x5: {  	s14 =	simm.s32 $0x5;
	s15 =	simm.s32 $0x400;
	s16 =	simm.s32 $0x20000  }
0x6: {  	s18 =	simm.s32 $0x1;
	s19 =	simm.s32 $0xFB00;
	s20 =	simm.s32 $0xFC00  }
0x7: {  	s21 =	simm.s32 $0xFD00;
	s29 =	simm.s32 $0x3;
	s30 =	simm.s32 $0x4  }
0x8: {  	s31 =	simm.s32 $0x0;
	s3 =	sand.u32 $0x1, s2;
	s2 =	simm.s32 $0x0  }
0x9: {  	s4 =	sshll.u32 s4, $0xA;
	s5 =	sshll.u32 s3, $0x9;
	[smem:$0x7FF] =	sst s2  }
0xa: {  	s6 =	ssub.s32 $0x2, s3;
	s3 =	sadd.s32 $0x400, s1;
	s5 =	sor.u32 s5, s4  }
0xb: {  	_ =	strace $0x80000047;
	s22 =	sshrl.u32 s6, $0x1;
	s7 =	sshll.u32 s5, $0x3  }
0xc: {  	s23 =	ssub.s32 s6, s22;
	s4 =	sadd.s32 s0, s5;
	s9 =	sshrl.u32 s5, $0x2  }
0xd: {  	s22 =	simm.s32 $0xFE00;
	s8 =	sor.u32 $0x400, s7;
	s6 =	sadd.s32 s11, s9  }
0xe: {  	s10 =	sor.u32 $0x800, s7;
	s12 =	sor.u32 $0xC00, s7;
	s24 =	sshrl.u32 s8, $0x3  }
0xf: {  	s25 =	sshrl.u32 s10, $0x3;
	s8 =	sshrl.u32 s8, $0x5;
	s26 =	sshrl.u32 s12, $0x3  }
0x10: {  	s28 =	sshrl.u32 s10, $0x5;
	s12 =	sshrl.u32 s12, $0x5;
	s5 =	sadd.s32 s0, s24  }
0x11: {  	s7 =	sadd.s32 s0, s25;
	s8 =	sadd.s32 s11, s8;
	s9 =	sadd.s32 s0, s26  }
0x12: {  	s10 =	sadd.s32 s11, s28;
	s11 =	sadd.s32 s11, s12;
	s12 =	smax.u32 s23, $0x1  }
0x13: {  	s23 =	simm.s32 $0x100;
	s24 =	simm.s32 $0x8000;
	s26 =	simm.s32 $0x2  }
.LBB2_1:
0x14: {  	s0 =	simm.s32 $0xFA00  }
0x15: {  	[tilespmem:s0], [sflag:$0x5] =	stream.linear.gather [hbm4b:s3+s2], $0x100, $0x38;
	[tilespmem:$0xFF00] =	vst v63  }
0x16: {  	_ =	swait.ge [sflag:s14], $0x100  }
0x17: {  	[sflag:s14] =	ssyncset.done $0x0  }
0x18: {  	[sflag:s14] =	ssyncadd.s32 $0xFFFFFF00  }
0x19: {  	v0 =	vld [tilespmem:$0xFA00];
	_ =	sdelay $0x3  }
0x1a: {  	v1 =	vld [tilespmem:$0xFA10]  }
0x1b: {  	v2 =	vand.u32 $0xFF, v0  }
0x1c: {  	v0 =	vshll.u32 v0, $0x18;
	[tilespmem:$0xFB00] =	vst v2  }
0x1d: {  	v3 =	vshll.u32 v2, $0x8;
	v2 =	vshll.u32 v2, $0x10;
	[tilespmem:$0xFE00] =	vst v0  }
0x1e: {  	[tilespmem:$0xFD00] =	vst v2;
	v2 =	vld [tilespmem:$0xFA20]  }
0x1f: {  	v0 =	vand.u32 $0xFF, v1;
	[tilespmem:$0xFC00] =	vst v3  }
0x20: {  	[tilespmem:$0xFB10] =	vst v0;
	v3 =	vshll.u32 v0, $0x8  }
0x21: {  	v0 =	vshll.u32 v0, $0x10;
	[tilespmem:$0xFC10] =	vst v3  }
0x22: {  	[tilespmem:$0xFD10] =	vst v0;
	v0 =	vshll.u32 v1, $0x18;
	v1 =	vld [tilespmem:$0xFA30]  }
0x23: {  	[tilespmem:$0xFE10] =	vst v0;
	v0 =	vand.u32 $0xFF, v2  }
0x24: {  	[tilespmem:$0xFB20] =	vst v0;
	v3 =	vshll.u32 v0, $0x8  }
0x25: {  	v0 =	vshll.u32 v0, $0x10;
	[tilespmem:$0xFC20] =	vst v3  }
0x26: {  	[tilespmem:$0xFD20] =	vst v0;
	v0 =	vshll.u32 v2, $0x18;
	v2 =	vld [tilespmem:$0xFA40]  }
0x27: {  	[tilespmem:$0xFE20] =	vst v0;
	v0 =	vand.u32 $0xFF, v1  }
0x28: {  	[tilespmem:$0xFB30] =	vst v0;
	v3 =	vshll.u32 v0, $0x8  }
0x29: {  	v0 =	vshll.u32 v0, $0x10;
	[tilespmem:$0xFC30] =	vst v3  }
0x2a: {  	[tilespmem:$0xFD30] =	vst v0;
	v0 =	vshll.u32 v1, $0x18;
	v1 =	vld [tilespmem:$0xFA50]  }
0x2b: {  	[tilespmem:$0xFE30] =	vst v0;
	v0 =	vand.u32 $0xFF, v2  }
0x2c: {  	[tilespmem:$0xFB40] =	vst v0;
	v3 =	vshll.u32 v0, $0x8  }
0x2d: {  	v0 =	vshll.u32 v0, $0x10;
	[tilespmem:$0xFC40] =	vst v3  }
0x2e: {  	[tilespmem:$0xFD40] =	vst v0;
	v0 =	vshll.u32 v2, $0x18;
	v2 =	vld [tilespmem:$0xFA60]  }
0x2f: {  	[tilespmem:$0xFE40] =	vst v0;
	v0 =	vand.u32 $0xFF, v1  }
0x30: {  	[tilespmem:$0xFB50] =	vst v0;
	v3 =	vshll.u32 v0, $0x8  }
0x31: {  	v0 =	vshll.u32 v0, $0x10;
	[tilespmem:$0xFC50] =	vst v3  }
0x32: {  	[tilespmem:$0xFD50] =	vst v0;
	v0 =	vshll.u32 v1, $0x18;
	v1 =	vld [tilespmem:$0xFA70]  }
0x33: {  	[tilespmem:$0xFE50] =	vst v0;
	v0 =	vand.u32 $0xFF, v2  }
0x34: {  	[tilespmem:$0xFB60] =	vst v0;
	v3 =	vshll.u32 v0, $0x8  }
0x35: {  	v0 =	vshll.u32 v0, $0x10;
	[tilespmem:$0xFC60] =	vst v3  }
0x36: {  	[tilespmem:$0xFD60] =	vst v0;
	v0 =	vshll.u32 v2, $0x18;
	v2 =	vld [tilespmem:$0xFA80]  }
0x37: {  	[tilespmem:$0xFE60] =	vst v0;
	v0 =	vand.u32 $0xFF, v1  }
0x38: {  	[tilespmem:$0xFB70] =	vst v0;
	v3 =	vshll.u32 v0, $0x8  }
0x39: {  	v0 =	vshll.u32 v0, $0x10;
	[tilespmem:$0xFC70] =	vst v3  }
0x3a: {  	[tilespmem:$0xFD70] =	vst v0;
	v0 =	vshll.u32 v1, $0x18;
	v1 =	vld [tilespmem:$0xFA90]  }
0x3b: {  	[tilespmem:$0xFE70] =	vst v0;
	v0 =	vand.u32 $0xFF, v2  }
0x3c: {  	[tilespmem:$0xFB80] =	vst v0;
	v3 =	vshll.u32 v0, $0x8  }
0x3d: {  	v0 =	vshll.u32 v0, $0x10;
	[tilespmem:$0xFC80] =	vst v3  }
0x3e: {  	[tilespmem:$0xFD80] =	vst v0;
	v0 =	vshll.u32 v2, $0x18;
	v2 =	vld [tilespmem:$0xFAA0]  }
0x3f: {  	[tilespmem:$0xFE80] =	vst v0;
	v0 =	vand.u32 $0xFF, v1  }
0x40: {  	[tilespmem:$0xFB90] =	vst v0;
	v3 =	vshll.u32 v0, $0x8  }
0x41: {  	v0 =	vshll.u32 v0, $0x10;
	[tilespmem:$0xFC90] =	vst v3  }
0x42: {  	[tilespmem:$0xFD90] =	vst v0;
	v0 =	vshll.u32 v1, $0x18;
	v1 =	vld [tilespmem:$0xFAB0]  }
0x43: {  	[tilespmem:$0xFE90] =	vst v0;
	v0 =	vand.u32 $0xFF, v2  }
0x44: {  	[tilespmem:$0xFBA0] =	vst v0;
	v3 =	vshll.u32 v0, $0x8  }
0x45: {  	v0 =	vshll.u32 v0, $0x10;
	[tilespmem:$0xFCA0] =	vst v3  }
0x46: {  	[tilespmem:$0xFDA0] =	vst v0;
	v0 =	vshll.u32 v2, $0x18;
	v2 =	vld [tilespmem:$0xFAC0]  }
0x47: {  	[tilespmem:$0xFEA0] =	vst v0;
	v0 =	vand.u32 $0xFF, v1  }
0x48: {  	[tilespmem:$0xFBB0] =	vst v0;
	v3 =	vshll.u32 v0, $0x8  }
0x49: {  	v0 =	vshll.u32 v0, $0x10;
	[tilespmem:$0xFCB0] =	vst v3  }
0x4a: {  	[tilespmem:$0xFDB0] =	vst v0;
	v0 =	vshll.u32 v1, $0x18;
	v1 =	vld [tilespmem:$0xFAD0]  }
0x4b: {  	[tilespmem:$0xFEB0] =	vst v0;
	v0 =	vand.u32 $0xFF, v2  }
0x4c: {  	[tilespmem:$0xFBC0] =	vst v0;
	v3 =	vshll.u32 v0, $0x8  }
0x4d: {  	v0 =	vshll.u32 v0, $0x10;
	[tilespmem:$0xFCC0] =	vst v3  }
0x4e: {  	[tilespmem:$0xFDC0] =	vst v0;
	v0 =	vshll.u32 v2, $0x18;
	v2 =	vld [tilespmem:$0xFAE0]  }
0x4f: {  	[tilespmem:$0xFEC0] =	vst v0;
	v0 =	vand.u32 $0xFF, v1  }
0x50: {  	[tilespmem:$0xFBD0] =	vst v0;
	v3 =	vshll.u32 v0, $0x8  }
0x51: {  	v0 =	vshll.u32 v0, $0x10;
	[tilespmem:$0xFCD0] =	vst v3  }
0x52: {  	[tilespmem:$0xFDD0] =	vst v0;
	v0 =	vshll.u32 v1, $0x18;
	v1 =	vld [tilespmem:$0xFAF0]  }
0x53: {  	[tilespmem:$0xFED0] =	vst v0;
	v0 =	vand.u32 $0xFF, v2  }
0x54: {  	[tilespmem:$0xFBE0] =	vst v0;
	v3 =	vshll.u32 v0, $0x8  }
0x55: {  	v0 =	vshll.u32 v0, $0x10;
	[tilespmem:$0xFCE0] =	vst v3  }
0x56: {  	[tilespmem:$0xFDE0] =	vst v0;
	v0 =	vshll.u32 v2, $0x18  }
0x57: {  	[tilespmem:$0xFEE0] =	vst v0;
	v0 =	vand.u32 $0xFF, v1  }
0x58: {  	[tilespmem:$0xFBF0] =	vst v0;
	v2 =	vshll.u32 v0, $0x8  }
0x59: {  	v0 =	vshll.u32 v0, $0x10;
	[tilespmem:$0xFCF0] =	vst v2  }
0x5a: {  	[tilespmem:$0xFDF0] =	vst v0;
	v0 =	vshll.u32 v1, $0x18  }
0x5b: {  	[tilespmem:$0xFEF0] =	vst v0  }
0x5c: {  	[tilespmem:s2], [sflag:$0x1] =	stream.strided.gather [hbm4b:s4+s15], $0x6400, s16, s15, $0x38;
	[tilespmem:$0xFF00] =	vst v63  }
0x5d: {  	s25 =	simm.s32 $0x6400  }
0x5e: {  	[tilespmem:s25], [sflag:$0x2] =	stream.strided.gather [hbm4b:s5+s15], $0x6400, s16, s15, $0x38;
	[tilespmem:$0xFF00] =	vst v63  }
0x5f: {  	_ =	swait.ge [sflag:s18], $0x6400  }
0x60: {  	[sflag:s18] =	ssyncset.done $0x0  }
0x61: {  	s17 =	simm.s32 $0x200;
	[sflag:s18] =	ssyncadd.s32 $0xFFFF9C00  }
0x62: {  	v0 =	vld [tilespmem:s17+$0x0]  }
0x63: {  	v1 =	vld [tilespmem:s17+$0x80]  }
0x64: {  	v2 =	vld [tilespmem:s17+$0x100]  }
0x65: {  	v3 =	vld [tilespmem:s17+$0x180];
	_ =	sdelay $0x4  }
0x66: {  	v0 =	vld.idx.msk [tilespmem:v0+s19+$0x0], $0xffff  }
0x67: {  	v1 =	vld.idx.msk [tilespmem:v1+s20+$0x0], $0xffff  }
0x68: {  	v2 =	vld.idx.msk [tilespmem:v2+s21+$0x0], $0xffff  }
0x69: {  	v3 =	vld.idx.msk [tilespmem:v3+s22+$0x0], $0xffff;
	_ =	sdelay $0x2  }
0x6a: {  	v4 =	vld [tilespmem:s17+$0xFFFFFE00];
	v0 =	vor.u32 v0, v1  }
0x6b: {  	v1 =	vld [tilespmem:s17+$0xFFFFFE80];
	v0 =	vor.u32 v2, v0  }
0x6c: {  	s0 =	simm.s32 $0xC880;
	v2 =	vld [tilespmem:s17+$0xFFFFFF00];
	v0 =	vor.u32 v3, v0  }
0x6d: {  	v3 =	vld [tilespmem:s17+$0xFFFFFF80];
	[tilespmem:s0+$0x0] =	vst v0  }
0x6e: {  	v0 =	vld [tilespmem:s17+$0x10]  }
0x6f: {  	v5 =	vld [tilespmem:s17+$0x90]  }
0x70: {  	v6 =	vld [tilespmem:s17+$0x110]  }
0x71: {  	v7 =	vld [tilespmem:s17+$0x190]  }
0x72: {  	v4 =	vld.idx.msk [tilespmem:v4+s19+$0x0], $0xffff  }
0x73: {  	v1 =	vld.idx.msk [tilespmem:v1+s20+$0x0], $0xffff  }
0x74: {  	v2 =	vld.idx.msk [tilespmem:v2+s21+$0x0], $0xffff  }
0x75: {  	v3 =	vld.idx.msk [tilespmem:v3+s22+$0x0], $0xffff  }
0x76: {  	v0 =	vld.idx.msk [tilespmem:v0+s19+$0x0], $0xffff  }
0x77: {  	v5 =	vld.idx.msk [tilespmem:v5+s20+$0x0], $0xffff  }
0x78: {  	v1 =	vor.u32 v4, v1;
	v4 =	vld.idx.msk [tilespmem:v6+s21+$0x0], $0xffff  }
0x79: {  	v1 =	vor.u32 v2, v1;
	v2 =	vld.idx.msk [tilespmem:v7+s22+$0x0], $0xffff  }
0x7a: {  	v1 =	vor.u32 v3, v1  }
0x7b: {  	[tilespmem:s0+$0xFFFFFF80] =	vst v1  }
0x7c: {  	v1 =	vld [tilespmem:s17+$0xFFFFFE10];
	v0 =	vor.u32 v0, v5  }
0x7d: {  	v3 =	vld [tilespmem:s17+$0xFFFFFE90];
	v0 =	vor.u32 v4, v0  }
0x7e: {  	v4 =	vld [tilespmem:s17+$0xFFFFFF10];
	v0 =	vor.u32 v2, v0  }
0x7f: {  	v2 =	vld [tilespmem:s17+$0xFFFFFF90];
	[tilespmem:s0+$0x10] =	vst v0  }
0x80: {  	v0 =	vld [tilespmem:s17+$0x20]  }
0x81: {  	v5 =	vld [tilespmem:s17+$0xA0]  }
0x82: {  	v6 =	vld [tilespmem:s17+$0x120]  }
0x83: {  	v7 =	vld [tilespmem:s17+$0x1A0]  }
0x84: {  	v1 =	vld.idx.msk [tilespmem:v1+s19+$0x0], $0xffff  }
0x85: {  	v3 =	vld.idx.msk [tilespmem:v3+s20+$0x0], $0xffff  }
0x86: {  	v4 =	vld.idx.msk [tilespmem:v4+s21+$0x0], $0xffff  }
0x87: {  	v2 =	vld.idx.msk [tilespmem:v2+s22+$0x0], $0xffff  }
0x88: {  	v0 =	vld.idx.msk [tilespmem:v0+s19+$0x0], $0xffff  }
0x89: {  	v5 =	vld.idx.msk [tilespmem:v5+s20+$0x0], $0xffff  }
0x8a: {  	v6 =	vld.idx.msk [tilespmem:v6+s21+$0x0], $0xffff;
	v1 =	vor.u32 v1, v3  }
0x8b: {  	v3 =	vld.idx.msk [tilespmem:v7+s22+$0x0], $0xffff;
	v1 =	vor.u32 v4, v1  }
0x8c: {  	v1 =	vor.u32 v2, v1  }
0x8d: {  	[tilespmem:s0+$0xFFFFFF90] =	vst v1  }
0x8e: {  	v1 =	vld [tilespmem:s17+$0xFFFFFE20];
	v0 =	vor.u32 v0, v5  }
0x8f: {  	v2 =	vld [tilespmem:s17+$0xFFFFFEA0];
	v0 =	vor.u32 v6, v0  }
0x90: {  	v4 =	vld [tilespmem:s17+$0xFFFFFF20];
	v0 =	vor.u32 v3, v0  }
0x91: {  	v3 =	vld [tilespmem:s17+$0xFFFFFFA0];
	[tilespmem:s0+$0x20] =	vst v0  }
0x92: {  	v0 =	vld [tilespmem:s17+$0x30]  }
0x93: {  	v5 =	vld [tilespmem:s17+$0xB0]  }
0x94: {  	v6 =	vld [tilespmem:s17+$0x130]  }
0x95: {  	v7 =	vld [tilespmem:s17+$0x1B0]  }
0x96: {  	v1 =	vld.idx.msk [tilespmem:v1+s19+$0x0], $0xffff  }
0x97: {  	v2 =	vld.idx.msk [tilespmem:v2+s20+$0x0], $0xffff  }
0x98: {  	v4 =	vld.idx.msk [tilespmem:v4+s21+$0x0], $0xffff  }
0x99: {  	v3 =	vld.idx.msk [tilespmem:v3+s22+$0x0], $0xffff  }
0x9a: {  	v0 =	vld.idx.msk [tilespmem:v0+s19+$0x0], $0xffff  }
0x9b: {  	v5 =	vld.idx.msk [tilespmem:v5+s20+$0x0], $0xffff  }
0x9c: {  	v6 =	vld.idx.msk [tilespmem:v6+s21+$0x0], $0xffff;
	v1 =	vor.u32 v1, v2  }
0x9d: {  	v2 =	vld.idx.msk [tilespmem:v7+s22+$0x0], $0xffff;
	v1 =	vor.u32 v4, v1  }
0x9e: {  	v1 =	vor.u32 v3, v1  }
0x9f: {  	[tilespmem:s0+$0xFFFFFFA0] =	vst v1  }
0xa0: {  	v1 =	vld [tilespmem:s17+$0xFFFFFE30];
	v0 =	vor.u32 v0, v5  }
0xa1: {  	v3 =	vld [tilespmem:s17+$0xFFFFFEB0];
	v0 =	vor.u32 v6, v0  }
0xa2: {  	v4 =	vld [tilespmem:s17+$0xFFFFFF30];
	v0 =	vor.u32 v2, v0  }
0xa3: {  	v2 =	vld [tilespmem:s17+$0xFFFFFFB0];
	[tilespmem:s0+$0x30] =	vst v0  }
0xa4: {  	v0 =	vld [tilespmem:s17+$0x40]  }
0xa5: {  	v5 =	vld [tilespmem:s17+$0xC0]  }
0xa6: {  	v6 =	vld [tilespmem:s17+$0x140]  }
0xa7: {  	v7 =	vld [tilespmem:s17+$0x1C0]  }
0xa8: {  	v1 =	vld.idx.msk [tilespmem:v1+s19+$0x0], $0xffff  }
0xa9: {  	v3 =	vld.idx.msk [tilespmem:v3+s20+$0x0], $0xffff  }
0xaa: {  	v4 =	vld.idx.msk [tilespmem:v4+s21+$0x0], $0xffff  }
0xab: {  	v2 =	vld.idx.msk [tilespmem:v2+s22+$0x0], $0xffff  }
0xac: {  	v0 =	vld.idx.msk [tilespmem:v0+s19+$0x0], $0xffff  }
0xad: {  	v5 =	vld.idx.msk [tilespmem:v5+s20+$0x0], $0xffff  }
0xae: {  	v6 =	vld.idx.msk [tilespmem:v6+s21+$0x0], $0xffff;
	v1 =	vor.u32 v1, v3  }
0xaf: {  	s1 =	simm.s32 $0x600;
	v3 =	vld.idx.msk [tilespmem:v7+s22+$0x0], $0xffff;
	v1 =	vor.u32 v4, v1  }
0xb0: {  	v10 =	vld [tilespmem:s1+$0xFFFFFE00];
	v1 =	vor.u32 v2, v1  }
0xb1: {  	v12 =	vld [tilespmem:s1+$0x80];
	[tilespmem:s0+$0xFFFFFFB0] =	vst v1  }
0xb2: {  	v1 =	vld [tilespmem:s17+$0xFFFFFE40];
	v0 =	vor.u32 v0, v5  }
0xb3: {  	v2 =	vld [tilespmem:s17+$0xFFFFFEC0];
	v0 =	vor.u32 v6, v0  }
0xb4: {  	v4 =	vld [tilespmem:s17+$0xFFFFFF40];
	v0 =	vor.u32 v3, v0  }
0xb5: {  	v3 =	vld [tilespmem:s17+$0xFFFFFFC0];
	[tilespmem:s0+$0x40] =	vst v0  }
0xb6: {  	v0 =	vld [tilespmem:s17+$0x50]  }
0xb7: {  	v5 =	vld [tilespmem:s17+$0xD0]  }
0xb8: {  	v6 =	vld [tilespmem:s17+$0x150]  }
0xb9: {  	v7 =	vld [tilespmem:s17+$0x1D0]  }
0xba: {  	v1 =	vld.idx.msk [tilespmem:v1+s19+$0x0], $0xffff  }
0xbb: {  	v2 =	vld.idx.msk [tilespmem:v2+s20+$0x0], $0xffff  }
0xbc: {  	v4 =	vld.idx.msk [tilespmem:v4+s21+$0x0], $0xffff  }
0xbd: {  	v3 =	vld.idx.msk [tilespmem:v3+s22+$0x0], $0xffff  }
0xbe: {  	v0 =	vld.idx.msk [tilespmem:v0+s19+$0x0], $0xffff  }
0xbf: {  	v5 =	vld.idx.msk [tilespmem:v5+s20+$0x0], $0xffff  }
0xc0: {  	v6 =	vld.idx.msk [tilespmem:v6+s21+$0x0], $0xffff  }
0xc1: {  	v1 =	vor.u32 v1, v2;
	v2 =	vld.idx.msk [tilespmem:v7+s22+$0x0], $0xffff  }
0xc2: {  	v11 =	vld [tilespmem:s1+$0xFFFFFF00]  }
0xc3: {  	v17 =	vld [tilespmem:s1+$0xFFFFFF80];
	v1 =	vor.u32 v4, v1  }
0xc4: {  	v12 =	vld.idx.msk [tilespmem:v12+s20+$0x0], $0xffff;
	v1 =	vor.u32 v3, v1;
	v0 =	vor.u32 v0, v5  }
0xc5: {  	v10 =	vld.idx.msk [tilespmem:v10+s19+$0x0], $0xffff;
	[tilespmem:s0+$0xFFFFFFC0] =	vst v1;
	v0 =	vor.u32 v6, v0  }
0xc6: {  	v1 =	vld [tilespmem:s17+$0xFFFFFE50];
	v0 =	vor.u32 v2, v0  }
0xc7: {  	v4 =	vld [tilespmem:s17+$0xFFFFFF50];
	[tilespmem:s0+$0x50] =	vst v0  }
0xc8: {  	v0 =	vld [tilespmem:s17+$0x60]  }
0xc9: {  	v2 =	vld [tilespmem:s17+$0xE0]  }
0xca: {  	v5 =	vld [tilespmem:s17+$0x160]  }
0xcb: {  	v7 =	vld [tilespmem:s17+$0x1E0]  }
0xcc: {  	v3 =	vld [tilespmem:s17+$0xFFFFFED0]  }
0xcd: {  	v6 =	vld [tilespmem:s17+$0xFFFFFFD0]  }
0xce: {  	v1 =	vld.idx.msk [tilespmem:v1+s19+$0x0], $0xffff  }
0xcf: {  	v9 =	vld.idx.msk [tilespmem:v4+s21+$0x0], $0xffff  }
0xd0: {  	v0 =	vld.idx.msk [tilespmem:v0+s19+$0x0], $0xffff  }
0xd1: {  	v2 =	vld.idx.msk [tilespmem:v2+s20+$0x0], $0xffff  }
0xd2: {  	v4 =	vld.idx.msk [tilespmem:v5+s21+$0x0], $0xffff  }
0xd3: {  	v5 =	vld.idx.msk [tilespmem:v7+s22+$0x0], $0xffff  }
0xd4: {  	v8 =	vld.idx.msk [tilespmem:v3+s20+$0x0], $0xffff  }
0xd5: {  	v3 =	vld [tilespmem:s1+$0x0]  }
0xd6: {  	v0 =	vor.u32 v0, v2;
	v2 =	vld [tilespmem:s1+$0x100]  }
0xd7: {  	v0 =	vor.u32 v4, v0;
	v4 =	vld [tilespmem:s1+$0x180]  }
0xd8: {  	v6 =	vld.idx.msk [tilespmem:v6+s22+$0x0], $0xffff;
	v0 =	vor.u32 v5, v0  }
0xd9: {  	v7 =	vld [tilespmem:s1+$0xFFFFFE80];
	[tilespmem:s0+$0x60] =	vst v0  }
0xda: {  	v0 =	vld [tilespmem:s17+$0x70]  }
0xdb: {  	v11 =	vld.idx.msk [tilespmem:v11+s21+$0x0], $0xffff  }
0xdc: {  	v45 =	vld.idx.msk [tilespmem:v17+s22+$0x0], $0xffff;
	v1 =	vor.u32 v1, v8  }
0xdd: {  	v1 =	vor.u32 v9, v1;
	v5 =	vld.idx.msk [tilespmem:v3+s19+$0x0], $0xffff  }
0xde: {  	v1 =	vor.u32 v6, v1;
	v15 =	vld.idx.msk [tilespmem:v2+s21+$0x0], $0xffff  }
0xdf: {  	[tilespmem:s0+$0xFFFFFFD0] =	vst v1;
	v16 =	vld.idx.msk [tilespmem:v4+s22+$0x0], $0xffff  }
0xe0: {  	v9 =	vld [tilespmem:s17+$0xFFFFFE60]  }
0xe1: {  	v7 =	vld.idx.msk [tilespmem:v7+s20+$0x0], $0xffff  }
0xe2: {  	v2 =	vld.idx.msk [tilespmem:v0+s19+$0x0], $0xffff;
	v0 =	vor.u32 v5, v12  }
0xe3: {  	v3 =	vld [tilespmem:s17+$0xF0];
	v0 =	vor.u32 v15, v0  }
0xe4: {  	s13 =	simm.s32 $0xC980;
	v13 =	vld [tilespmem:s17+$0x170];
	v0 =	vor.u32 v16, v0  }
0xe5: {  	v14 =	vld [tilespmem:s17+$0x1F0];
	[tilespmem:s13+$0x0] =	vst v0  }
0xe6: {  	v7 =	vor.u32 v10, v7;
	v0 =	vld [tilespmem:s1+$0x10]  }
0xe7: {  	v7 =	vor.u32 v11, v7;
	v42 =	vld [tilespmem:s1+$0x90]  }
0xe8: {  	v7 =	vor.u32 v45, v7;
	v43 =	vld [tilespmem:s1+$0x110]  }
0xe9: {  	[tilespmem:s13+$0xFFFFFF80] =	vst v7;
	v44 =	vld [tilespmem:s1+$0x190]  }
0xea: {  	v7 =	vld [tilespmem:s1+$0xFFFFFE10]  }
0xeb: {  	v8 =	vld [tilespmem:s1+$0xFFFFFE90]  }
0xec: {  	v6 =	vld [tilespmem:s1+$0xFFFFFF10]  }
0xed: {  	v1 =	vld [tilespmem:s1+$0xFFFFFF90]  }
0xee: {  	v0 =	vld.idx.msk [tilespmem:v0+s19+$0x0], $0xffff  }
0xef: {  	v10 =	vld.idx.msk [tilespmem:v42+s20+$0x0], $0xffff  }
0xf0: {  	v11 =	vld.idx.msk [tilespmem:v43+s21+$0x0], $0xffff  }
0xf1: {  	v46 =	vld.idx.msk [tilespmem:v44+s22+$0x0], $0xffff  }
0xf2: {  	v3 =	vld.idx.msk [tilespmem:v3+s20+$0x0], $0xffff  }
0xf3: {  	v4 =	vld.idx.msk [tilespmem:v13+s21+$0x0], $0xffff  }
0xf4: {  	v7 =	vld.idx.msk [tilespmem:v7+s19+$0x0], $0xffff;
	v0 =	vor.u32 v0, v10  }
0xf5: {  	v8 =	vld.idx.msk [tilespmem:v8+s20+$0x0], $0xffff;
	v0 =	vor.u32 v11, v0  }
0xf6: {  	v6 =	vld.idx.msk [tilespmem:v6+s21+$0x0], $0xffff;
	v0 =	vor.u32 v46, v0  }
0xf7: {  	v1 =	vld.idx.msk [tilespmem:v1+s22+$0x0], $0xffff;
	[tilespmem:s13+$0x10] =	vst v0  }
0xf8: {  	v10 =	vld [tilespmem:s1+$0x20]  }
0xf9: {  	v11 =	vld [tilespmem:s1+$0xA0]  }
0xfa: {  	v47 =	vld [tilespmem:s1+$0x120]  }
0xfb: {  	v48 =	vld [tilespmem:s1+$0x1A0]  }
0xfc: {  	v5 =	vld.idx.msk [tilespmem:v14+s22+$0x0], $0xffff;
	v7 =	vor.u32 v7, v8  }
0xfd: {  	v6 =	vor.u32 v6, v7;
	v7 =	vld [tilespmem:s17+$0xFFFFFF60]  }
0xfe: {  	v1 =	vor.u32 v1, v6;
	v6 =	vld [tilespmem:s17+$0xFFFFFFE0]  }
0xff: {  	[tilespmem:s13+$0xFFFFFF90] =	vst v1;
	v1 =	vld.idx.msk [tilespmem:v9+s19+$0x0], $0xffff  }
0x100: {  	v10 =	vld.idx.msk [tilespmem:v10+s19+$0x0], $0xffff  }
0x101: {  	v11 =	vld.idx.msk [tilespmem:v11+s20+$0x0], $0xffff  }
0x102: {  	v12 =	vld.idx.msk [tilespmem:v47+s21+$0x0], $0xffff  }
0x103: {  	v8 =	vld.idx.msk [tilespmem:v48+s22+$0x0], $0xffff  }
0x104: {  	v9 =	vld [tilespmem:s1+$0xFFFFFE20]  }
0x105: {  	v49 =	vld [tilespmem:s1+$0xFFFFFF20]  }
0x106: {  	v0 =	vld [tilespmem:s17+$0xFFFFFEE0];
	v10 =	vor.u32 v10, v11  }
0x107: {  	v11 =	vld [tilespmem:s1+$0xFFFFFEA0];
	v10 =	vor.u32 v12, v10  }
0x108: {  	v7 =	vld.idx.msk [tilespmem:v7+s21+$0x0], $0xffff;
	v8 =	vor.u32 v8, v10  }
0x109: {  	v10 =	vld [tilespmem:s1+$0xFFFFFFA0];
	[tilespmem:s13+$0x20] =	vst v8  }
0x10a: {  	v8 =	vld [tilespmem:s1+$0x30]  }
0x10b: {  	v50 =	vld [tilespmem:s1+$0xB0]  }
0x10c: {  	v51 =	vld [tilespmem:s1+$0x130]  }
0x10d: {  	v52 =	vld [tilespmem:s1+$0x1B0]  }
0x10e: {  	v9 =	vld.idx.msk [tilespmem:v9+s19+$0x0], $0xffff  }
0x10f: {  	v11 =	vld.idx.msk [tilespmem:v11+s20+$0x0], $0xffff  }
0x110: {  	v12 =	vld.idx.msk [tilespmem:v49+s21+$0x0], $0xffff  }
0x111: {  	v10 =	vld.idx.msk [tilespmem:v10+s22+$0x0], $0xffff  }
0x112: {  	v8 =	vld.idx.msk [tilespmem:v8+s19+$0x0], $0xffff  }
0x113: {  	v13 =	vld.idx.msk [tilespmem:v50+s20+$0x0], $0xffff  }
0x114: {  	v14 =	vld.idx.msk [tilespmem:v51+s21+$0x0], $0xffff;
	v9 =	vor.u32 v9, v11  }
0x115: {  	v11 =	vld.idx.msk [tilespmem:v52+s22+$0x0], $0xffff;
	v9 =	vor.u32 v12, v9  }
0x116: {  	v6 =	vld.idx.msk [tilespmem:v6+s22+$0x0], $0xffff;
	v9 =	vor.u32 v10, v9  }
0x117: {  	v0 =	vld.idx.msk [tilespmem:v0+s20+$0x0], $0xffff;
	[tilespmem:s13+$0xFFFFFFA0] =	vst v9  }
0x118: {  	v9 =	vld [tilespmem:s1+$0xFFFFFE30];
	v8 =	vor.u32 v8, v13  }
0x119: {  	v10 =	vld [tilespmem:s1+$0xFFFFFEB0];
	v8 =	vor.u32 v14, v8  }
0x11a: {  	v53 =	vld [tilespmem:s1+$0xFFFFFF30];
	v8 =	vor.u32 v11, v8  }
0x11b: {  	v11 =	vld [tilespmem:s1+$0xFFFFFFB0];
	[tilespmem:s13+$0x30] =	vst v8  }
0x11c: {  	v8 =	vld [tilespmem:s1+$0x40]  }
0x11d: {  	v54 =	vld [tilespmem:s1+$0xC0]  }
0x11e: {  	v55 =	vld [tilespmem:s1+$0x140]  }
0x11f: {  	v56 =	vld [tilespmem:s1+$0x1C0]  }
0x120: {  	v9 =	vld.idx.msk [tilespmem:v9+s19+$0x0], $0xffff  }
0x121: {  	v10 =	vld.idx.msk [tilespmem:v10+s20+$0x0], $0xffff  }
0x122: {  	v12 =	vld.idx.msk [tilespmem:v53+s21+$0x0], $0xffff  }
0x123: {  	v11 =	vld.idx.msk [tilespmem:v11+s22+$0x0], $0xffff  }
0x124: {  	v0 =	vor.u32 v1, v0;
	v1 =	vld.idx.msk [tilespmem:v8+s19+$0x0], $0xffff  }
0x125: {  	v0 =	vor.u32 v7, v0;
	v7 =	vld.idx.msk [tilespmem:v54+s20+$0x0], $0xffff  }
0x126: {  	v0 =	vor.u32 v6, v0;
	v6 =	vld.idx.msk [tilespmem:v55+s21+$0x0], $0xffff  }
0x127: {  	[tilespmem:s0+$0xFFFFFFE0] =	vst v0;
	v8 =	vld.idx.msk [tilespmem:v56+s22+$0x0], $0xffff;
	v0 =	vor.u32 v9, v10  }
0x128: {  	v9 =	vld [tilespmem:s17+$0xFFFFFE70];
	v0 =	vor.u32 v12, v0  }
0x129: {  	v10 =	vld [tilespmem:s17+$0xFFFFFEF0];
	v0 =	vor.u32 v11, v0  }
0x12a: {  	[tilespmem:s13+$0xFFFFFFB0] =	vst v0;
	v0 =	vld [tilespmem:s17+$0xFFFFFF70]  }
0x12b: {  	v11 =	vld [tilespmem:s1+$0xFFFFFE40];
	v1 =	vor.u32 v1, v7  }
0x12c: {  	v7 =	vld [tilespmem:s1+$0xFFFFFEC0];
	v1 =	vor.u32 v6, v1  }
0x12d: {  	v6 =	vld [tilespmem:s1+$0xFFFFFF40];
	v1 =	vor.u32 v8, v1  }
0x12e: {  	v8 =	vld [tilespmem:s1+$0xFFFFFFC0];
	[tilespmem:s13+$0x40] =	vst v1  }
0x12f: {  	v1 =	vld [tilespmem:s1+$0x50]  }
0x130: {  	v57 =	vld [tilespmem:s1+$0xD0]  }
0x131: {  	v58 =	vld [tilespmem:s1+$0x150]  }
0x132: {  	v59 =	vld [tilespmem:s1+$0x1D0]  }
0x133: {  	v10 =	vld.idx.msk [tilespmem:v10+s20+$0x0], $0xffff  }
0x134: {  	v11 =	vld.idx.msk [tilespmem:v11+s19+$0x0], $0xffff  }
0x135: {  	v7 =	vld.idx.msk [tilespmem:v7+s20+$0x0], $0xffff  }
0x136: {  	v6 =	vld.idx.msk [tilespmem:v6+s21+$0x0], $0xffff  }
0x137: {  	v8 =	vld.idx.msk [tilespmem:v8+s22+$0x0], $0xffff  }
0x138: {  	v60 =	vld.idx.msk [tilespmem:v1+s19+$0x0], $0xffff  }
0x139: {  	v12 =	vld.idx.msk [tilespmem:v57+s20+$0x0], $0xffff  }
0x13a: {  	v13 =	vld.idx.msk [tilespmem:v58+s21+$0x0], $0xffff;
	v1 =	vor.u32 v11, v7  }
0x13b: {  	v7 =	vld.idx.msk [tilespmem:v59+s22+$0x0], $0xffff;
	v6 =	vor.u32 v6, v1  }
0x13c: {  	v11 =	vld.idx.msk [tilespmem:v9+s19+$0x0], $0xffff;
	v6 =	vor.u32 v8, v6  }
0x13d: {  	v1 =	vld [tilespmem:s17+$0xFFFFFFF0];
	[tilespmem:s13+$0xFFFFFFC0] =	vst v6  }
0x13e: {  	v61 =	vld [tilespmem:s1+$0xFFFFFE50];
	v6 =	vor.u32 v60, v12  }
0x13f: {  	v62 =	vld [tilespmem:s1+$0xFFFFFED0];
	v6 =	vor.u32 v13, v6  }
0x140: {  	v63 =	vld [tilespmem:s1+$0xFFFFFF50];
	v7 =	vor.u32 v7, v6  }
0x141: {  	v6 =	vld [tilespmem:s1+$0xFFFFFFD0];
	[tilespmem:s13+$0x50] =	vst v7  }
0x142: {  	v9 =	vld [tilespmem:s1+$0x60]  }
0x143: {  	v7 =	vld [tilespmem:s1+$0xE0]  }
0x144: {  	v8 =	vld [tilespmem:s1+$0x160]  }
0x145: {  	v2 =	vor.u32 v2, v3;
	v3 =	vld [tilespmem:s1+$0x1E0]  }
0x146: {  	v2 =	vor.u32 v4, v2;
	v4 =	vld.idx.msk [tilespmem:v61+s19+$0x0], $0xffff  }
0x147: {  	v2 =	vor.u32 v5, v2;
	v5 =	vld.idx.msk [tilespmem:v62+s20+$0x0], $0xffff  }
0x148: {  	s28 =	simm.s32 $0xA00;
	s25 =	simm.s32 $0x2;
	[tilespmem:s0+$0x70] =	vst v2;
	s17 =	simm.s32 $0xC980;
	v2 =	vor.u32 v11, v10;
	v10 =	vld.idx.msk [tilespmem:v63+s21+$0x0], $0xffff  }
.LBB2_2:
0x149: {  	v11 =	vld [tilespmem:s28+$0x0]  }
0x14a: {  	v9 =	vld.idx.msk [tilespmem:v9+s19+$0x0], $0xffff  }
0x14b: {  	v7 =	vld.idx.msk [tilespmem:v7+s20+$0x0], $0xffff  }
0x14c: {  	v8 =	vld.idx.msk [tilespmem:v8+s21+$0x0], $0xffff  }
0x14d: {  	v4 =	vor.u32 v4, v5;
	v3 =	vld.idx.msk [tilespmem:v3+s22+$0x0], $0xffff  }
0x14e: {  	v4 =	vor.u32 v10, v4;
	v5 =	vld [tilespmem:s28+$0xFFFFFE80]  }
0x14f: {  	v10 =	vld [tilespmem:s28+$0xFFFFFE00]  }
0x150: {  	v12 =	vld [tilespmem:s28+$0xFFFFFF00]  }
0x151: {  	v7 =	vor.u32 v9, v7;
	v13 =	vld [tilespmem:s28+$0x80]  }
0x152: {  	v7 =	vor.u32 v8, v7;
	v9 =	vld [tilespmem:s28+$0x100]  }
0x153: {  	v3 =	vor.u32 v3, v7;
	v8 =	vld [tilespmem:s28+$0x180]  }
0x154: {  	v7 =	vld.idx.msk [tilespmem:v11+s19+$0x0], $0xffff;
	[tilespmem:s13+$0x60] =	vst v3  }
0x155: {  	v3 =	vld [tilespmem:s1+$0x70]  }
0x156: {  	v11 =	vld [tilespmem:s1+$0xF0]  }
0x157: {  	v14 =	vld [tilespmem:s1+$0x170]  }
0x158: {  	s25 =	sadd.s32 $0x2, s25;
	v15 =	vld [tilespmem:s1+$0x1F0]  }
0x159: {  	p0 =	slt.u32 s25, $0x30;
	v13 =	vld.idx.msk [tilespmem:v13+s20+$0x0], $0xffff  }
0x15a: {  	v9 =	vld.idx.msk [tilespmem:v9+s21+$0x0], $0xffff  }
0x15b: {  	v8 =	vld.idx.msk [tilespmem:v8+s22+$0x0], $0xffff  }
0x15c: {  	v16 =	vld [tilespmem:s28+$0xFFFFFF80]  }
0x15d: {  	v3 =	vld.idx.msk [tilespmem:v3+s19+$0x0], $0xffff  }
0x15e: {  	v11 =	vld.idx.msk [tilespmem:v11+s20+$0x0], $0xffff  }
0x15f: {  	v7 =	vor.u32 v7, v13;
	v13 =	vld.idx.msk [tilespmem:v14+s21+$0x0], $0xffff  }
0x160: {  	v7 =	vor.u32 v9, v7;
	v9 =	vld.idx.msk [tilespmem:v15+s22+$0x0], $0xffff  }
0x161: {  	s13 =	sadd.s32 $0x100, s13;
	v7 =	vor.u32 v8, v7;
	v10 =	vld.idx.msk [tilespmem:v10+s19+$0x0], $0xffff  }
0x162: {  	v5 =	vld.idx.msk [tilespmem:v5+s20+$0x0], $0xffff;
	[tilespmem:s13+$0x0] =	vst v7  }
0x163: {  	v7 =	vld [tilespmem:s28+$0x10]  }
0x164: {  	v3 =	vor.u32 v3, v11;
	v8 =	vld [tilespmem:s28+$0x90]  }
0x165: {  	v3 =	vor.u32 v13, v3;
	v11 =	vld [tilespmem:s28+$0x110]  }
0x166: {  	v3 =	vor.u32 v9, v3;
	v13 =	vld [tilespmem:s28+$0x190]  }
0x167: {  	v9 =	vld.idx.msk [tilespmem:v12+s21+$0x0], $0xffff;
	[tilespmem:s17+$0x70] =	vst v3  }
0x168: {  	v3 =	vor.u32 v10, v5;
	v5 =	vld.idx.msk [tilespmem:v16+s22+$0x0], $0xffff  }
0x169: {  	v6 =	vld.idx.msk [tilespmem:v6+s22+$0x0], $0xffff  }
0x16a: {  	v0 =	vld.idx.msk [tilespmem:v0+s21+$0x0], $0xffff  }
0x16b: {  	v7 =	vld.idx.msk [tilespmem:v7+s19+$0x0], $0xffff  }
0x16c: {  	v8 =	vld.idx.msk [tilespmem:v8+s20+$0x0], $0xffff  }
0x16d: {  	v3 =	vor.u32 v9, v3;
	v9 =	vld.idx.msk [tilespmem:v11+s21+$0x0], $0xffff  }
0x16e: {  	v3 =	vor.u32 v5, v3;
	v5 =	vld.idx.msk [tilespmem:v13+s22+$0x0], $0xffff  }
0x16f: {  	[tilespmem:s13+$0xFFFFFF80] =	vst v3;
	v3 =	vor.u32 v6, v4;
	v1 =	vld.idx.msk [tilespmem:v1+s22+$0x0], $0xffff  }
0x170: {  	v0 =	vor.u32 v0, v2;
	v4 =	vld [tilespmem:s28+$0xFFFFFE10];
	[tilespmem:s17+$0xFFFFFFD0] =	vst v3  }
0x171: {  	v2 =	vld [tilespmem:s28+$0xFFFFFE90]  }
0x172: {  	v6 =	vor.u32 v7, v8;
	v3 =	vld [tilespmem:s28+$0xFFFFFF10]  }
0x173: {  	v6 =	vor.u32 v9, v6;
	v7 =	vld [tilespmem:s28+$0xFFFFFF90]  }
0x174: {  	v5 =	vor.u32 v5, v6;
	v6 =	vld [tilespmem:s1+$0xFFFFFE60]  }
0x175: {  	v0 =	vor.u32 v1, v0;
	[tilespmem:s13+$0x10] =	vst v5;
	v5 =	vld [tilespmem:s1+$0xFFFFFEE0]  }
0x176: {  	v1 =	vld [tilespmem:s28+$0x20];
	[tilespmem:s0+$0xFFFFFFF0] =	vst v0;
	s0 =	smov.u32 s17;
	s17 =	smov.u32 s13  }
0x177: {  	v0 =	vld [tilespmem:s28+$0xA0]  }
0x178: {  	v8 =	vld [tilespmem:s28+$0x120]  }
0x179: {  	v9 =	vld [tilespmem:s28+$0x1A0]  }
0x17a: {  	v4 =	vld.idx.msk [tilespmem:v4+s19+$0x0], $0xffff  }
0x17b: {  	v2 =	vld.idx.msk [tilespmem:v2+s20+$0x0], $0xffff  }
0x17c: {  	v3 =	vld.idx.msk [tilespmem:v3+s21+$0x0], $0xffff  }
0x17d: {  	v7 =	vld.idx.msk [tilespmem:v7+s22+$0x0], $0xffff  }
0x17e: {  	v1 =	vld.idx.msk [tilespmem:v1+s19+$0x0], $0xffff  }
0x17f: {  	v0 =	vld.idx.msk [tilespmem:v0+s20+$0x0], $0xffff  }
0x180: {  	v8 =	vld.idx.msk [tilespmem:v8+s21+$0x0], $0xffff  }
0x181: {  	v2 =	vor.u32 v4, v2;
	v4 =	vld.idx.msk [tilespmem:v9+s22+$0x0], $0xffff  }
0x182: {  	v2 =	vor.u32 v3, v2;
	v3 =	vld [tilespmem:s1+$0xFFFFFF60]  }
0x183: {  	v2 =	vor.u32 v7, v2;
	v7 =	vld [tilespmem:s1+$0xFFFFFFE0]  }
0x184: {  	[tilespmem:s13+$0xFFFFFF90] =	vst v2;
	v2 =	vld.idx.msk [tilespmem:v6+s19+$0x0], $0xffff  }
0x185: {  	v0 =	vor.u32 v1, v0;
	v6 =	vld [tilespmem:s28+$0xFFFFFE20]  }
0x186: {  	v0 =	vor.u32 v8, v0;
	v1 =	vld [tilespmem:s28+$0xFFFFFEA0]  }
0x187: {  	v0 =	vor.u32 v4, v0;
	v8 =	vld [tilespmem:s28+$0xFFFFFF20]  }
0x188: {  	v4 =	vld [tilespmem:s28+$0xFFFFFFA0];
	[tilespmem:s13+$0x20] =	vst v0  }
0x189: {  	v0 =	vld [tilespmem:s28+$0x30]  }
0x18a: {  	v9 =	vld [tilespmem:s28+$0xB0]  }
0x18b: {  	v10 =	vld [tilespmem:s28+$0x130]  }
0x18c: {  	v11 =	vld [tilespmem:s28+$0x1B0]  }
0x18d: {  	v6 =	vld.idx.msk [tilespmem:v6+s19+$0x0], $0xffff  }
0x18e: {  	v1 =	vld.idx.msk [tilespmem:v1+s20+$0x0], $0xffff  }
0x18f: {  	v8 =	vld.idx.msk [tilespmem:v8+s21+$0x0], $0xffff  }
0x190: {  	v4 =	vld.idx.msk [tilespmem:v4+s22+$0x0], $0xffff  }
0x191: {  	v0 =	vld.idx.msk [tilespmem:v0+s19+$0x0], $0xffff  }
0x192: {  	v9 =	vld.idx.msk [tilespmem:v9+s20+$0x0], $0xffff  }
0x193: {  	v10 =	vld.idx.msk [tilespmem:v10+s21+$0x0], $0xffff  }
0x194: {  	v1 =	vor.u32 v6, v1;
	v6 =	vld.idx.msk [tilespmem:v11+s22+$0x0], $0xffff  }
0x195: {  	v1 =	vor.u32 v8, v1;
	v5 =	vld.idx.msk [tilespmem:v5+s20+$0x0], $0xffff  }
0x196: {  	v1 =	vor.u32 v4, v1;
	v3 =	vld.idx.msk [tilespmem:v3+s21+$0x0], $0xffff  }
0x197: {  	[tilespmem:s13+$0xFFFFFFA0] =	vst v1;
	v1 =	vld.idx.msk [tilespmem:v7+s22+$0x0], $0xffff  }
0x198: {  	v0 =	vor.u32 v0, v9;
	v4 =	vld [tilespmem:s28+$0xFFFFFE30]  }
0x199: {  	v0 =	vor.u32 v10, v0;
	v7 =	vld [tilespmem:s28+$0xFFFFFEB0]  }
0x19a: {  	v0 =	vor.u32 v6, v0;
	v8 =	vld [tilespmem:s28+$0xFFFFFF30]  }
0x19b: {  	v6 =	vld [tilespmem:s28+$0xFFFFFFB0];
	[tilespmem:s13+$0x30] =	vst v0;
	v0 =	vor.u32 v2, v5  }
0x19c: {  	v2 =	vld [tilespmem:s28+$0x40];
	v0 =	vor.u32 v3, v0  }
0x19d: {  	v3 =	vld [tilespmem:s28+$0xC0];
	v0 =	vor.u32 v1, v0  }
0x19e: {  	v1 =	vld [tilespmem:s28+$0x140];
	[tilespmem:s0+$0xFFFFFFE0] =	vst v0  }
0x19f: {  	v0 =	vld [tilespmem:s28+$0x1C0]  }
0x1a0: {  	v4 =	vld.idx.msk [tilespmem:v4+s19+$0x0], $0xffff  }
0x1a1: {  	v5 =	vld.idx.msk [tilespmem:v7+s20+$0x0], $0xffff  }
0x1a2: {  	v7 =	vld.idx.msk [tilespmem:v8+s21+$0x0], $0xffff  }
0x1a3: {  	v6 =	vld.idx.msk [tilespmem:v6+s22+$0x0], $0xffff  }
0x1a4: {  	v2 =	vld.idx.msk [tilespmem:v2+s19+$0x0], $0xffff  }
0x1a5: {  	v3 =	vld.idx.msk [tilespmem:v3+s20+$0x0], $0xffff  }
0x1a6: {  	v1 =	vld.idx.msk [tilespmem:v1+s21+$0x0], $0xffff  }
0x1a7: {  	v4 =	vor.u32 v4, v5;
	v5 =	vld.idx.msk [tilespmem:v0+s22+$0x0], $0xffff  }
0x1a8: {  	v0 =	vor.u32 v7, v4;
	v4 =	vld [tilespmem:s1+$0xFFFFFE70]  }
0x1a9: {  	v0 =	vor.u32 v6, v0;
	v6 =	vld [tilespmem:s1+$0xFFFFFEF0]  }
0x1aa: {  	[tilespmem:s13+$0xFFFFFFB0] =	vst v0;
	v0 =	vld [tilespmem:s1+$0xFFFFFF70]  }
0x1ab: {  	v2 =	vor.u32 v2, v3;
	v7 =	vld [tilespmem:s28+$0xFFFFFE40]  }
0x1ac: {  	v1 =	vor.u32 v1, v2;
	v3 =	vld [tilespmem:s28+$0xFFFFFEC0]  }
0x1ad: {  	v1 =	vor.u32 v5, v1;
	v2 =	vld [tilespmem:s28+$0xFFFFFF40]  }
0x1ae: {  	v5 =	vld [tilespmem:s28+$0xFFFFFFC0];
	[tilespmem:s13+$0x40] =	vst v1  }
0x1af: {  	v1 =	vld [tilespmem:s28+$0x50]  }
0x1b0: {  	v8 =	vld [tilespmem:s28+$0xD0]  }
0x1b1: {  	v9 =	vld [tilespmem:s28+$0x150]  }
0x1b2: {  	v10 =	vld [tilespmem:s28+$0x1D0]  }
0x1b3: {  	v7 =	vld.idx.msk [tilespmem:v7+s19+$0x0], $0xffff  }
0x1b4: {  	v3 =	vld.idx.msk [tilespmem:v3+s20+$0x0], $0xffff  }
0x1b5: {  	v2 =	vld.idx.msk [tilespmem:v2+s21+$0x0], $0xffff  }
0x1b6: {  	v5 =	vld.idx.msk [tilespmem:v5+s22+$0x0], $0xffff  }
0x1b7: {  	v11 =	vld.idx.msk [tilespmem:v1+s19+$0x0], $0xffff  }
0x1b8: {  	v8 =	vld.idx.msk [tilespmem:v8+s20+$0x0], $0xffff  }
0x1b9: {  	v9 =	vld.idx.msk [tilespmem:v9+s21+$0x0], $0xffff  }
0x1ba: {  	v1 =	vor.u32 v7, v3;
	v3 =	vld.idx.msk [tilespmem:v10+s22+$0x0], $0xffff  }
0x1bb: {  	v2 =	vor.u32 v2, v1;
	v1 =	vld [tilespmem:s1+$0xFFFFFFF0];
	s1 =	smov.u32 s28  }
0x1bc: {  	v2 =	vor.u32 v5, v2;
	v4 =	vld.idx.msk [tilespmem:v4+s19+$0x0], $0xffff  }
0x1bd: {  	[tilespmem:s13+$0xFFFFFFC0] =	vst v2;
	v2 =	vld.idx.msk [tilespmem:v6+s20+$0x0], $0xffff  }
0x1be: {  	v6 =	vor.u32 v11, v8;
	v5 =	vld [tilespmem:s28+$0xFFFFFE50]  }
0x1bf: {  	v6 =	vor.u32 v9, v6;
	v10 =	vld [tilespmem:s28+$0xFFFFFED0]  }
0x1c0: {  	v3 =	vor.u32 v3, v6;
	v11 =	vld [tilespmem:s28+$0xFFFFFF50]  }
0x1c1: {  	v6 =	vld [tilespmem:s28+$0xFFFFFFD0];
	[tilespmem:s13+$0x50] =	vst v3  }
0x1c2: {  	v9 =	vld [tilespmem:s28+$0x60]  }
0x1c3: {  	v2 =	vor.u32 v4, v2;
	v7 =	vld [tilespmem:s28+$0xE0]  }
.Ltmp0:
0x1c4: {  	v8 =	vld [tilespmem:s28+$0x160];
	(pc) =	sbr.rel @p0 .LBB2_2-.Ltmp0, $4  }
0x1c5: {  	v3 =	vld [tilespmem:s28+$0x1E0]  }
0x1c6: {  	v4 =	vld.idx.msk [tilespmem:v5+s19+$0x0], $0xffff  }
0x1c7: {  	v5 =	vld.idx.msk [tilespmem:v10+s20+$0x0], $0xffff  }
0x1c8: {  	s28 =	sadd.s32 $0x400, s28;
	v10 =	vld.idx.msk [tilespmem:v11+s21+$0x0], $0xffff  }
0x1c9: {  	_ =	sdelay $0x3  }
0x1ca: {  	v6 =	vld.idx.msk [tilespmem:v6+s22+$0x0], $0xffff;
	_ =	sdelay $0x2  }
0x1cb: {  	v9 =	vld.idx.msk [tilespmem:v9+s19+$0x0], $0xffff;
	v4 =	vor.u32 v4, v5  }
0x1cc: {  	v5 =	vld.idx.msk [tilespmem:v7+s20+$0x0], $0xffff;
	v4 =	vor.u32 v10, v4  }
0x1cd: {  	v7 =	vld.idx.msk [tilespmem:v8+s21+$0x0], $0xffff;
	v4 =	vor.u32 v6, v4  }
0x1ce: {  	[tilespmem:s17+$0xFFFFFFD0] =	vst v4  }
0x1cf: {  	v4 =	vld [tilespmem:s1+$0xFFFFFE60]  }
0x1d0: {  	v6 =	vld [tilespmem:s1+$0xFFFFFEE0]  }
0x1d1: {  	v8 =	vld [tilespmem:s1+$0xFFFFFF60];
	v5 =	vor.u32 v9, v5  }
0x1d2: {  	v5 =	vor.u32 v7, v5;
	v7 =	vld [tilespmem:s1+$0xFFFFFFE0];
	_ =	sdelay $0x3  }
0x1d3: {  	v3 =	vld.idx.msk [tilespmem:v3+s22+$0x0], $0xffff  }
0x1d4: {  	v4 =	vld.idx.msk [tilespmem:v4+s19+$0x0], $0xffff  }
0x1d5: {  	v6 =	vld.idx.msk [tilespmem:v6+s20+$0x0], $0xffff  }
0x1d6: {  	v8 =	vld.idx.msk [tilespmem:v8+s21+$0x0], $0xffff  }
0x1d7: {  	v7 =	vld.idx.msk [tilespmem:v7+s22+$0x0], $0xffff  }
0x1d8: {  	v0 =	vld.idx.msk [tilespmem:v0+s21+$0x0], $0xffff;
	v3 =	vor.u32 v3, v5  }
0x1d9: {  	v1 =	vld.idx.msk [tilespmem:v1+s22+$0x0], $0xffff;
	[tilespmem:s13+$0x60] =	vst v3  }
0x1da: {  	v3 =	vld [tilespmem:s1+$0x70];
	v4 =	vor.u32 v4, v6  }
0x1db: {  	v5 =	vld [tilespmem:s1+$0xF0];
	v4 =	vor.u32 v8, v4  }
0x1dc: {  	v9 =	vld [tilespmem:s1+$0x170];
	v4 =	vor.u32 v7, v4  }
0x1dd: {  	v6 =	vld [tilespmem:s1+$0x1F0];
	[tilespmem:s17+$0xFFFFFFE0] =	vst v4  }
0x1de: {  	v4 =	vld [tilespmem:s1+$0xFFFFFE70]  }
0x1df: {  	v7 =	vld [tilespmem:s1+$0xFFFFFEF0]  }
0x1e0: {  	v8 =	vld [tilespmem:s1+$0xFFFFFF70]  }
0x1e1: {  	v10 =	vld [tilespmem:s1+$0xFFFFFFF0]  }
0x1e2: {  	v3 =	vld.idx.msk [tilespmem:v3+s19+$0x0], $0xffff  }
0x1e3: {  	v5 =	vld.idx.msk [tilespmem:v5+s20+$0x0], $0xffff  }
0x1e4: {  	v9 =	vld.idx.msk [tilespmem:v9+s21+$0x0], $0xffff  }
0x1e5: {  	v6 =	vld.idx.msk [tilespmem:v6+s22+$0x0], $0xffff  }
0x1e6: {  	v4 =	vld.idx.msk [tilespmem:v4+s19+$0x0], $0xffff  }
0x1e7: {  	v7 =	vld.idx.msk [tilespmem:v7+s20+$0x0], $0xffff  }
0x1e8: {  	v8 =	vld.idx.msk [tilespmem:v8+s21+$0x0], $0xffff  }
0x1e9: {  	v10 =	vld.idx.msk [tilespmem:v10+s22+$0x0], $0xffff;
	_ =	sdelay $0x1  }
0x1ea: {  	v0 =	vor.u32 v0, v2;
	v3 =	vor.u32 v3, v5  }
0x1eb: {  	v0 =	vor.u32 v1, v0;
	v3 =	vor.u32 v9, v3;
	v2 =	vor.u32 v4, v7  }
0x1ec: {  	[tilespmem:s0+$0xFFFFFFF0] =	vst v0;
	v3 =	vor.u32 v6, v3;
	v1 =	vor.u32 v8, v2  }
0x1ed: {  	[tilespmem:s17+$0x70] =	vst v3;
	v0 =	vor.u32 v10, v1  }
0x1ee: {  	[tilespmem:s17+$0xFFFFFFF0] =	vst v0;
	s17 =	simm.s32 $0xC800  }
0x1ef: {  	[hbm4b:s6+s23] =	stream.strided.scatter [tilespmem:s17], [sflag:$0x3], $0x1900, s24, s23, $0x38;
	[tilespmem:$0xFF00] =	vst v63  }
0x1f0: {  	_ = 	snop  }
0x1f1: {  	[tilespmem:s2], [sflag:$0x1] =	stream.strided.gather [hbm4b:s7+s15], $0x6400, s16, s15, $0x38;
	[tilespmem:$0xFF00] =	vst v63  }
0x1f2: {  	_ =	swait.ge [sflag:s26], $0x6400  }
0x1f3: {  	[sflag:s26] =	ssyncset.done $0x0  }
0x1f4: {  	s25 =	simm.s32 $0x6600;
	[sflag:s26] =	ssyncadd.s32 $0xFFFF9C00  }
0x1f5: {  	v0 =	vld [tilespmem:s25+$0x0]  }
0x1f6: {  	v1 =	vld [tilespmem:s25+$0x80]  }
0x1f7: {  	v2 =	vld [tilespmem:s25+$0x100]  }
0x1f8: {  	v3 =	vld [tilespmem:s25+$0x180];
	_ =	sdelay $0x4  }
0x1f9: {  	v0 =	vld.idx.msk [tilespmem:v0+s19+$0x0], $0xffff  }
0x1fa: {  	v1 =	vld.idx.msk [tilespmem:v1+s20+$0x0], $0xffff  }
0x1fb: {  	v2 =	vld.idx.msk [tilespmem:v2+s21+$0x0], $0xffff  }
0x1fc: {  	v3 =	vld.idx.msk [tilespmem:v3+s22+$0x0], $0xffff;
	_ =	sdelay $0x2  }
0x1fd: {  	v4 =	vld [tilespmem:s25+$0xFFFFFE00];
	v0 =	vor.u32 v0, v1  }
0x1fe: {  	v1 =	vld [tilespmem:s25+$0xFFFFFE80];
	v0 =	vor.u32 v2, v0  }
0x1ff: {  	s0 =	simm.s32 $0xE180;
	v2 =	vld [tilespmem:s25+$0xFFFFFF00];
	v0 =	vor.u32 v3, v0  }
0x200: {  	v3 =	vld [tilespmem:s25+$0xFFFFFF80];
	[tilespmem:s0+$0x0] =	vst v0  }
0x201: {  	v0 =	vld [tilespmem:s25+$0x10]  }
0x202: {  	v5 =	vld [tilespmem:s25+$0x90]  }
0x203: {  	v6 =	vld [tilespmem:s25+$0x110]  }
0x204: {  	v7 =	vld [tilespmem:s25+$0x190]  }
0x205: {  	v4 =	vld.idx.msk [tilespmem:v4+s19+$0x0], $0xffff  }
0x206: {  	v1 =	vld.idx.msk [tilespmem:v1+s20+$0x0], $0xffff  }
0x207: {  	v2 =	vld.idx.msk [tilespmem:v2+s21+$0x0], $0xffff  }
0x208: {  	v3 =	vld.idx.msk [tilespmem:v3+s22+$0x0], $0xffff  }
0x209: {  	v0 =	vld.idx.msk [tilespmem:v0+s19+$0x0], $0xffff  }
0x20a: {  	v5 =	vld.idx.msk [tilespmem:v5+s20+$0x0], $0xffff  }
0x20b: {  	v1 =	vor.u32 v4, v1;
	v4 =	vld.idx.msk [tilespmem:v6+s21+$0x0], $0xffff  }
0x20c: {  	v1 =	vor.u32 v2, v1;
	v2 =	vld.idx.msk [tilespmem:v7+s22+$0x0], $0xffff  }
0x20d: {  	v1 =	vor.u32 v3, v1  }
0x20e: {  	[tilespmem:s0+$0xFFFFFF80] =	vst v1  }
0x20f: {  	v1 =	vld [tilespmem:s25+$0xFFFFFE10];
	v0 =	vor.u32 v0, v5  }
0x210: {  	v3 =	vld [tilespmem:s25+$0xFFFFFE90];
	v0 =	vor.u32 v4, v0  }
0x211: {  	v4 =	vld [tilespmem:s25+$0xFFFFFF10];
	v0 =	vor.u32 v2, v0  }
0x212: {  	v2 =	vld [tilespmem:s25+$0xFFFFFF90];
	[tilespmem:s0+$0x10] =	vst v0  }
0x213: {  	v0 =	vld [tilespmem:s25+$0x20]  }
0x214: {  	v5 =	vld [tilespmem:s25+$0xA0]  }
0x215: {  	v6 =	vld [tilespmem:s25+$0x120]  }
0x216: {  	v7 =	vld [tilespmem:s25+$0x1A0]  }
0x217: {  	v1 =	vld.idx.msk [tilespmem:v1+s19+$0x0], $0xffff  }
0x218: {  	v3 =	vld.idx.msk [tilespmem:v3+s20+$0x0], $0xffff  }
0x219: {  	v4 =	vld.idx.msk [tilespmem:v4+s21+$0x0], $0xffff  }
0x21a: {  	v2 =	vld.idx.msk [tilespmem:v2+s22+$0x0], $0xffff  }
0x21b: {  	v0 =	vld.idx.msk [tilespmem:v0+s19+$0x0], $0xffff  }
0x21c: {  	v5 =	vld.idx.msk [tilespmem:v5+s20+$0x0], $0xffff  }
0x21d: {  	v6 =	vld.idx.msk [tilespmem:v6+s21+$0x0], $0xffff;
	v1 =	vor.u32 v1, v3  }
0x21e: {  	v3 =	vld.idx.msk [tilespmem:v7+s22+$0x0], $0xffff;
	v1 =	vor.u32 v4, v1  }
0x21f: {  	v1 =	vor.u32 v2, v1  }
0x220: {  	[tilespmem:s0+$0xFFFFFF90] =	vst v1  }
0x221: {  	v1 =	vld [tilespmem:s25+$0xFFFFFE20];
	v0 =	vor.u32 v0, v5  }
0x222: {  	v2 =	vld [tilespmem:s25+$0xFFFFFEA0];
	v0 =	vor.u32 v6, v0  }
0x223: {  	v4 =	vld [tilespmem:s25+$0xFFFFFF20];
	v0 =	vor.u32 v3, v0  }
0x224: {  	v3 =	vld [tilespmem:s25+$0xFFFFFFA0];
	[tilespmem:s0+$0x20] =	vst v0  }
0x225: {  	v0 =	vld [tilespmem:s25+$0x30]  }
0x226: {  	v5 =	vld [tilespmem:s25+$0xB0]  }
0x227: {  	v6 =	vld [tilespmem:s25+$0x130]  }
0x228: {  	v7 =	vld [tilespmem:s25+$0x1B0]  }
0x229: {  	v1 =	vld.idx.msk [tilespmem:v1+s19+$0x0], $0xffff  }
0x22a: {  	v2 =	vld.idx.msk [tilespmem:v2+s20+$0x0], $0xffff  }
0x22b: {  	v4 =	vld.idx.msk [tilespmem:v4+s21+$0x0], $0xffff  }
0x22c: {  	v3 =	vld.idx.msk [tilespmem:v3+s22+$0x0], $0xffff  }
0x22d: {  	v0 =	vld.idx.msk [tilespmem:v0+s19+$0x0], $0xffff  }
0x22e: {  	v5 =	vld.idx.msk [tilespmem:v5+s20+$0x0], $0xffff  }
0x22f: {  	v6 =	vld.idx.msk [tilespmem:v6+s21+$0x0], $0xffff;
	v1 =	vor.u32 v1, v2  }
0x230: {  	v2 =	vld.idx.msk [tilespmem:v7+s22+$0x0], $0xffff;
	v1 =	vor.u32 v4, v1  }
0x231: {  	v1 =	vor.u32 v3, v1  }
0x232: {  	[tilespmem:s0+$0xFFFFFFA0] =	vst v1  }
0x233: {  	v1 =	vld [tilespmem:s25+$0xFFFFFE30];
	v0 =	vor.u32 v0, v5  }
0x234: {  	v3 =	vld [tilespmem:s25+$0xFFFFFEB0];
	v0 =	vor.u32 v6, v0  }
0x235: {  	v4 =	vld [tilespmem:s25+$0xFFFFFF30];
	v0 =	vor.u32 v2, v0  }
0x236: {  	v2 =	vld [tilespmem:s25+$0xFFFFFFB0];
	[tilespmem:s0+$0x30] =	vst v0  }
0x237: {  	v0 =	vld [tilespmem:s25+$0x40]  }
0x238: {  	v5 =	vld [tilespmem:s25+$0xC0]  }
0x239: {  	v6 =	vld [tilespmem:s25+$0x140]  }
0x23a: {  	v7 =	vld [tilespmem:s25+$0x1C0]  }
0x23b: {  	v1 =	vld.idx.msk [tilespmem:v1+s19+$0x0], $0xffff  }
0x23c: {  	v3 =	vld.idx.msk [tilespmem:v3+s20+$0x0], $0xffff  }
0x23d: {  	v4 =	vld.idx.msk [tilespmem:v4+s21+$0x0], $0xffff  }
0x23e: {  	v2 =	vld.idx.msk [tilespmem:v2+s22+$0x0], $0xffff  }
0x23f: {  	v0 =	vld.idx.msk [tilespmem:v0+s19+$0x0], $0xffff  }
0x240: {  	v5 =	vld.idx.msk [tilespmem:v5+s20+$0x0], $0xffff  }
0x241: {  	v6 =	vld.idx.msk [tilespmem:v6+s21+$0x0], $0xffff;
	v1 =	vor.u32 v1, v3  }
0x242: {  	s1 =	simm.s32 $0x6A00;
	v3 =	vld.idx.msk [tilespmem:v7+s22+$0x0], $0xffff;
	v1 =	vor.u32 v4, v1  }
0x243: {  	v10 =	vld [tilespmem:s1+$0xFFFFFE00];
	v1 =	vor.u32 v2, v1  }
0x244: {  	v12 =	vld [tilespmem:s1+$0x80];
	[tilespmem:s0+$0xFFFFFFB0] =	vst v1  }
0x245: {  	v1 =	vld [tilespmem:s25+$0xFFFFFE40];
	v0 =	vor.u32 v0, v5  }
0x246: {  	v2 =	vld [tilespmem:s25+$0xFFFFFEC0];
	v0 =	vor.u32 v6, v0  }
0x247: {  	v4 =	vld [tilespmem:s25+$0xFFFFFF40];
	v0 =	vor.u32 v3, v0  }
0x248: {  	v3 =	vld [tilespmem:s25+$0xFFFFFFC0];
	[tilespmem:s0+$0x40] =	vst v0  }
0x249: {  	v0 =	vld [tilespmem:s25+$0x50]  }
0x24a: {  	v5 =	vld [tilespmem:s25+$0xD0]  }
0x24b: {  	v6 =	vld [tilespmem:s25+$0x150]  }
0x24c: {  	v7 =	vld [tilespmem:s25+$0x1D0]  }
0x24d: {  	v1 =	vld.idx.msk [tilespmem:v1+s19+$0x0], $0xffff  }
0x24e: {  	v2 =	vld.idx.msk [tilespmem:v2+s20+$0x0], $0xffff  }
0x24f: {  	v4 =	vld.idx.msk [tilespmem:v4+s21+$0x0], $0xffff  }
0x250: {  	v3 =	vld.idx.msk [tilespmem:v3+s22+$0x0], $0xffff  }
0x251: {  	v0 =	vld.idx.msk [tilespmem:v0+s19+$0x0], $0xffff  }
0x252: {  	v5 =	vld.idx.msk [tilespmem:v5+s20+$0x0], $0xffff  }
0x253: {  	v6 =	vld.idx.msk [tilespmem:v6+s21+$0x0], $0xffff  }
0x254: {  	v1 =	vor.u32 v1, v2;
	v2 =	vld.idx.msk [tilespmem:v7+s22+$0x0], $0xffff  }
0x255: {  	v11 =	vld [tilespmem:s1+$0xFFFFFF00]  }
0x256: {  	v17 =	vld [tilespmem:s1+$0xFFFFFF80];
	v1 =	vor.u32 v4, v1  }
0x257: {  	v12 =	vld.idx.msk [tilespmem:v12+s20+$0x0], $0xffff;
	v1 =	vor.u32 v3, v1;
	v0 =	vor.u32 v0, v5  }
0x258: {  	v10 =	vld.idx.msk [tilespmem:v10+s19+$0x0], $0xffff;
	[tilespmem:s0+$0xFFFFFFC0] =	vst v1;
	v0 =	vor.u32 v6, v0  }
0x259: {  	v1 =	vld [tilespmem:s25+$0xFFFFFE50];
	v0 =	vor.u32 v2, v0  }
0x25a: {  	v4 =	vld [tilespmem:s25+$0xFFFFFF50];
	[tilespmem:s0+$0x50] =	vst v0  }
0x25b: {  	v0 =	vld [tilespmem:s25+$0x60]  }
0x25c: {  	v2 =	vld [tilespmem:s25+$0xE0]  }
0x25d: {  	v5 =	vld [tilespmem:s25+$0x160]  }
0x25e: {  	v7 =	vld [tilespmem:s25+$0x1E0]  }
0x25f: {  	v3 =	vld [tilespmem:s25+$0xFFFFFED0]  }
0x260: {  	v6 =	vld [tilespmem:s25+$0xFFFFFFD0]  }
0x261: {  	v1 =	vld.idx.msk [tilespmem:v1+s19+$0x0], $0xffff  }
0x262: {  	v9 =	vld.idx.msk [tilespmem:v4+s21+$0x0], $0xffff  }
0x263: {  	v0 =	vld.idx.msk [tilespmem:v0+s19+$0x0], $0xffff  }
0x264: {  	v2 =	vld.idx.msk [tilespmem:v2+s20+$0x0], $0xffff  }
0x265: {  	v4 =	vld.idx.msk [tilespmem:v5+s21+$0x0], $0xffff  }
0x266: {  	v5 =	vld.idx.msk [tilespmem:v7+s22+$0x0], $0xffff  }
0x267: {  	v8 =	vld.idx.msk [tilespmem:v3+s20+$0x0], $0xffff  }
0x268: {  	v3 =	vld [tilespmem:s1+$0x0]  }
0x269: {  	v0 =	vor.u32 v0, v2;
	v2 =	vld [tilespmem:s1+$0x100]  }
0x26a: {  	v0 =	vor.u32 v4, v0;
	v4 =	vld [tilespmem:s1+$0x180]  }
0x26b: {  	v6 =	vld.idx.msk [tilespmem:v6+s22+$0x0], $0xffff;
	v0 =	vor.u32 v5, v0  }
0x26c: {  	v7 =	vld [tilespmem:s1+$0xFFFFFE80];
	[tilespmem:s0+$0x60] =	vst v0  }
0x26d: {  	v0 =	vld [tilespmem:s25+$0x70]  }
0x26e: {  	v11 =	vld.idx.msk [tilespmem:v11+s21+$0x0], $0xffff  }
0x26f: {  	v45 =	vld.idx.msk [tilespmem:v17+s22+$0x0], $0xffff;
	v1 =	vor.u32 v1, v8  }
0x270: {  	v1 =	vor.u32 v9, v1;
	v5 =	vld.idx.msk [tilespmem:v3+s19+$0x0], $0xffff  }
0x271: {  	v1 =	vor.u32 v6, v1;
	v15 =	vld.idx.msk [tilespmem:v2+s21+$0x0], $0xffff  }
0x272: {  	[tilespmem:s0+$0xFFFFFFD0] =	vst v1;
	v16 =	vld.idx.msk [tilespmem:v4+s22+$0x0], $0xffff  }
0x273: {  	v9 =	vld [tilespmem:s25+$0xFFFFFE60]  }
0x274: {  	v7 =	vld.idx.msk [tilespmem:v7+s20+$0x0], $0xffff  }
0x275: {  	v2 =	vld.idx.msk [tilespmem:v0+s19+$0x0], $0xffff;
	v0 =	vor.u32 v5, v12  }
0x276: {  	v3 =	vld [tilespmem:s25+$0xF0];
	v0 =	vor.u32 v15, v0  }
0x277: {  	s13 =	simm.s32 $0xE280;
	v13 =	vld [tilespmem:s25+$0x170];
	v0 =	vor.u32 v16, v0  }
0x278: {  	v14 =	vld [tilespmem:s25+$0x1F0];
	[tilespmem:s13+$0x0] =	vst v0  }
0x279: {  	v7 =	vor.u32 v10, v7;
	v0 =	vld [tilespmem:s1+$0x10]  }
0x27a: {  	v7 =	vor.u32 v11, v7;
	v42 =	vld [tilespmem:s1+$0x90]  }
0x27b: {  	v7 =	vor.u32 v45, v7;
	v43 =	vld [tilespmem:s1+$0x110]  }
0x27c: {  	[tilespmem:s13+$0xFFFFFF80] =	vst v7;
	v44 =	vld [tilespmem:s1+$0x190]  }
0x27d: {  	v7 =	vld [tilespmem:s1+$0xFFFFFE10]  }
0x27e: {  	v8 =	vld [tilespmem:s1+$0xFFFFFE90]  }
0x27f: {  	v6 =	vld [tilespmem:s1+$0xFFFFFF10]  }
0x280: {  	v1 =	vld [tilespmem:s1+$0xFFFFFF90]  }
0x281: {  	v0 =	vld.idx.msk [tilespmem:v0+s19+$0x0], $0xffff  }
0x282: {  	v10 =	vld.idx.msk [tilespmem:v42+s20+$0x0], $0xffff  }
0x283: {  	v11 =	vld.idx.msk [tilespmem:v43+s21+$0x0], $0xffff  }
0x284: {  	v46 =	vld.idx.msk [tilespmem:v44+s22+$0x0], $0xffff  }
0x285: {  	v3 =	vld.idx.msk [tilespmem:v3+s20+$0x0], $0xffff  }
0x286: {  	v4 =	vld.idx.msk [tilespmem:v13+s21+$0x0], $0xffff  }
0x287: {  	v7 =	vld.idx.msk [tilespmem:v7+s19+$0x0], $0xffff;
	v0 =	vor.u32 v0, v10  }
0x288: {  	v8 =	vld.idx.msk [tilespmem:v8+s20+$0x0], $0xffff;
	v0 =	vor.u32 v11, v0  }
0x289: {  	v6 =	vld.idx.msk [tilespmem:v6+s21+$0x0], $0xffff;
	v0 =	vor.u32 v46, v0  }
0x28a: {  	v1 =	vld.idx.msk [tilespmem:v1+s22+$0x0], $0xffff;
	[tilespmem:s13+$0x10] =	vst v0  }
0x28b: {  	v10 =	vld [tilespmem:s1+$0x20]  }
0x28c: {  	v11 =	vld [tilespmem:s1+$0xA0]  }
0x28d: {  	v47 =	vld [tilespmem:s1+$0x120]  }
0x28e: {  	v48 =	vld [tilespmem:s1+$0x1A0]  }
0x28f: {  	v5 =	vld.idx.msk [tilespmem:v14+s22+$0x0], $0xffff;
	v7 =	vor.u32 v7, v8  }
0x290: {  	v6 =	vor.u32 v6, v7;
	v7 =	vld [tilespmem:s25+$0xFFFFFF60]  }
0x291: {  	v1 =	vor.u32 v1, v6;
	v6 =	vld [tilespmem:s25+$0xFFFFFFE0]  }
0x292: {  	[tilespmem:s13+$0xFFFFFF90] =	vst v1;
	v1 =	vld.idx.msk [tilespmem:v9+s19+$0x0], $0xffff  }
0x293: {  	v10 =	vld.idx.msk [tilespmem:v10+s19+$0x0], $0xffff  }
0x294: {  	v11 =	vld.idx.msk [tilespmem:v11+s20+$0x0], $0xffff  }
0x295: {  	v12 =	vld.idx.msk [tilespmem:v47+s21+$0x0], $0xffff  }
0x296: {  	v8 =	vld.idx.msk [tilespmem:v48+s22+$0x0], $0xffff  }
0x297: {  	v9 =	vld [tilespmem:s1+$0xFFFFFE20]  }
0x298: {  	v49 =	vld [tilespmem:s1+$0xFFFFFF20]  }
0x299: {  	v0 =	vld [tilespmem:s25+$0xFFFFFEE0];
	v10 =	vor.u32 v10, v11  }
0x29a: {  	v11 =	vld [tilespmem:s1+$0xFFFFFEA0];
	v10 =	vor.u32 v12, v10  }
0x29b: {  	v7 =	vld.idx.msk [tilespmem:v7+s21+$0x0], $0xffff;
	v8 =	vor.u32 v8, v10  }
0x29c: {  	v10 =	vld [tilespmem:s1+$0xFFFFFFA0];
	[tilespmem:s13+$0x20] =	vst v8  }
0x29d: {  	v8 =	vld [tilespmem:s1+$0x30]  }
0x29e: {  	v50 =	vld [tilespmem:s1+$0xB0]  }
0x29f: {  	v51 =	vld [tilespmem:s1+$0x130]  }
0x2a0: {  	v52 =	vld [tilespmem:s1+$0x1B0]  }
0x2a1: {  	v9 =	vld.idx.msk [tilespmem:v9+s19+$0x0], $0xffff  }
0x2a2: {  	v11 =	vld.idx.msk [tilespmem:v11+s20+$0x0], $0xffff  }
0x2a3: {  	v12 =	vld.idx.msk [tilespmem:v49+s21+$0x0], $0xffff  }
0x2a4: {  	v10 =	vld.idx.msk [tilespmem:v10+s22+$0x0], $0xffff  }
0x2a5: {  	v8 =	vld.idx.msk [tilespmem:v8+s19+$0x0], $0xffff  }
0x2a6: {  	v13 =	vld.idx.msk [tilespmem:v50+s20+$0x0], $0xffff  }
0x2a7: {  	v14 =	vld.idx.msk [tilespmem:v51+s21+$0x0], $0xffff;
	v9 =	vor.u32 v9, v11  }
0x2a8: {  	v11 =	vld.idx.msk [tilespmem:v52+s22+$0x0], $0xffff;
	v9 =	vor.u32 v12, v9  }
0x2a9: {  	v6 =	vld.idx.msk [tilespmem:v6+s22+$0x0], $0xffff;
	v9 =	vor.u32 v10, v9  }
0x2aa: {  	v0 =	vld.idx.msk [tilespmem:v0+s20+$0x0], $0xffff;
	[tilespmem:s13+$0xFFFFFFA0] =	vst v9  }
0x2ab: {  	v9 =	vld [tilespmem:s1+$0xFFFFFE30];
	v8 =	vor.u32 v8, v13  }
0x2ac: {  	v10 =	vld [tilespmem:s1+$0xFFFFFEB0];
	v8 =	vor.u32 v14, v8  }
0x2ad: {  	v53 =	vld [tilespmem:s1+$0xFFFFFF30];
	v8 =	vor.u32 v11, v8  }
0x2ae: {  	v11 =	vld [tilespmem:s1+$0xFFFFFFB0];
	[tilespmem:s13+$0x30] =	vst v8  }
0x2af: {  	v8 =	vld [tilespmem:s1+$0x40]  }
0x2b0: {  	v54 =	vld [tilespmem:s1+$0xC0]  }
0x2b1: {  	v55 =	vld [tilespmem:s1+$0x140]  }
0x2b2: {  	v56 =	vld [tilespmem:s1+$0x1C0]  }
0x2b3: {  	v9 =	vld.idx.msk [tilespmem:v9+s19+$0x0], $0xffff  }
0x2b4: {  	v10 =	vld.idx.msk [tilespmem:v10+s20+$0x0], $0xffff  }
0x2b5: {  	v12 =	vld.idx.msk [tilespmem:v53+s21+$0x0], $0xffff  }
0x2b6: {  	v11 =	vld.idx.msk [tilespmem:v11+s22+$0x0], $0xffff  }
0x2b7: {  	v0 =	vor.u32 v1, v0;
	v1 =	vld.idx.msk [tilespmem:v8+s19+$0x0], $0xffff  }
0x2b8: {  	v0 =	vor.u32 v7, v0;
	v7 =	vld.idx.msk [tilespmem:v54+s20+$0x0], $0xffff  }
0x2b9: {  	v0 =	vor.u32 v6, v0;
	v6 =	vld.idx.msk [tilespmem:v55+s21+$0x0], $0xffff  }
0x2ba: {  	[tilespmem:s0+$0xFFFFFFE0] =	vst v0;
	v8 =	vld.idx.msk [tilespmem:v56+s22+$0x0], $0xffff;
	v0 =	vor.u32 v9, v10  }
0x2bb: {  	v9 =	vld [tilespmem:s25+$0xFFFFFE70];
	v0 =	vor.u32 v12, v0  }
0x2bc: {  	v10 =	vld [tilespmem:s25+$0xFFFFFEF0];
	v0 =	vor.u32 v11, v0  }
0x2bd: {  	[tilespmem:s13+$0xFFFFFFB0] =	vst v0;
	v0 =	vld [tilespmem:s25+$0xFFFFFF70]  }
0x2be: {  	v11 =	vld [tilespmem:s1+$0xFFFFFE40];
	v1 =	vor.u32 v1, v7  }
0x2bf: {  	v7 =	vld [tilespmem:s1+$0xFFFFFEC0];
	v1 =	vor.u32 v6, v1  }
0x2c0: {  	v6 =	vld [tilespmem:s1+$0xFFFFFF40];
	v1 =	vor.u32 v8, v1  }
0x2c1: {  	v8 =	vld [tilespmem:s1+$0xFFFFFFC0];
	[tilespmem:s13+$0x40] =	vst v1  }
0x2c2: {  	v1 =	vld [tilespmem:s1+$0x50]  }
0x2c3: {  	v57 =	vld [tilespmem:s1+$0xD0]  }
0x2c4: {  	v58 =	vld [tilespmem:s1+$0x150]  }
0x2c5: {  	v59 =	vld [tilespmem:s1+$0x1D0]  }
0x2c6: {  	v10 =	vld.idx.msk [tilespmem:v10+s20+$0x0], $0xffff  }
0x2c7: {  	v11 =	vld.idx.msk [tilespmem:v11+s19+$0x0], $0xffff  }
0x2c8: {  	v7 =	vld.idx.msk [tilespmem:v7+s20+$0x0], $0xffff  }
0x2c9: {  	v6 =	vld.idx.msk [tilespmem:v6+s21+$0x0], $0xffff  }
0x2ca: {  	v8 =	vld.idx.msk [tilespmem:v8+s22+$0x0], $0xffff  }
0x2cb: {  	v60 =	vld.idx.msk [tilespmem:v1+s19+$0x0], $0xffff  }
0x2cc: {  	v12 =	vld.idx.msk [tilespmem:v57+s20+$0x0], $0xffff  }
0x2cd: {  	v13 =	vld.idx.msk [tilespmem:v58+s21+$0x0], $0xffff;
	v1 =	vor.u32 v11, v7  }
0x2ce: {  	v7 =	vld.idx.msk [tilespmem:v59+s22+$0x0], $0xffff;
	v6 =	vor.u32 v6, v1  }
0x2cf: {  	v11 =	vld.idx.msk [tilespmem:v9+s19+$0x0], $0xffff;
	v6 =	vor.u32 v8, v6  }
0x2d0: {  	v1 =	vld [tilespmem:s25+$0xFFFFFFF0];
	[tilespmem:s13+$0xFFFFFFC0] =	vst v6  }
0x2d1: {  	v61 =	vld [tilespmem:s1+$0xFFFFFE50];
	v6 =	vor.u32 v60, v12  }
0x2d2: {  	v62 =	vld [tilespmem:s1+$0xFFFFFED0];
	v6 =	vor.u32 v13, v6  }
0x2d3: {  	v63 =	vld [tilespmem:s1+$0xFFFFFF50];
	v7 =	vor.u32 v7, v6  }
0x2d4: {  	v6 =	vld [tilespmem:s1+$0xFFFFFFD0];
	[tilespmem:s13+$0x50] =	vst v7  }
0x2d5: {  	v9 =	vld [tilespmem:s1+$0x60]  }
0x2d6: {  	v7 =	vld [tilespmem:s1+$0xE0]  }
0x2d7: {  	v8 =	vld [tilespmem:s1+$0x160]  }
0x2d8: {  	v2 =	vor.u32 v2, v3;
	v3 =	vld [tilespmem:s1+$0x1E0]  }
0x2d9: {  	v2 =	vor.u32 v4, v2;
	v4 =	vld.idx.msk [tilespmem:v61+s19+$0x0], $0xffff  }
0x2da: {  	v2 =	vor.u32 v5, v2;
	v5 =	vld.idx.msk [tilespmem:v62+s20+$0x0], $0xffff  }
0x2db: {  	s28 =	simm.s32 $0x6E00;
	s17 =	simm.s32 $0xE280;
	[tilespmem:s0+$0x70] =	vst v2;
	s25 =	simm.s32 $0x2;
	v2 =	vor.u32 v11, v10;
	v10 =	vld.idx.msk [tilespmem:v63+s21+$0x0], $0xffff  }
.LBB2_4:
0x2dc: {  	v11 =	vld [tilespmem:s28+$0x0]  }
0x2dd: {  	v9 =	vld.idx.msk [tilespmem:v9+s19+$0x0], $0xffff  }
0x2de: {  	v7 =	vld.idx.msk [tilespmem:v7+s20+$0x0], $0xffff  }
0x2df: {  	v8 =	vld.idx.msk [tilespmem:v8+s21+$0x0], $0xffff  }
0x2e0: {  	v4 =	vor.u32 v4, v5;
	v3 =	vld.idx.msk [tilespmem:v3+s22+$0x0], $0xffff  }
0x2e1: {  	v4 =	vor.u32 v10, v4;
	v5 =	vld [tilespmem:s28+$0xFFFFFE80]  }
0x2e2: {  	v10 =	vld [tilespmem:s28+$0xFFFFFE00]  }
0x2e3: {  	v12 =	vld [tilespmem:s28+$0xFFFFFF00]  }
0x2e4: {  	v7 =	vor.u32 v9, v7;
	v13 =	vld [tilespmem:s28+$0x80]  }
0x2e5: {  	v7 =	vor.u32 v8, v7;
	v9 =	vld [tilespmem:s28+$0x100]  }
0x2e6: {  	v3 =	vor.u32 v3, v7;
	v8 =	vld [tilespmem:s28+$0x180]  }
0x2e7: {  	v7 =	vld.idx.msk [tilespmem:v11+s19+$0x0], $0xffff;
	[tilespmem:s13+$0x60] =	vst v3  }
0x2e8: {  	v3 =	vld [tilespmem:s1+$0x70]  }
0x2e9: {  	v11 =	vld [tilespmem:s1+$0xF0]  }
0x2ea: {  	v14 =	vld [tilespmem:s1+$0x170]  }
0x2eb: {  	s25 =	sadd.s32 $0x2, s25;
	v15 =	vld [tilespmem:s1+$0x1F0]  }
0x2ec: {  	p0 =	slt.u32 s25, $0x30;
	v13 =	vld.idx.msk [tilespmem:v13+s20+$0x0], $0xffff  }
0x2ed: {  	v9 =	vld.idx.msk [tilespmem:v9+s21+$0x0], $0xffff  }
0x2ee: {  	v8 =	vld.idx.msk [tilespmem:v8+s22+$0x0], $0xffff  }
0x2ef: {  	v16 =	vld [tilespmem:s28+$0xFFFFFF80]  }
0x2f0: {  	v3 =	vld.idx.msk [tilespmem:v3+s19+$0x0], $0xffff  }
0x2f1: {  	v11 =	vld.idx.msk [tilespmem:v11+s20+$0x0], $0xffff  }
0x2f2: {  	v7 =	vor.u32 v7, v13;
	v13 =	vld.idx.msk [tilespmem:v14+s21+$0x0], $0xffff  }
0x2f3: {  	v7 =	vor.u32 v9, v7;
	v9 =	vld.idx.msk [tilespmem:v15+s22+$0x0], $0xffff  }
0x2f4: {  	s13 =	sadd.s32 $0x100, s13;
	v7 =	vor.u32 v8, v7;
	v10 =	vld.idx.msk [tilespmem:v10+s19+$0x0], $0xffff  }
0x2f5: {  	v5 =	vld.idx.msk [tilespmem:v5+s20+$0x0], $0xffff;
	[tilespmem:s13+$0x0] =	vst v7  }
0x2f6: {  	v7 =	vld [tilespmem:s28+$0x10]  }
0x2f7: {  	v3 =	vor.u32 v3, v11;
	v8 =	vld [tilespmem:s28+$0x90]  }
0x2f8: {  	v3 =	vor.u32 v13, v3;
	v11 =	vld [tilespmem:s28+$0x110]  }
0x2f9: {  	v3 =	vor.u32 v9, v3;
	v13 =	vld [tilespmem:s28+$0x190]  }
0x2fa: {  	v9 =	vld.idx.msk [tilespmem:v12+s21+$0x0], $0xffff;
	[tilespmem:s17+$0x70] =	vst v3  }
0x2fb: {  	v3 =	vor.u32 v10, v5;
	v5 =	vld.idx.msk [tilespmem:v16+s22+$0x0], $0xffff  }
0x2fc: {  	v6 =	vld.idx.msk [tilespmem:v6+s22+$0x0], $0xffff  }
0x2fd: {  	v0 =	vld.idx.msk [tilespmem:v0+s21+$0x0], $0xffff  }
0x2fe: {  	v7 =	vld.idx.msk [tilespmem:v7+s19+$0x0], $0xffff  }
0x2ff: {  	v8 =	vld.idx.msk [tilespmem:v8+s20+$0x0], $0xffff  }
0x300: {  	v3 =	vor.u32 v9, v3;
	v9 =	vld.idx.msk [tilespmem:v11+s21+$0x0], $0xffff  }
0x301: {  	v3 =	vor.u32 v5, v3;
	v5 =	vld.idx.msk [tilespmem:v13+s22+$0x0], $0xffff  }
0x302: {  	[tilespmem:s13+$0xFFFFFF80] =	vst v3;
	v3 =	vor.u32 v6, v4;
	v1 =	vld.idx.msk [tilespmem:v1+s22+$0x0], $0xffff  }
0x303: {  	v0 =	vor.u32 v0, v2;
	v4 =	vld [tilespmem:s28+$0xFFFFFE10];
	[tilespmem:s17+$0xFFFFFFD0] =	vst v3  }
0x304: {  	v2 =	vld [tilespmem:s28+$0xFFFFFE90]  }
0x305: {  	v6 =	vor.u32 v7, v8;
	v3 =	vld [tilespmem:s28+$0xFFFFFF10]  }
0x306: {  	v6 =	vor.u32 v9, v6;
	v7 =	vld [tilespmem:s28+$0xFFFFFF90]  }
0x307: {  	v5 =	vor.u32 v5, v6;
	v6 =	vld [tilespmem:s1+$0xFFFFFE60]  }
0x308: {  	v0 =	vor.u32 v1, v0;
	[tilespmem:s13+$0x10] =	vst v5;
	v5 =	vld [tilespmem:s1+$0xFFFFFEE0]  }
0x309: {  	v1 =	vld [tilespmem:s28+$0x20];
	[tilespmem:s0+$0xFFFFFFF0] =	vst v0;
	s0 =	smov.u32 s17;
	s17 =	smov.u32 s13  }
0x30a: {  	v0 =	vld [tilespmem:s28+$0xA0]  }
0x30b: {  	v8 =	vld [tilespmem:s28+$0x120]  }
0x30c: {  	v9 =	vld [tilespmem:s28+$0x1A0]  }
0x30d: {  	v4 =	vld.idx.msk [tilespmem:v4+s19+$0x0], $0xffff  }
0x30e: {  	v2 =	vld.idx.msk [tilespmem:v2+s20+$0x0], $0xffff  }
0x30f: {  	v3 =	vld.idx.msk [tilespmem:v3+s21+$0x0], $0xffff  }
0x310: {  	v7 =	vld.idx.msk [tilespmem:v7+s22+$0x0], $0xffff  }
0x311: {  	v1 =	vld.idx.msk [tilespmem:v1+s19+$0x0], $0xffff  }
0x312: {  	v0 =	vld.idx.msk [tilespmem:v0+s20+$0x0], $0xffff  }
0x313: {  	v8 =	vld.idx.msk [tilespmem:v8+s21+$0x0], $0xffff  }
0x314: {  	v2 =	vor.u32 v4, v2;
	v4 =	vld.idx.msk [tilespmem:v9+s22+$0x0], $0xffff  }
0x315: {  	v2 =	vor.u32 v3, v2;
	v3 =	vld [tilespmem:s1+$0xFFFFFF60]  }
0x316: {  	v2 =	vor.u32 v7, v2;
	v7 =	vld [tilespmem:s1+$0xFFFFFFE0]  }
0x317: {  	[tilespmem:s13+$0xFFFFFF90] =	vst v2;
	v2 =	vld.idx.msk [tilespmem:v6+s19+$0x0], $0xffff  }
0x318: {  	v0 =	vor.u32 v1, v0;
	v6 =	vld [tilespmem:s28+$0xFFFFFE20]  }
0x319: {  	v0 =	vor.u32 v8, v0;
	v1 =	vld [tilespmem:s28+$0xFFFFFEA0]  }
0x31a: {  	v0 =	vor.u32 v4, v0;
	v8 =	vld [tilespmem:s28+$0xFFFFFF20]  }
0x31b: {  	v4 =	vld [tilespmem:s28+$0xFFFFFFA0];
	[tilespmem:s13+$0x20] =	vst v0  }
0x31c: {  	v0 =	vld [tilespmem:s28+$0x30]  }
0x31d: {  	v9 =	vld [tilespmem:s28+$0xB0]  }
0x31e: {  	v10 =	vld [tilespmem:s28+$0x130]  }
0x31f: {  	v11 =	vld [tilespmem:s28+$0x1B0]  }
0x320: {  	v6 =	vld.idx.msk [tilespmem:v6+s19+$0x0], $0xffff  }
0x321: {  	v1 =	vld.idx.msk [tilespmem:v1+s20+$0x0], $0xffff  }
0x322: {  	v8 =	vld.idx.msk [tilespmem:v8+s21+$0x0], $0xffff  }
0x323: {  	v4 =	vld.idx.msk [tilespmem:v4+s22+$0x0], $0xffff  }
0x324: {  	v0 =	vld.idx.msk [tilespmem:v0+s19+$0x0], $0xffff  }
0x325: {  	v9 =	vld.idx.msk [tilespmem:v9+s20+$0x0], $0xffff  }
0x326: {  	v10 =	vld.idx.msk [tilespmem:v10+s21+$0x0], $0xffff  }
0x327: {  	v1 =	vor.u32 v6, v1;
	v6 =	vld.idx.msk [tilespmem:v11+s22+$0x0], $0xffff  }
0x328: {  	v1 =	vor.u32 v8, v1;
	v5 =	vld.idx.msk [tilespmem:v5+s20+$0x0], $0xffff  }
0x329: {  	v1 =	vor.u32 v4, v1;
	v3 =	vld.idx.msk [tilespmem:v3+s21+$0x0], $0xffff  }
0x32a: {  	[tilespmem:s13+$0xFFFFFFA0] =	vst v1;
	v1 =	vld.idx.msk [tilespmem:v7+s22+$0x0], $0xffff  }
0x32b: {  	v0 =	vor.u32 v0, v9;
	v4 =	vld [tilespmem:s28+$0xFFFFFE30]  }
0x32c: {  	v0 =	vor.u32 v10, v0;
	v7 =	vld [tilespmem:s28+$0xFFFFFEB0]  }
0x32d: {  	v0 =	vor.u32 v6, v0;
	v8 =	vld [tilespmem:s28+$0xFFFFFF30]  }
0x32e: {  	v6 =	vld [tilespmem:s28+$0xFFFFFFB0];
	[tilespmem:s13+$0x30] =	vst v0;
	v0 =	vor.u32 v2, v5  }
0x32f: {  	v2 =	vld [tilespmem:s28+$0x40];
	v0 =	vor.u32 v3, v0  }
0x330: {  	v3 =	vld [tilespmem:s28+$0xC0];
	v0 =	vor.u32 v1, v0  }
0x331: {  	v1 =	vld [tilespmem:s28+$0x140];
	[tilespmem:s0+$0xFFFFFFE0] =	vst v0  }
0x332: {  	v0 =	vld [tilespmem:s28+$0x1C0]  }
0x333: {  	v4 =	vld.idx.msk [tilespmem:v4+s19+$0x0], $0xffff  }
0x334: {  	v5 =	vld.idx.msk [tilespmem:v7+s20+$0x0], $0xffff  }
0x335: {  	v7 =	vld.idx.msk [tilespmem:v8+s21+$0x0], $0xffff  }
0x336: {  	v6 =	vld.idx.msk [tilespmem:v6+s22+$0x0], $0xffff  }
0x337: {  	v2 =	vld.idx.msk [tilespmem:v2+s19+$0x0], $0xffff  }
0x338: {  	v3 =	vld.idx.msk [tilespmem:v3+s20+$0x0], $0xffff  }
0x339: {  	v1 =	vld.idx.msk [tilespmem:v1+s21+$0x0], $0xffff  }
0x33a: {  	v4 =	vor.u32 v4, v5;
	v5 =	vld.idx.msk [tilespmem:v0+s22+$0x0], $0xffff  }
0x33b: {  	v0 =	vor.u32 v7, v4;
	v4 =	vld [tilespmem:s1+$0xFFFFFE70]  }
0x33c: {  	v0 =	vor.u32 v6, v0;
	v6 =	vld [tilespmem:s1+$0xFFFFFEF0]  }
0x33d: {  	[tilespmem:s13+$0xFFFFFFB0] =	vst v0;
	v0 =	vld [tilespmem:s1+$0xFFFFFF70]  }
0x33e: {  	v2 =	vor.u32 v2, v3;
	v7 =	vld [tilespmem:s28+$0xFFFFFE40]  }
0x33f: {  	v1 =	vor.u32 v1, v2;
	v3 =	vld [tilespmem:s28+$0xFFFFFEC0]  }
0x340: {  	v1 =	vor.u32 v5, v1;
	v2 =	vld [tilespmem:s28+$0xFFFFFF40]  }
0x341: {  	v5 =	vld [tilespmem:s28+$0xFFFFFFC0];
	[tilespmem:s13+$0x40] =	vst v1  }
0x342: {  	v1 =	vld [tilespmem:s28+$0x50]  }
0x343: {  	v8 =	vld [tilespmem:s28+$0xD0]  }
0x344: {  	v9 =	vld [tilespmem:s28+$0x150]  }
0x345: {  	v10 =	vld [tilespmem:s28+$0x1D0]  }
0x346: {  	v7 =	vld.idx.msk [tilespmem:v7+s19+$0x0], $0xffff  }
0x347: {  	v3 =	vld.idx.msk [tilespmem:v3+s20+$0x0], $0xffff  }
0x348: {  	v2 =	vld.idx.msk [tilespmem:v2+s21+$0x0], $0xffff  }
0x349: {  	v5 =	vld.idx.msk [tilespmem:v5+s22+$0x0], $0xffff  }
0x34a: {  	v11 =	vld.idx.msk [tilespmem:v1+s19+$0x0], $0xffff  }
0x34b: {  	v8 =	vld.idx.msk [tilespmem:v8+s20+$0x0], $0xffff  }
0x34c: {  	v9 =	vld.idx.msk [tilespmem:v9+s21+$0x0], $0xffff  }
0x34d: {  	v1 =	vor.u32 v7, v3;
	v3 =	vld.idx.msk [tilespmem:v10+s22+$0x0], $0xffff  }
0x34e: {  	v2 =	vor.u32 v2, v1;
	v1 =	vld [tilespmem:s1+$0xFFFFFFF0];
	s1 =	smov.u32 s28  }
0x34f: {  	v2 =	vor.u32 v5, v2;
	v4 =	vld.idx.msk [tilespmem:v4+s19+$0x0], $0xffff  }
0x350: {  	[tilespmem:s13+$0xFFFFFFC0] =	vst v2;
	v2 =	vld.idx.msk [tilespmem:v6+s20+$0x0], $0xffff  }
0x351: {  	v6 =	vor.u32 v11, v8;
	v5 =	vld [tilespmem:s28+$0xFFFFFE50]  }
0x352: {  	v6 =	vor.u32 v9, v6;
	v10 =	vld [tilespmem:s28+$0xFFFFFED0]  }
0x353: {  	v3 =	vor.u32 v3, v6;
	v11 =	vld [tilespmem:s28+$0xFFFFFF50]  }
0x354: {  	v6 =	vld [tilespmem:s28+$0xFFFFFFD0];
	[tilespmem:s13+$0x50] =	vst v3  }
0x355: {  	v9 =	vld [tilespmem:s28+$0x60]  }
0x356: {  	v2 =	vor.u32 v4, v2;
	v7 =	vld [tilespmem:s28+$0xE0]  }
.Ltmp1:
0x357: {  	v8 =	vld [tilespmem:s28+$0x160];
	(pc) =	sbr.rel @p0 .LBB2_4-.Ltmp1, $4  }
0x358: {  	v3 =	vld [tilespmem:s28+$0x1E0]  }
0x359: {  	v4 =	vld.idx.msk [tilespmem:v5+s19+$0x0], $0xffff  }
0x35a: {  	v5 =	vld.idx.msk [tilespmem:v10+s20+$0x0], $0xffff  }
0x35b: {  	s28 =	sadd.s32 $0x400, s28;
	v10 =	vld.idx.msk [tilespmem:v11+s21+$0x0], $0xffff  }
0x35c: {  	_ =	sdelay $0x3  }
0x35d: {  	v6 =	vld.idx.msk [tilespmem:v6+s22+$0x0], $0xffff;
	_ =	sdelay $0x2  }
0x35e: {  	v9 =	vld.idx.msk [tilespmem:v9+s19+$0x0], $0xffff;
	v4 =	vor.u32 v4, v5  }
0x35f: {  	v5 =	vld.idx.msk [tilespmem:v7+s20+$0x0], $0xffff;
	v4 =	vor.u32 v10, v4  }
0x360: {  	v7 =	vld.idx.msk [tilespmem:v8+s21+$0x0], $0xffff;
	v4 =	vor.u32 v6, v4  }
0x361: {  	[tilespmem:s17+$0xFFFFFFD0] =	vst v4  }
0x362: {  	v4 =	vld [tilespmem:s1+$0xFFFFFE60]  }
0x363: {  	v6 =	vld [tilespmem:s1+$0xFFFFFEE0]  }
0x364: {  	v8 =	vld [tilespmem:s1+$0xFFFFFF60];
	v5 =	vor.u32 v9, v5  }
0x365: {  	v5 =	vor.u32 v7, v5;
	v7 =	vld [tilespmem:s1+$0xFFFFFFE0];
	_ =	sdelay $0x3  }
0x366: {  	v3 =	vld.idx.msk [tilespmem:v3+s22+$0x0], $0xffff  }
0x367: {  	v4 =	vld.idx.msk [tilespmem:v4+s19+$0x0], $0xffff  }
0x368: {  	v6 =	vld.idx.msk [tilespmem:v6+s20+$0x0], $0xffff  }
0x369: {  	v8 =	vld.idx.msk [tilespmem:v8+s21+$0x0], $0xffff  }
0x36a: {  	v7 =	vld.idx.msk [tilespmem:v7+s22+$0x0], $0xffff  }
0x36b: {  	v0 =	vld.idx.msk [tilespmem:v0+s21+$0x0], $0xffff;
	v3 =	vor.u32 v3, v5  }
0x36c: {  	v1 =	vld.idx.msk [tilespmem:v1+s22+$0x0], $0xffff;
	[tilespmem:s13+$0x60] =	vst v3  }
0x36d: {  	v3 =	vld [tilespmem:s1+$0x70];
	v4 =	vor.u32 v4, v6  }
0x36e: {  	v5 =	vld [tilespmem:s1+$0xF0];
	v4 =	vor.u32 v8, v4  }
0x36f: {  	v9 =	vld [tilespmem:s1+$0x170];
	v4 =	vor.u32 v7, v4  }
0x370: {  	v6 =	vld [tilespmem:s1+$0x1F0];
	[tilespmem:s17+$0xFFFFFFE0] =	vst v4  }
0x371: {  	v4 =	vld [tilespmem:s1+$0xFFFFFE70]  }
0x372: {  	v7 =	vld [tilespmem:s1+$0xFFFFFEF0]  }
0x373: {  	v8 =	vld [tilespmem:s1+$0xFFFFFF70]  }
0x374: {  	v10 =	vld [tilespmem:s1+$0xFFFFFFF0]  }
0x375: {  	v3 =	vld.idx.msk [tilespmem:v3+s19+$0x0], $0xffff  }
0x376: {  	v5 =	vld.idx.msk [tilespmem:v5+s20+$0x0], $0xffff  }
0x377: {  	v9 =	vld.idx.msk [tilespmem:v9+s21+$0x0], $0xffff  }
0x378: {  	v6 =	vld.idx.msk [tilespmem:v6+s22+$0x0], $0xffff  }
0x379: {  	v4 =	vld.idx.msk [tilespmem:v4+s19+$0x0], $0xffff  }
0x37a: {  	v7 =	vld.idx.msk [tilespmem:v7+s20+$0x0], $0xffff  }
0x37b: {  	v8 =	vld.idx.msk [tilespmem:v8+s21+$0x0], $0xffff  }
0x37c: {  	v10 =	vld.idx.msk [tilespmem:v10+s22+$0x0], $0xffff;
	_ =	sdelay $0x1  }
0x37d: {  	v0 =	vor.u32 v0, v2;
	v3 =	vor.u32 v3, v5  }
0x37e: {  	v0 =	vor.u32 v1, v0;
	v3 =	vor.u32 v9, v3;
	v2 =	vor.u32 v4, v7  }
0x37f: {  	[tilespmem:s0+$0xFFFFFFF0] =	vst v0;
	v3 =	vor.u32 v6, v3;
	v1 =	vor.u32 v8, v2  }
0x380: {  	[tilespmem:s17+$0x70] =	vst v3;
	v0 =	vor.u32 v10, v1  }
0x381: {  	s13 =	simm.s32 $0xE100;
	[tilespmem:s17+$0xFFFFFFF0] =	vst v0  }
0x382: {  	[hbm4b:s8+s23] =	stream.strided.scatter [tilespmem:s13], [sflag:$0x4], $0x1900, s24, s23, $0x38;
	[tilespmem:$0xFF00] =	vst v63  }
0x383: {  	s17 =	simm.s32 $0x6400  }
0x384: {  	[tilespmem:s17], [sflag:$0x2] =	stream.strided.gather [hbm4b:s9+s15], $0x6400, s16, s15, $0x38;
	[tilespmem:$0xFF00] =	vst v63  }
0x385: {  	_ =	swait.ge [sflag:s18], $0x6400  }
0x386: {  	[sflag:s18] =	ssyncset.done $0x0  }
0x387: {  	[sflag:s18] =	ssyncadd.s32 $0xFFFF9C00  }
0x388: {  	_ =	swait.ge [sflag:s29], $0x1900  }
0x389: {  	[sflag:s29] =	ssyncset.done $0x0  }
0x38a: {  	s25 =	simm.s32 $0x200;
	[sflag:s29] =	ssyncadd.s32 $0xFFFFE700  }
0x38b: {  	v0 =	vld [tilespmem:s25+$0x0]  }
0x38c: {  	v1 =	vld [tilespmem:s25+$0x80]  }
0x38d: {  	v2 =	vld [tilespmem:s25+$0x100]  }
0x38e: {  	v3 =	vld [tilespmem:s25+$0x180];
	_ =	sdelay $0x4  }
0x38f: {  	v0 =	vld.idx.msk [tilespmem:v0+s19+$0x0], $0xffff  }
0x390: {  	v1 =	vld.idx.msk [tilespmem:v1+s20+$0x0], $0xffff  }
0x391: {  	v2 =	vld.idx.msk [tilespmem:v2+s21+$0x0], $0xffff  }
0x392: {  	v3 =	vld.idx.msk [tilespmem:v3+s22+$0x0], $0xffff;
	_ =	sdelay $0x2  }
0x393: {  	v4 =	vld [tilespmem:s25+$0xFFFFFE00];
	v0 =	vor.u32 v0, v1  }
0x394: {  	v1 =	vld [tilespmem:s25+$0xFFFFFE80];
	v0 =	vor.u32 v2, v0  }
0x395: {  	s0 =	simm.s32 $0xC880;
	v2 =	vld [tilespmem:s25+$0xFFFFFF00];
	v0 =	vor.u32 v3, v0  }
0x396: {  	v3 =	vld [tilespmem:s25+$0xFFFFFF80];
	[tilespmem:s0+$0x0] =	vst v0  }
0x397: {  	v0 =	vld [tilespmem:s25+$0x10]  }
0x398: {  	v5 =	vld [tilespmem:s25+$0x90]  }
0x399: {  	v6 =	vld [tilespmem:s25+$0x110]  }
0x39a: {  	v7 =	vld [tilespmem:s25+$0x190]  }
0x39b: {  	v4 =	vld.idx.msk [tilespmem:v4+s19+$0x0], $0xffff  }
0x39c: {  	v1 =	vld.idx.msk [tilespmem:v1+s20+$0x0], $0xffff  }
0x39d: {  	v2 =	vld.idx.msk [tilespmem:v2+s21+$0x0], $0xffff  }
0x39e: {  	v3 =	vld.idx.msk [tilespmem:v3+s22+$0x0], $0xffff  }
0x39f: {  	v0 =	vld.idx.msk [tilespmem:v0+s19+$0x0], $0xffff  }
0x3a0: {  	v5 =	vld.idx.msk [tilespmem:v5+s20+$0x0], $0xffff  }
0x3a1: {  	v1 =	vor.u32 v4, v1;
	v4 =	vld.idx.msk [tilespmem:v6+s21+$0x0], $0xffff  }
0x3a2: {  	v1 =	vor.u32 v2, v1;
	v2 =	vld.idx.msk [tilespmem:v7+s22+$0x0], $0xffff  }
0x3a3: {  	v1 =	vor.u32 v3, v1  }
0x3a4: {  	[tilespmem:s0+$0xFFFFFF80] =	vst v1  }
0x3a5: {  	v1 =	vld [tilespmem:s25+$0xFFFFFE10];
	v0 =	vor.u32 v0, v5  }
0x3a6: {  	v3 =	vld [tilespmem:s25+$0xFFFFFE90];
	v0 =	vor.u32 v4, v0  }
0x3a7: {  	v4 =	vld [tilespmem:s25+$0xFFFFFF10];
	v0 =	vor.u32 v2, v0  }
0x3a8: {  	v2 =	vld [tilespmem:s25+$0xFFFFFF90];
	[tilespmem:s0+$0x10] =	vst v0  }
0x3a9: {  	v0 =	vld [tilespmem:s25+$0x20]  }
0x3aa: {  	v5 =	vld [tilespmem:s25+$0xA0]  }
0x3ab: {  	v6 =	vld [tilespmem:s25+$0x120]  }
0x3ac: {  	v7 =	vld [tilespmem:s25+$0x1A0]  }
0x3ad: {  	v1 =	vld.idx.msk [tilespmem:v1+s19+$0x0], $0xffff  }
0x3ae: {  	v3 =	vld.idx.msk [tilespmem:v3+s20+$0x0], $0xffff  }
0x3af: {  	v4 =	vld.idx.msk [tilespmem:v4+s21+$0x0], $0xffff  }
0x3b0: {  	v2 =	vld.idx.msk [tilespmem:v2+s22+$0x0], $0xffff  }
0x3b1: {  	v0 =	vld.idx.msk [tilespmem:v0+s19+$0x0], $0xffff  }
0x3b2: {  	v5 =	vld.idx.msk [tilespmem:v5+s20+$0x0], $0xffff  }
0x3b3: {  	v6 =	vld.idx.msk [tilespmem:v6+s21+$0x0], $0xffff;
	v1 =	vor.u32 v1, v3  }
0x3b4: {  	v3 =	vld.idx.msk [tilespmem:v7+s22+$0x0], $0xffff;
	v1 =	vor.u32 v4, v1  }
0x3b5: {  	v1 =	vor.u32 v2, v1  }
0x3b6: {  	[tilespmem:s0+$0xFFFFFF90] =	vst v1  }
0x3b7: {  	v1 =	vld [tilespmem:s25+$0xFFFFFE20];
	v0 =	vor.u32 v0, v5  }
0x3b8: {  	v2 =	vld [tilespmem:s25+$0xFFFFFEA0];
	v0 =	vor.u32 v6, v0  }
0x3b9: {  	v4 =	vld [tilespmem:s25+$0xFFFFFF20];
	v0 =	vor.u32 v3, v0  }
0x3ba: {  	v3 =	vld [tilespmem:s25+$0xFFFFFFA0];
	[tilespmem:s0+$0x20] =	vst v0  }
0x3bb: {  	v0 =	vld [tilespmem:s25+$0x30]  }
0x3bc: {  	v5 =	vld [tilespmem:s25+$0xB0]  }
0x3bd: {  	v6 =	vld [tilespmem:s25+$0x130]  }
0x3be: {  	v7 =	vld [tilespmem:s25+$0x1B0]  }
0x3bf: {  	v1 =	vld.idx.msk [tilespmem:v1+s19+$0x0], $0xffff  }
0x3c0: {  	v2 =	vld.idx.msk [tilespmem:v2+s20+$0x0], $0xffff  }
0x3c1: {  	v4 =	vld.idx.msk [tilespmem:v4+s21+$0x0], $0xffff  }
0x3c2: {  	v3 =	vld.idx.msk [tilespmem:v3+s22+$0x0], $0xffff  }
0x3c3: {  	v0 =	vld.idx.msk [tilespmem:v0+s19+$0x0], $0xffff  }
0x3c4: {  	v5 =	vld.idx.msk [tilespmem:v5+s20+$0x0], $0xffff  }
0x3c5: {  	v6 =	vld.idx.msk [tilespmem:v6+s21+$0x0], $0xffff;
	v1 =	vor.u32 v1, v2  }
0x3c6: {  	v2 =	vld.idx.msk [tilespmem:v7+s22+$0x0], $0xffff;
	v1 =	vor.u32 v4, v1  }
0x3c7: {  	v1 =	vor.u32 v3, v1  }
0x3c8: {  	[tilespmem:s0+$0xFFFFFFA0] =	vst v1  }
0x3c9: {  	v1 =	vld [tilespmem:s25+$0xFFFFFE30];
	v0 =	vor.u32 v0, v5  }
0x3ca: {  	v3 =	vld [tilespmem:s25+$0xFFFFFEB0];
	v0 =	vor.u32 v6, v0  }
0x3cb: {  	v4 =	vld [tilespmem:s25+$0xFFFFFF30];
	v0 =	vor.u32 v2, v0  }
0x3cc: {  	v2 =	vld [tilespmem:s25+$0xFFFFFFB0];
	[tilespmem:s0+$0x30] =	vst v0  }
0x3cd: {  	v0 =	vld [tilespmem:s25+$0x40]  }
0x3ce: {  	v5 =	vld [tilespmem:s25+$0xC0]  }
0x3cf: {  	v6 =	vld [tilespmem:s25+$0x140]  }
0x3d0: {  	v7 =	vld [tilespmem:s25+$0x1C0]  }
0x3d1: {  	v1 =	vld.idx.msk [tilespmem:v1+s19+$0x0], $0xffff  }
0x3d2: {  	v3 =	vld.idx.msk [tilespmem:v3+s20+$0x0], $0xffff  }
0x3d3: {  	v4 =	vld.idx.msk [tilespmem:v4+s21+$0x0], $0xffff  }
0x3d4: {  	v2 =	vld.idx.msk [tilespmem:v2+s22+$0x0], $0xffff  }
0x3d5: {  	v0 =	vld.idx.msk [tilespmem:v0+s19+$0x0], $0xffff  }
0x3d6: {  	v5 =	vld.idx.msk [tilespmem:v5+s20+$0x0], $0xffff  }
0x3d7: {  	v6 =	vld.idx.msk [tilespmem:v6+s21+$0x0], $0xffff;
	v1 =	vor.u32 v1, v3  }
0x3d8: {  	s1 =	simm.s32 $0x600;
	v3 =	vld.idx.msk [tilespmem:v7+s22+$0x0], $0xffff;
	v1 =	vor.u32 v4, v1  }
0x3d9: {  	v10 =	vld [tilespmem:s1+$0xFFFFFE00];
	v1 =	vor.u32 v2, v1  }
0x3da: {  	v12 =	vld [tilespmem:s1+$0x80];
	[tilespmem:s0+$0xFFFFFFB0] =	vst v1  }
0x3db: {  	v1 =	vld [tilespmem:s25+$0xFFFFFE40];
	v0 =	vor.u32 v0, v5  }
0x3dc: {  	v2 =	vld [tilespmem:s25+$0xFFFFFEC0];
	v0 =	vor.u32 v6, v0  }
0x3dd: {  	v4 =	vld [tilespmem:s25+$0xFFFFFF40];
	v0 =	vor.u32 v3, v0  }
0x3de: {  	v3 =	vld [tilespmem:s25+$0xFFFFFFC0];
	[tilespmem:s0+$0x40] =	vst v0  }
0x3df: {  	v0 =	vld [tilespmem:s25+$0x50]  }
0x3e0: {  	v5 =	vld [tilespmem:s25+$0xD0]  }
0x3e1: {  	v6 =	vld [tilespmem:s25+$0x150]  }
0x3e2: {  	v7 =	vld [tilespmem:s25+$0x1D0]  }
0x3e3: {  	v1 =	vld.idx.msk [tilespmem:v1+s19+$0x0], $0xffff  }
0x3e4: {  	v2 =	vld.idx.msk [tilespmem:v2+s20+$0x0], $0xffff  }
0x3e5: {  	v4 =	vld.idx.msk [tilespmem:v4+s21+$0x0], $0xffff  }
0x3e6: {  	v3 =	vld.idx.msk [tilespmem:v3+s22+$0x0], $0xffff  }
0x3e7: {  	v0 =	vld.idx.msk [tilespmem:v0+s19+$0x0], $0xffff  }
0x3e8: {  	v5 =	vld.idx.msk [tilespmem:v5+s20+$0x0], $0xffff  }
0x3e9: {  	v6 =	vld.idx.msk [tilespmem:v6+s21+$0x0], $0xffff  }
0x3ea: {  	v1 =	vor.u32 v1, v2;
	v2 =	vld.idx.msk [tilespmem:v7+s22+$0x0], $0xffff  }
0x3eb: {  	v11 =	vld [tilespmem:s1+$0xFFFFFF00]  }
0x3ec: {  	v17 =	vld [tilespmem:s1+$0xFFFFFF80];
	v1 =	vor.u32 v4, v1  }
0x3ed: {  	v12 =	vld.idx.msk [tilespmem:v12+s20+$0x0], $0xffff;
	v1 =	vor.u32 v3, v1;
	v0 =	vor.u32 v0, v5  }
0x3ee: {  	v10 =	vld.idx.msk [tilespmem:v10+s19+$0x0], $0xffff;
	[tilespmem:s0+$0xFFFFFFC0] =	vst v1;
	v0 =	vor.u32 v6, v0  }
0x3ef: {  	v1 =	vld [tilespmem:s25+$0xFFFFFE50];
	v0 =	vor.u32 v2, v0  }
0x3f0: {  	v4 =	vld [tilespmem:s25+$0xFFFFFF50];
	[tilespmem:s0+$0x50] =	vst v0  }
0x3f1: {  	v0 =	vld [tilespmem:s25+$0x60]  }
0x3f2: {  	v2 =	vld [tilespmem:s25+$0xE0]  }
0x3f3: {  	v5 =	vld [tilespmem:s25+$0x160]  }
0x3f4: {  	v7 =	vld [tilespmem:s25+$0x1E0]  }
0x3f5: {  	v3 =	vld [tilespmem:s25+$0xFFFFFED0]  }
0x3f6: {  	v6 =	vld [tilespmem:s25+$0xFFFFFFD0]  }
0x3f7: {  	v1 =	vld.idx.msk [tilespmem:v1+s19+$0x0], $0xffff  }
0x3f8: {  	v9 =	vld.idx.msk [tilespmem:v4+s21+$0x0], $0xffff  }
0x3f9: {  	v0 =	vld.idx.msk [tilespmem:v0+s19+$0x0], $0xffff  }
0x3fa: {  	v2 =	vld.idx.msk [tilespmem:v2+s20+$0x0], $0xffff  }
0x3fb: {  	v4 =	vld.idx.msk [tilespmem:v5+s21+$0x0], $0xffff  }
0x3fc: {  	v5 =	vld.idx.msk [tilespmem:v7+s22+$0x0], $0xffff  }
0x3fd: {  	v8 =	vld.idx.msk [tilespmem:v3+s20+$0x0], $0xffff  }
0x3fe: {  	v3 =	vld [tilespmem:s1+$0x0]  }
0x3ff: {  	v0 =	vor.u32 v0, v2;
	v2 =	vld [tilespmem:s1+$0x100]  }
0x400: {  	v0 =	vor.u32 v4, v0;
	v4 =	vld [tilespmem:s1+$0x180]  }
0x401: {  	v6 =	vld.idx.msk [tilespmem:v6+s22+$0x0], $0xffff;
	v0 =	vor.u32 v5, v0  }
0x402: {  	v7 =	vld [tilespmem:s1+$0xFFFFFE80];
	[tilespmem:s0+$0x60] =	vst v0  }
0x403: {  	v0 =	vld [tilespmem:s25+$0x70]  }
0x404: {  	v11 =	vld.idx.msk [tilespmem:v11+s21+$0x0], $0xffff  }
0x405: {  	v45 =	vld.idx.msk [tilespmem:v17+s22+$0x0], $0xffff;
	v1 =	vor.u32 v1, v8  }
0x406: {  	v1 =	vor.u32 v9, v1;
	v5 =	vld.idx.msk [tilespmem:v3+s19+$0x0], $0xffff  }
0x407: {  	v1 =	vor.u32 v6, v1;
	v15 =	vld.idx.msk [tilespmem:v2+s21+$0x0], $0xffff  }
0x408: {  	[tilespmem:s0+$0xFFFFFFD0] =	vst v1;
	v16 =	vld.idx.msk [tilespmem:v4+s22+$0x0], $0xffff  }
0x409: {  	v9 =	vld [tilespmem:s25+$0xFFFFFE60]  }
0x40a: {  	v7 =	vld.idx.msk [tilespmem:v7+s20+$0x0], $0xffff  }
0x40b: {  	v2 =	vld.idx.msk [tilespmem:v0+s19+$0x0], $0xffff;
	v0 =	vor.u32 v5, v12  }
0x40c: {  	v3 =	vld [tilespmem:s25+$0xF0];
	v0 =	vor.u32 v15, v0  }
0x40d: {  	s13 =	simm.s32 $0xC980;
	v13 =	vld [tilespmem:s25+$0x170];
	v0 =	vor.u32 v16, v0  }
0x40e: {  	v14 =	vld [tilespmem:s25+$0x1F0];
	[tilespmem:s13+$0x0] =	vst v0  }
0x40f: {  	v7 =	vor.u32 v10, v7;
	v0 =	vld [tilespmem:s1+$0x10]  }
0x410: {  	v7 =	vor.u32 v11, v7;
	v42 =	vld [tilespmem:s1+$0x90]  }
0x411: {  	v7 =	vor.u32 v45, v7;
	v43 =	vld [tilespmem:s1+$0x110]  }
0x412: {  	[tilespmem:s13+$0xFFFFFF80] =	vst v7;
	v44 =	vld [tilespmem:s1+$0x190]  }
0x413: {  	v7 =	vld [tilespmem:s1+$0xFFFFFE10]  }
0x414: {  	v8 =	vld [tilespmem:s1+$0xFFFFFE90]  }
0x415: {  	v6 =	vld [tilespmem:s1+$0xFFFFFF10]  }
0x416: {  	v1 =	vld [tilespmem:s1+$0xFFFFFF90]  }
0x417: {  	v0 =	vld.idx.msk [tilespmem:v0+s19+$0x0], $0xffff  }
0x418: {  	v10 =	vld.idx.msk [tilespmem:v42+s20+$0x0], $0xffff  }
0x419: {  	v11 =	vld.idx.msk [tilespmem:v43+s21+$0x0], $0xffff  }
0x41a: {  	v46 =	vld.idx.msk [tilespmem:v44+s22+$0x0], $0xffff  }
0x41b: {  	v3 =	vld.idx.msk [tilespmem:v3+s20+$0x0], $0xffff  }
0x41c: {  	v4 =	vld.idx.msk [tilespmem:v13+s21+$0x0], $0xffff  }
0x41d: {  	v7 =	vld.idx.msk [tilespmem:v7+s19+$0x0], $0xffff;
	v0 =	vor.u32 v0, v10  }
0x41e: {  	v8 =	vld.idx.msk [tilespmem:v8+s20+$0x0], $0xffff;
	v0 =	vor.u32 v11, v0  }
0x41f: {  	v6 =	vld.idx.msk [tilespmem:v6+s21+$0x0], $0xffff;
	v0 =	vor.u32 v46, v0  }
0x420: {  	v1 =	vld.idx.msk [tilespmem:v1+s22+$0x0], $0xffff;
	[tilespmem:s13+$0x10] =	vst v0  }
0x421: {  	v10 =	vld [tilespmem:s1+$0x20]  }
0x422: {  	v11 =	vld [tilespmem:s1+$0xA0]  }
0x423: {  	v47 =	vld [tilespmem:s1+$0x120]  }
0x424: {  	v48 =	vld [tilespmem:s1+$0x1A0]  }
0x425: {  	v5 =	vld.idx.msk [tilespmem:v14+s22+$0x0], $0xffff;
	v7 =	vor.u32 v7, v8  }
0x426: {  	v6 =	vor.u32 v6, v7;
	v7 =	vld [tilespmem:s25+$0xFFFFFF60]  }
0x427: {  	v1 =	vor.u32 v1, v6;
	v6 =	vld [tilespmem:s25+$0xFFFFFFE0]  }
0x428: {  	[tilespmem:s13+$0xFFFFFF90] =	vst v1;
	v1 =	vld.idx.msk [tilespmem:v9+s19+$0x0], $0xffff  }
0x429: {  	v10 =	vld.idx.msk [tilespmem:v10+s19+$0x0], $0xffff  }
0x42a: {  	v11 =	vld.idx.msk [tilespmem:v11+s20+$0x0], $0xffff  }
0x42b: {  	v12 =	vld.idx.msk [tilespmem:v47+s21+$0x0], $0xffff  }
0x42c: {  	v8 =	vld.idx.msk [tilespmem:v48+s22+$0x0], $0xffff  }
0x42d: {  	v9 =	vld [tilespmem:s1+$0xFFFFFE20]  }
0x42e: {  	v49 =	vld [tilespmem:s1+$0xFFFFFF20]  }
0x42f: {  	v0 =	vld [tilespmem:s25+$0xFFFFFEE0];
	v10 =	vor.u32 v10, v11  }
0x430: {  	v11 =	vld [tilespmem:s1+$0xFFFFFEA0];
	v10 =	vor.u32 v12, v10  }
0x431: {  	v7 =	vld.idx.msk [tilespmem:v7+s21+$0x0], $0xffff;
	v8 =	vor.u32 v8, v10  }
0x432: {  	v10 =	vld [tilespmem:s1+$0xFFFFFFA0];
	[tilespmem:s13+$0x20] =	vst v8  }
0x433: {  	v8 =	vld [tilespmem:s1+$0x30]  }
0x434: {  	v50 =	vld [tilespmem:s1+$0xB0]  }
0x435: {  	v51 =	vld [tilespmem:s1+$0x130]  }
0x436: {  	v52 =	vld [tilespmem:s1+$0x1B0]  }
0x437: {  	v9 =	vld.idx.msk [tilespmem:v9+s19+$0x0], $0xffff  }
0x438: {  	v11 =	vld.idx.msk [tilespmem:v11+s20+$0x0], $0xffff  }
0x439: {  	v12 =	vld.idx.msk [tilespmem:v49+s21+$0x0], $0xffff  }
0x43a: {  	v10 =	vld.idx.msk [tilespmem:v10+s22+$0x0], $0xffff  }
0x43b: {  	v8 =	vld.idx.msk [tilespmem:v8+s19+$0x0], $0xffff  }
0x43c: {  	v13 =	vld.idx.msk [tilespmem:v50+s20+$0x0], $0xffff  }
0x43d: {  	v14 =	vld.idx.msk [tilespmem:v51+s21+$0x0], $0xffff;
	v9 =	vor.u32 v9, v11  }
0x43e: {  	v11 =	vld.idx.msk [tilespmem:v52+s22+$0x0], $0xffff;
	v9 =	vor.u32 v12, v9  }
0x43f: {  	v6 =	vld.idx.msk [tilespmem:v6+s22+$0x0], $0xffff;
	v9 =	vor.u32 v10, v9  }
0x440: {  	v0 =	vld.idx.msk [tilespmem:v0+s20+$0x0], $0xffff;
	[tilespmem:s13+$0xFFFFFFA0] =	vst v9  }
0x441: {  	v9 =	vld [tilespmem:s1+$0xFFFFFE30];
	v8 =	vor.u32 v8, v13  }
0x442: {  	v10 =	vld [tilespmem:s1+$0xFFFFFEB0];
	v8 =	vor.u32 v14, v8  }
0x443: {  	v53 =	vld [tilespmem:s1+$0xFFFFFF30];
	v8 =	vor.u32 v11, v8  }
0x444: {  	v11 =	vld [tilespmem:s1+$0xFFFFFFB0];
	[tilespmem:s13+$0x30] =	vst v8  }
0x445: {  	v8 =	vld [tilespmem:s1+$0x40]  }
0x446: {  	v54 =	vld [tilespmem:s1+$0xC0]  }
0x447: {  	v55 =	vld [tilespmem:s1+$0x140]  }
0x448: {  	v56 =	vld [tilespmem:s1+$0x1C0]  }
0x449: {  	v9 =	vld.idx.msk [tilespmem:v9+s19+$0x0], $0xffff  }
0x44a: {  	v10 =	vld.idx.msk [tilespmem:v10+s20+$0x0], $0xffff  }
0x44b: {  	v12 =	vld.idx.msk [tilespmem:v53+s21+$0x0], $0xffff  }
0x44c: {  	v11 =	vld.idx.msk [tilespmem:v11+s22+$0x0], $0xffff  }
0x44d: {  	v0 =	vor.u32 v1, v0;
	v1 =	vld.idx.msk [tilespmem:v8+s19+$0x0], $0xffff  }
0x44e: {  	v0 =	vor.u32 v7, v0;
	v7 =	vld.idx.msk [tilespmem:v54+s20+$0x0], $0xffff  }
0x44f: {  	v0 =	vor.u32 v6, v0;
	v6 =	vld.idx.msk [tilespmem:v55+s21+$0x0], $0xffff  }
0x450: {  	[tilespmem:s0+$0xFFFFFFE0] =	vst v0;
	v8 =	vld.idx.msk [tilespmem:v56+s22+$0x0], $0xffff;
	v0 =	vor.u32 v9, v10  }
0x451: {  	v9 =	vld [tilespmem:s25+$0xFFFFFE70];
	v0 =	vor.u32 v12, v0  }
0x452: {  	v10 =	vld [tilespmem:s25+$0xFFFFFEF0];
	v0 =	vor.u32 v11, v0  }
0x453: {  	[tilespmem:s13+$0xFFFFFFB0] =	vst v0;
	v0 =	vld [tilespmem:s25+$0xFFFFFF70]  }
0x454: {  	v11 =	vld [tilespmem:s1+$0xFFFFFE40];
	v1 =	vor.u32 v1, v7  }
0x455: {  	v7 =	vld [tilespmem:s1+$0xFFFFFEC0];
	v1 =	vor.u32 v6, v1  }
0x456: {  	v6 =	vld [tilespmem:s1+$0xFFFFFF40];
	v1 =	vor.u32 v8, v1  }
0x457: {  	v8 =	vld [tilespmem:s1+$0xFFFFFFC0];
	[tilespmem:s13+$0x40] =	vst v1  }
0x458: {  	v1 =	vld [tilespmem:s1+$0x50]  }
0x459: {  	v57 =	vld [tilespmem:s1+$0xD0]  }
0x45a: {  	v58 =	vld [tilespmem:s1+$0x150]  }
0x45b: {  	v59 =	vld [tilespmem:s1+$0x1D0]  }
0x45c: {  	v10 =	vld.idx.msk [tilespmem:v10+s20+$0x0], $0xffff  }
0x45d: {  	v11 =	vld.idx.msk [tilespmem:v11+s19+$0x0], $0xffff  }
0x45e: {  	v7 =	vld.idx.msk [tilespmem:v7+s20+$0x0], $0xffff  }
0x45f: {  	v6 =	vld.idx.msk [tilespmem:v6+s21+$0x0], $0xffff  }
0x460: {  	v8 =	vld.idx.msk [tilespmem:v8+s22+$0x0], $0xffff  }
0x461: {  	v60 =	vld.idx.msk [tilespmem:v1+s19+$0x0], $0xffff  }
0x462: {  	v12 =	vld.idx.msk [tilespmem:v57+s20+$0x0], $0xffff  }
0x463: {  	v13 =	vld.idx.msk [tilespmem:v58+s21+$0x0], $0xffff;
	v1 =	vor.u32 v11, v7  }
0x464: {  	v7 =	vld.idx.msk [tilespmem:v59+s22+$0x0], $0xffff;
	v6 =	vor.u32 v6, v1  }
0x465: {  	v11 =	vld.idx.msk [tilespmem:v9+s19+$0x0], $0xffff;
	v6 =	vor.u32 v8, v6  }
0x466: {  	v1 =	vld [tilespmem:s25+$0xFFFFFFF0];
	[tilespmem:s13+$0xFFFFFFC0] =	vst v6  }
0x467: {  	v61 =	vld [tilespmem:s1+$0xFFFFFE50];
	v6 =	vor.u32 v60, v12  }
0x468: {  	v62 =	vld [tilespmem:s1+$0xFFFFFED0];
	v6 =	vor.u32 v13, v6  }
0x469: {  	v63 =	vld [tilespmem:s1+$0xFFFFFF50];
	v7 =	vor.u32 v7, v6  }
0x46a: {  	v6 =	vld [tilespmem:s1+$0xFFFFFFD0];
	[tilespmem:s13+$0x50] =	vst v7  }
0x46b: {  	v9 =	vld [tilespmem:s1+$0x60]  }
0x46c: {  	v7 =	vld [tilespmem:s1+$0xE0]  }
0x46d: {  	v8 =	vld [tilespmem:s1+$0x160]  }
0x46e: {  	v2 =	vor.u32 v2, v3;
	v3 =	vld [tilespmem:s1+$0x1E0]  }
0x46f: {  	v2 =	vor.u32 v4, v2;
	v4 =	vld.idx.msk [tilespmem:v61+s19+$0x0], $0xffff  }
0x470: {  	v2 =	vor.u32 v5, v2;
	v5 =	vld.idx.msk [tilespmem:v62+s20+$0x0], $0xffff  }
0x471: {  	s28 =	simm.s32 $0xA00;
	s17 =	simm.s32 $0xC980;
	[tilespmem:s0+$0x70] =	vst v2;
	s25 =	simm.s32 $0x2;
	v2 =	vor.u32 v11, v10;
	v10 =	vld.idx.msk [tilespmem:v63+s21+$0x0], $0xffff  }
.LBB2_6:
0x472: {  	v11 =	vld [tilespmem:s28+$0x0]  }
0x473: {  	v9 =	vld.idx.msk [tilespmem:v9+s19+$0x0], $0xffff  }
0x474: {  	v7 =	vld.idx.msk [tilespmem:v7+s20+$0x0], $0xffff  }
0x475: {  	v8 =	vld.idx.msk [tilespmem:v8+s21+$0x0], $0xffff  }
0x476: {  	v4 =	vor.u32 v4, v5;
	v3 =	vld.idx.msk [tilespmem:v3+s22+$0x0], $0xffff  }
0x477: {  	v4 =	vor.u32 v10, v4;
	v5 =	vld [tilespmem:s28+$0xFFFFFE80]  }
0x478: {  	v10 =	vld [tilespmem:s28+$0xFFFFFE00]  }
0x479: {  	v12 =	vld [tilespmem:s28+$0xFFFFFF00]  }
0x47a: {  	v7 =	vor.u32 v9, v7;
	v13 =	vld [tilespmem:s28+$0x80]  }
0x47b: {  	v7 =	vor.u32 v8, v7;
	v9 =	vld [tilespmem:s28+$0x100]  }
0x47c: {  	v3 =	vor.u32 v3, v7;
	v8 =	vld [tilespmem:s28+$0x180]  }
0x47d: {  	v7 =	vld.idx.msk [tilespmem:v11+s19+$0x0], $0xffff;
	[tilespmem:s13+$0x60] =	vst v3  }
0x47e: {  	v3 =	vld [tilespmem:s1+$0x70]  }
0x47f: {  	v11 =	vld [tilespmem:s1+$0xF0]  }
0x480: {  	v14 =	vld [tilespmem:s1+$0x170]  }
0x481: {  	s25 =	sadd.s32 $0x2, s25;
	v15 =	vld [tilespmem:s1+$0x1F0]  }
0x482: {  	p0 =	slt.u32 s25, $0x30;
	v13 =	vld.idx.msk [tilespmem:v13+s20+$0x0], $0xffff  }
0x483: {  	v9 =	vld.idx.msk [tilespmem:v9+s21+$0x0], $0xffff  }
0x484: {  	v8 =	vld.idx.msk [tilespmem:v8+s22+$0x0], $0xffff  }
0x485: {  	v16 =	vld [tilespmem:s28+$0xFFFFFF80]  }
0x486: {  	v3 =	vld.idx.msk [tilespmem:v3+s19+$0x0], $0xffff  }
0x487: {  	v11 =	vld.idx.msk [tilespmem:v11+s20+$0x0], $0xffff  }
0x488: {  	v7 =	vor.u32 v7, v13;
	v13 =	vld.idx.msk [tilespmem:v14+s21+$0x0], $0xffff  }
0x489: {  	v7 =	vor.u32 v9, v7;
	v9 =	vld.idx.msk [tilespmem:v15+s22+$0x0], $0xffff  }
0x48a: {  	s13 =	sadd.s32 $0x100, s13;
	v7 =	vor.u32 v8, v7;
	v10 =	vld.idx.msk [tilespmem:v10+s19+$0x0], $0xffff  }
0x48b: {  	v5 =	vld.idx.msk [tilespmem:v5+s20+$0x0], $0xffff;
	[tilespmem:s13+$0x0] =	vst v7  }
0x48c: {  	v7 =	vld [tilespmem:s28+$0x10]  }
0x48d: {  	v3 =	vor.u32 v3, v11;
	v8 =	vld [tilespmem:s28+$0x90]  }
0x48e: {  	v3 =	vor.u32 v13, v3;
	v11 =	vld [tilespmem:s28+$0x110]  }
0x48f: {  	v3 =	vor.u32 v9, v3;
	v13 =	vld [tilespmem:s28+$0x190]  }
0x490: {  	v9 =	vld.idx.msk [tilespmem:v12+s21+$0x0], $0xffff;
	[tilespmem:s17+$0x70] =	vst v3  }
0x491: {  	v3 =	vor.u32 v10, v5;
	v5 =	vld.idx.msk [tilespmem:v16+s22+$0x0], $0xffff  }
0x492: {  	v6 =	vld.idx.msk [tilespmem:v6+s22+$0x0], $0xffff  }
0x493: {  	v0 =	vld.idx.msk [tilespmem:v0+s21+$0x0], $0xffff  }
0x494: {  	v7 =	vld.idx.msk [tilespmem:v7+s19+$0x0], $0xffff  }
0x495: {  	v8 =	vld.idx.msk [tilespmem:v8+s20+$0x0], $0xffff  }
0x496: {  	v3 =	vor.u32 v9, v3;
	v9 =	vld.idx.msk [tilespmem:v11+s21+$0x0], $0xffff  }
0x497: {  	v3 =	vor.u32 v5, v3;
	v5 =	vld.idx.msk [tilespmem:v13+s22+$0x0], $0xffff  }
0x498: {  	[tilespmem:s13+$0xFFFFFF80] =	vst v3;
	v3 =	vor.u32 v6, v4;
	v1 =	vld.idx.msk [tilespmem:v1+s22+$0x0], $0xffff  }
0x499: {  	v0 =	vor.u32 v0, v2;
	v4 =	vld [tilespmem:s28+$0xFFFFFE10];
	[tilespmem:s17+$0xFFFFFFD0] =	vst v3  }
0x49a: {  	v2 =	vld [tilespmem:s28+$0xFFFFFE90]  }
0x49b: {  	v6 =	vor.u32 v7, v8;
	v3 =	vld [tilespmem:s28+$0xFFFFFF10]  }
0x49c: {  	v6 =	vor.u32 v9, v6;
	v7 =	vld [tilespmem:s28+$0xFFFFFF90]  }
0x49d: {  	v5 =	vor.u32 v5, v6;
	v6 =	vld [tilespmem:s1+$0xFFFFFE60]  }
0x49e: {  	v0 =	vor.u32 v1, v0;
	[tilespmem:s13+$0x10] =	vst v5;
	v5 =	vld [tilespmem:s1+$0xFFFFFEE0]  }
0x49f: {  	v1 =	vld [tilespmem:s28+$0x20];
	[tilespmem:s0+$0xFFFFFFF0] =	vst v0;
	s0 =	smov.u32 s17;
	s17 =	smov.u32 s13  }
0x4a0: {  	v0 =	vld [tilespmem:s28+$0xA0]  }
0x4a1: {  	v8 =	vld [tilespmem:s28+$0x120]  }
0x4a2: {  	v9 =	vld [tilespmem:s28+$0x1A0]  }
0x4a3: {  	v4 =	vld.idx.msk [tilespmem:v4+s19+$0x0], $0xffff  }
0x4a4: {  	v2 =	vld.idx.msk [tilespmem:v2+s20+$0x0], $0xffff  }
0x4a5: {  	v3 =	vld.idx.msk [tilespmem:v3+s21+$0x0], $0xffff  }
0x4a6: {  	v7 =	vld.idx.msk [tilespmem:v7+s22+$0x0], $0xffff  }
0x4a7: {  	v1 =	vld.idx.msk [tilespmem:v1+s19+$0x0], $0xffff  }
0x4a8: {  	v0 =	vld.idx.msk [tilespmem:v0+s20+$0x0], $0xffff  }
0x4a9: {  	v8 =	vld.idx.msk [tilespmem:v8+s21+$0x0], $0xffff  }
0x4aa: {  	v2 =	vor.u32 v4, v2;
	v4 =	vld.idx.msk [tilespmem:v9+s22+$0x0], $0xffff  }
0x4ab: {  	v2 =	vor.u32 v3, v2;
	v3 =	vld [tilespmem:s1+$0xFFFFFF60]  }
0x4ac: {  	v2 =	vor.u32 v7, v2;
	v7 =	vld [tilespmem:s1+$0xFFFFFFE0]  }
0x4ad: {  	[tilespmem:s13+$0xFFFFFF90] =	vst v2;
	v2 =	vld.idx.msk [tilespmem:v6+s19+$0x0], $0xffff  }
0x4ae: {  	v0 =	vor.u32 v1, v0;
	v6 =	vld [tilespmem:s28+$0xFFFFFE20]  }
0x4af: {  	v0 =	vor.u32 v8, v0;
	v1 =	vld [tilespmem:s28+$0xFFFFFEA0]  }
0x4b0: {  	v0 =	vor.u32 v4, v0;
	v8 =	vld [tilespmem:s28+$0xFFFFFF20]  }
0x4b1: {  	v4 =	vld [tilespmem:s28+$0xFFFFFFA0];
	[tilespmem:s13+$0x20] =	vst v0  }
0x4b2: {  	v0 =	vld [tilespmem:s28+$0x30]  }
0x4b3: {  	v9 =	vld [tilespmem:s28+$0xB0]  }
0x4b4: {  	v10 =	vld [tilespmem:s28+$0x130]  }
0x4b5: {  	v11 =	vld [tilespmem:s28+$0x1B0]  }
0x4b6: {  	v6 =	vld.idx.msk [tilespmem:v6+s19+$0x0], $0xffff  }
0x4b7: {  	v1 =	vld.idx.msk [tilespmem:v1+s20+$0x0], $0xffff  }
0x4b8: {  	v8 =	vld.idx.msk [tilespmem:v8+s21+$0x0], $0xffff  }
0x4b9: {  	v4 =	vld.idx.msk [tilespmem:v4+s22+$0x0], $0xffff  }
0x4ba: {  	v0 =	vld.idx.msk [tilespmem:v0+s19+$0x0], $0xffff  }
0x4bb: {  	v9 =	vld.idx.msk [tilespmem:v9+s20+$0x0], $0xffff  }
0x4bc: {  	v10 =	vld.idx.msk [tilespmem:v10+s21+$0x0], $0xffff  }
0x4bd: {  	v1 =	vor.u32 v6, v1;
	v6 =	vld.idx.msk [tilespmem:v11+s22+$0x0], $0xffff  }
0x4be: {  	v1 =	vor.u32 v8, v1;
	v5 =	vld.idx.msk [tilespmem:v5+s20+$0x0], $0xffff  }
0x4bf: {  	v1 =	vor.u32 v4, v1;
	v3 =	vld.idx.msk [tilespmem:v3+s21+$0x0], $0xffff  }
0x4c0: {  	[tilespmem:s13+$0xFFFFFFA0] =	vst v1;
	v1 =	vld.idx.msk [tilespmem:v7+s22+$0x0], $0xffff  }
0x4c1: {  	v0 =	vor.u32 v0, v9;
	v4 =	vld [tilespmem:s28+$0xFFFFFE30]  }
0x4c2: {  	v0 =	vor.u32 v10, v0;
	v7 =	vld [tilespmem:s28+$0xFFFFFEB0]  }
0x4c3: {  	v0 =	vor.u32 v6, v0;
	v8 =	vld [tilespmem:s28+$0xFFFFFF30]  }
0x4c4: {  	v6 =	vld [tilespmem:s28+$0xFFFFFFB0];
	[tilespmem:s13+$0x30] =	vst v0;
	v0 =	vor.u32 v2, v5  }
0x4c5: {  	v2 =	vld [tilespmem:s28+$0x40];
	v0 =	vor.u32 v3, v0  }
0x4c6: {  	v3 =	vld [tilespmem:s28+$0xC0];
	v0 =	vor.u32 v1, v0  }
0x4c7: {  	v1 =	vld [tilespmem:s28+$0x140];
	[tilespmem:s0+$0xFFFFFFE0] =	vst v0  }
0x4c8: {  	v0 =	vld [tilespmem:s28+$0x1C0]  }
0x4c9: {  	v4 =	vld.idx.msk [tilespmem:v4+s19+$0x0], $0xffff  }
0x4ca: {  	v5 =	vld.idx.msk [tilespmem:v7+s20+$0x0], $0xffff  }
0x4cb: {  	v7 =	vld.idx.msk [tilespmem:v8+s21+$0x0], $0xffff  }
0x4cc: {  	v6 =	vld.idx.msk [tilespmem:v6+s22+$0x0], $0xffff  }
0x4cd: {  	v2 =	vld.idx.msk [tilespmem:v2+s19+$0x0], $0xffff  }
0x4ce: {  	v3 =	vld.idx.msk [tilespmem:v3+s20+$0x0], $0xffff  }
0x4cf: {  	v1 =	vld.idx.msk [tilespmem:v1+s21+$0x0], $0xffff  }
0x4d0: {  	v4 =	vor.u32 v4, v5;
	v5 =	vld.idx.msk [tilespmem:v0+s22+$0x0], $0xffff  }
0x4d1: {  	v0 =	vor.u32 v7, v4;
	v4 =	vld [tilespmem:s1+$0xFFFFFE70]  }
0x4d2: {  	v0 =	vor.u32 v6, v0;
	v6 =	vld [tilespmem:s1+$0xFFFFFEF0]  }
0x4d3: {  	[tilespmem:s13+$0xFFFFFFB0] =	vst v0;
	v0 =	vld [tilespmem:s1+$0xFFFFFF70]  }
0x4d4: {  	v2 =	vor.u32 v2, v3;
	v7 =	vld [tilespmem:s28+$0xFFFFFE40]  }
0x4d5: {  	v1 =	vor.u32 v1, v2;
	v3 =	vld [tilespmem:s28+$0xFFFFFEC0]  }
0x4d6: {  	v1 =	vor.u32 v5, v1;
	v2 =	vld [tilespmem:s28+$0xFFFFFF40]  }
0x4d7: {  	v5 =	vld [tilespmem:s28+$0xFFFFFFC0];
	[tilespmem:s13+$0x40] =	vst v1  }
0x4d8: {  	v1 =	vld [tilespmem:s28+$0x50]  }
0x4d9: {  	v8 =	vld [tilespmem:s28+$0xD0]  }
0x4da: {  	v9 =	vld [tilespmem:s28+$0x150]  }
0x4db: {  	v10 =	vld [tilespmem:s28+$0x1D0]  }
0x4dc: {  	v7 =	vld.idx.msk [tilespmem:v7+s19+$0x0], $0xffff  }
0x4dd: {  	v3 =	vld.idx.msk [tilespmem:v3+s20+$0x0], $0xffff  }
0x4de: {  	v2 =	vld.idx.msk [tilespmem:v2+s21+$0x0], $0xffff  }
0x4df: {  	v5 =	vld.idx.msk [tilespmem:v5+s22+$0x0], $0xffff  }
0x4e0: {  	v11 =	vld.idx.msk [tilespmem:v1+s19+$0x0], $0xffff  }
0x4e1: {  	v8 =	vld.idx.msk [tilespmem:v8+s20+$0x0], $0xffff  }
0x4e2: {  	v9 =	vld.idx.msk [tilespmem:v9+s21+$0x0], $0xffff  }
0x4e3: {  	v1 =	vor.u32 v7, v3;
	v3 =	vld.idx.msk [tilespmem:v10+s22+$0x0], $0xffff  }
0x4e4: {  	v2 =	vor.u32 v2, v1;
	v1 =	vld [tilespmem:s1+$0xFFFFFFF0];
	s1 =	smov.u32 s28  }
0x4e5: {  	v2 =	vor.u32 v5, v2;
	v4 =	vld.idx.msk [tilespmem:v4+s19+$0x0], $0xffff  }
0x4e6: {  	[tilespmem:s13+$0xFFFFFFC0] =	vst v2;
	v2 =	vld.idx.msk [tilespmem:v6+s20+$0x0], $0xffff  }
0x4e7: {  	v6 =	vor.u32 v11, v8;
	v5 =	vld [tilespmem:s28+$0xFFFFFE50]  }
0x4e8: {  	v6 =	vor.u32 v9, v6;
	v10 =	vld [tilespmem:s28+$0xFFFFFED0]  }
0x4e9: {  	v3 =	vor.u32 v3, v6;
	v11 =	vld [tilespmem:s28+$0xFFFFFF50]  }
0x4ea: {  	v6 =	vld [tilespmem:s28+$0xFFFFFFD0];
	[tilespmem:s13+$0x50] =	vst v3  }
0x4eb: {  	v9 =	vld [tilespmem:s28+$0x60]  }
0x4ec: {  	v2 =	vor.u32 v4, v2;
	v7 =	vld [tilespmem:s28+$0xE0]  }
.Ltmp2:
0x4ed: {  	v8 =	vld [tilespmem:s28+$0x160];
	(pc) =	sbr.rel @p0 .LBB2_6-.Ltmp2, $4  }
0x4ee: {  	v3 =	vld [tilespmem:s28+$0x1E0]  }
0x4ef: {  	v4 =	vld.idx.msk [tilespmem:v5+s19+$0x0], $0xffff  }
0x4f0: {  	v5 =	vld.idx.msk [tilespmem:v10+s20+$0x0], $0xffff  }
0x4f1: {  	s28 =	sadd.s32 $0x400, s28;
	v10 =	vld.idx.msk [tilespmem:v11+s21+$0x0], $0xffff  }
0x4f2: {  	_ =	sdelay $0x3  }
0x4f3: {  	v6 =	vld.idx.msk [tilespmem:v6+s22+$0x0], $0xffff;
	_ =	sdelay $0x2  }
0x4f4: {  	v9 =	vld.idx.msk [tilespmem:v9+s19+$0x0], $0xffff;
	v4 =	vor.u32 v4, v5  }
0x4f5: {  	v5 =	vld.idx.msk [tilespmem:v7+s20+$0x0], $0xffff;
	v4 =	vor.u32 v10, v4  }
0x4f6: {  	v7 =	vld.idx.msk [tilespmem:v8+s21+$0x0], $0xffff;
	v4 =	vor.u32 v6, v4  }
0x4f7: {  	[tilespmem:s17+$0xFFFFFFD0] =	vst v4  }
0x4f8: {  	v4 =	vld [tilespmem:s1+$0xFFFFFE60]  }
0x4f9: {  	v6 =	vld [tilespmem:s1+$0xFFFFFEE0]  }
0x4fa: {  	v8 =	vld [tilespmem:s1+$0xFFFFFF60];
	v5 =	vor.u32 v9, v5  }
0x4fb: {  	v5 =	vor.u32 v7, v5;
	v7 =	vld [tilespmem:s1+$0xFFFFFFE0];
	_ =	sdelay $0x3  }
0x4fc: {  	v3 =	vld.idx.msk [tilespmem:v3+s22+$0x0], $0xffff  }
0x4fd: {  	v4 =	vld.idx.msk [tilespmem:v4+s19+$0x0], $0xffff  }
0x4fe: {  	v6 =	vld.idx.msk [tilespmem:v6+s20+$0x0], $0xffff  }
0x4ff: {  	v8 =	vld.idx.msk [tilespmem:v8+s21+$0x0], $0xffff  }
0x500: {  	v7 =	vld.idx.msk [tilespmem:v7+s22+$0x0], $0xffff  }
0x501: {  	v0 =	vld.idx.msk [tilespmem:v0+s21+$0x0], $0xffff;
	v3 =	vor.u32 v3, v5  }
0x502: {  	v1 =	vld.idx.msk [tilespmem:v1+s22+$0x0], $0xffff;
	[tilespmem:s13+$0x60] =	vst v3  }
0x503: {  	v3 =	vld [tilespmem:s1+$0x70];
	v4 =	vor.u32 v4, v6  }
0x504: {  	v5 =	vld [tilespmem:s1+$0xF0];
	v4 =	vor.u32 v8, v4  }
0x505: {  	v9 =	vld [tilespmem:s1+$0x170];
	v4 =	vor.u32 v7, v4  }
0x506: {  	v6 =	vld [tilespmem:s1+$0x1F0];
	[tilespmem:s17+$0xFFFFFFE0] =	vst v4  }
0x507: {  	v4 =	vld [tilespmem:s1+$0xFFFFFE70]  }
0x508: {  	v7 =	vld [tilespmem:s1+$0xFFFFFEF0]  }
0x509: {  	v8 =	vld [tilespmem:s1+$0xFFFFFF70]  }
0x50a: {  	v10 =	vld [tilespmem:s1+$0xFFFFFFF0]  }
0x50b: {  	v3 =	vld.idx.msk [tilespmem:v3+s19+$0x0], $0xffff  }
0x50c: {  	v5 =	vld.idx.msk [tilespmem:v5+s20+$0x0], $0xffff  }
0x50d: {  	v9 =	vld.idx.msk [tilespmem:v9+s21+$0x0], $0xffff  }
0x50e: {  	v6 =	vld.idx.msk [tilespmem:v6+s22+$0x0], $0xffff  }
0x50f: {  	v4 =	vld.idx.msk [tilespmem:v4+s19+$0x0], $0xffff  }
0x510: {  	v7 =	vld.idx.msk [tilespmem:v7+s20+$0x0], $0xffff  }
0x511: {  	v8 =	vld.idx.msk [tilespmem:v8+s21+$0x0], $0xffff  }
0x512: {  	v10 =	vld.idx.msk [tilespmem:v10+s22+$0x0], $0xffff;
	_ =	sdelay $0x1  }
0x513: {  	v0 =	vor.u32 v0, v2;
	v3 =	vor.u32 v3, v5  }
0x514: {  	v0 =	vor.u32 v1, v0;
	v3 =	vor.u32 v9, v3;
	v2 =	vor.u32 v4, v7  }
0x515: {  	[tilespmem:s0+$0xFFFFFFF0] =	vst v0;
	v3 =	vor.u32 v6, v3;
	v1 =	vor.u32 v8, v2  }
0x516: {  	[tilespmem:s17+$0x70] =	vst v3;
	v0 =	vor.u32 v10, v1  }
0x517: {  	[tilespmem:s17+$0xFFFFFFF0] =	vst v0;
	s17 =	simm.s32 $0xC800  }
0x518: {  	[hbm4b:s10+s23] =	stream.strided.scatter [tilespmem:s17], [sflag:$0x3], $0x1900, s24, s23, $0x38;
	[tilespmem:$0xFF00] =	vst v63  }
0x519: {  	_ =	swait.ge [sflag:s26], $0x6400  }
0x51a: {  	[sflag:s26] =	ssyncset.done $0x0  }
0x51b: {  	[sflag:s26] =	ssyncadd.s32 $0xFFFF9C00  }
0x51c: {  	_ =	swait.ge [sflag:s30], $0x1900  }
0x51d: {  	[sflag:s30] =	ssyncset.done $0x0  }
0x51e: {  	s25 =	simm.s32 $0x6600;
	[sflag:s30] =	ssyncadd.s32 $0xFFFFE700  }
0x51f: {  	v0 =	vld [tilespmem:s25+$0x0]  }
0x520: {  	v1 =	vld [tilespmem:s25+$0x80]  }
0x521: {  	v2 =	vld [tilespmem:s25+$0x100]  }
0x522: {  	v3 =	vld [tilespmem:s25+$0x180];
	_ =	sdelay $0x4  }
0x523: {  	v0 =	vld.idx.msk [tilespmem:v0+s19+$0x0], $0xffff  }
0x524: {  	v1 =	vld.idx.msk [tilespmem:v1+s20+$0x0], $0xffff  }
0x525: {  	v2 =	vld.idx.msk [tilespmem:v2+s21+$0x0], $0xffff  }
0x526: {  	v3 =	vld.idx.msk [tilespmem:v3+s22+$0x0], $0xffff;
	_ =	sdelay $0x2  }
0x527: {  	v4 =	vld [tilespmem:s25+$0xFFFFFE00];
	v0 =	vor.u32 v0, v1  }
0x528: {  	v1 =	vld [tilespmem:s25+$0xFFFFFE80];
	v0 =	vor.u32 v2, v0  }
0x529: {  	s0 =	simm.s32 $0xE180;
	v2 =	vld [tilespmem:s25+$0xFFFFFF00];
	v0 =	vor.u32 v3, v0  }
0x52a: {  	v3 =	vld [tilespmem:s25+$0xFFFFFF80];
	[tilespmem:s0+$0x0] =	vst v0  }
0x52b: {  	v0 =	vld [tilespmem:s25+$0x10]  }
0x52c: {  	v5 =	vld [tilespmem:s25+$0x90]  }
0x52d: {  	v6 =	vld [tilespmem:s25+$0x110]  }
0x52e: {  	v7 =	vld [tilespmem:s25+$0x190]  }
0x52f: {  	v4 =	vld.idx.msk [tilespmem:v4+s19+$0x0], $0xffff  }
0x530: {  	v1 =	vld.idx.msk [tilespmem:v1+s20+$0x0], $0xffff  }
0x531: {  	v2 =	vld.idx.msk [tilespmem:v2+s21+$0x0], $0xffff  }
0x532: {  	v3 =	vld.idx.msk [tilespmem:v3+s22+$0x0], $0xffff  }
0x533: {  	v0 =	vld.idx.msk [tilespmem:v0+s19+$0x0], $0xffff  }
0x534: {  	v5 =	vld.idx.msk [tilespmem:v5+s20+$0x0], $0xffff  }
0x535: {  	v1 =	vor.u32 v4, v1;
	v4 =	vld.idx.msk [tilespmem:v6+s21+$0x0], $0xffff  }
0x536: {  	v1 =	vor.u32 v2, v1;
	v2 =	vld.idx.msk [tilespmem:v7+s22+$0x0], $0xffff  }
0x537: {  	v1 =	vor.u32 v3, v1  }
0x538: {  	[tilespmem:s0+$0xFFFFFF80] =	vst v1  }
0x539: {  	v1 =	vld [tilespmem:s25+$0xFFFFFE10];
	v0 =	vor.u32 v0, v5  }
0x53a: {  	v3 =	vld [tilespmem:s25+$0xFFFFFE90];
	v0 =	vor.u32 v4, v0  }
0x53b: {  	v4 =	vld [tilespmem:s25+$0xFFFFFF10];
	v0 =	vor.u32 v2, v0  }
0x53c: {  	v2 =	vld [tilespmem:s25+$0xFFFFFF90];
	[tilespmem:s0+$0x10] =	vst v0  }
0x53d: {  	v0 =	vld [tilespmem:s25+$0x20]  }
0x53e: {  	v5 =	vld [tilespmem:s25+$0xA0]  }
0x53f: {  	v6 =	vld [tilespmem:s25+$0x120]  }
0x540: {  	v7 =	vld [tilespmem:s25+$0x1A0]  }
0x541: {  	v1 =	vld.idx.msk [tilespmem:v1+s19+$0x0], $0xffff  }
0x542: {  	v3 =	vld.idx.msk [tilespmem:v3+s20+$0x0], $0xffff  }
0x543: {  	v4 =	vld.idx.msk [tilespmem:v4+s21+$0x0], $0xffff  }
0x544: {  	v2 =	vld.idx.msk [tilespmem:v2+s22+$0x0], $0xffff  }
0x545: {  	v0 =	vld.idx.msk [tilespmem:v0+s19+$0x0], $0xffff  }
0x546: {  	v5 =	vld.idx.msk [tilespmem:v5+s20+$0x0], $0xffff  }
0x547: {  	v6 =	vld.idx.msk [tilespmem:v6+s21+$0x0], $0xffff;
	v1 =	vor.u32 v1, v3  }
0x548: {  	v3 =	vld.idx.msk [tilespmem:v7+s22+$0x0], $0xffff;
	v1 =	vor.u32 v4, v1  }
0x549: {  	v1 =	vor.u32 v2, v1  }
0x54a: {  	[tilespmem:s0+$0xFFFFFF90] =	vst v1  }
0x54b: {  	v1 =	vld [tilespmem:s25+$0xFFFFFE20];
	v0 =	vor.u32 v0, v5  }
0x54c: {  	v2 =	vld [tilespmem:s25+$0xFFFFFEA0];
	v0 =	vor.u32 v6, v0  }
0x54d: {  	v4 =	vld [tilespmem:s25+$0xFFFFFF20];
	v0 =	vor.u32 v3, v0  }
0x54e: {  	v3 =	vld [tilespmem:s25+$0xFFFFFFA0];
	[tilespmem:s0+$0x20] =	vst v0  }
0x54f: {  	v0 =	vld [tilespmem:s25+$0x30]  }
0x550: {  	v5 =	vld [tilespmem:s25+$0xB0]  }
0x551: {  	v6 =	vld [tilespmem:s25+$0x130]  }
0x552: {  	v7 =	vld [tilespmem:s25+$0x1B0]  }
0x553: {  	v1 =	vld.idx.msk [tilespmem:v1+s19+$0x0], $0xffff  }
0x554: {  	v2 =	vld.idx.msk [tilespmem:v2+s20+$0x0], $0xffff  }
0x555: {  	v4 =	vld.idx.msk [tilespmem:v4+s21+$0x0], $0xffff  }
0x556: {  	v3 =	vld.idx.msk [tilespmem:v3+s22+$0x0], $0xffff  }
0x557: {  	v0 =	vld.idx.msk [tilespmem:v0+s19+$0x0], $0xffff  }
0x558: {  	v5 =	vld.idx.msk [tilespmem:v5+s20+$0x0], $0xffff  }
0x559: {  	v6 =	vld.idx.msk [tilespmem:v6+s21+$0x0], $0xffff;
	v1 =	vor.u32 v1, v2  }
0x55a: {  	v2 =	vld.idx.msk [tilespmem:v7+s22+$0x0], $0xffff;
	v1 =	vor.u32 v4, v1  }
0x55b: {  	v1 =	vor.u32 v3, v1  }
0x55c: {  	[tilespmem:s0+$0xFFFFFFA0] =	vst v1  }
0x55d: {  	v1 =	vld [tilespmem:s25+$0xFFFFFE30];
	v0 =	vor.u32 v0, v5  }
0x55e: {  	v3 =	vld [tilespmem:s25+$0xFFFFFEB0];
	v0 =	vor.u32 v6, v0  }
0x55f: {  	v4 =	vld [tilespmem:s25+$0xFFFFFF30];
	v0 =	vor.u32 v2, v0  }
0x560: {  	v2 =	vld [tilespmem:s25+$0xFFFFFFB0];
	[tilespmem:s0+$0x30] =	vst v0  }
0x561: {  	v0 =	vld [tilespmem:s25+$0x40]  }
0x562: {  	v5 =	vld [tilespmem:s25+$0xC0]  }
0x563: {  	v6 =	vld [tilespmem:s25+$0x140]  }
0x564: {  	v7 =	vld [tilespmem:s25+$0x1C0]  }
0x565: {  	v1 =	vld.idx.msk [tilespmem:v1+s19+$0x0], $0xffff  }
0x566: {  	v3 =	vld.idx.msk [tilespmem:v3+s20+$0x0], $0xffff  }
0x567: {  	v4 =	vld.idx.msk [tilespmem:v4+s21+$0x0], $0xffff  }
0x568: {  	v2 =	vld.idx.msk [tilespmem:v2+s22+$0x0], $0xffff  }
0x569: {  	v0 =	vld.idx.msk [tilespmem:v0+s19+$0x0], $0xffff  }
0x56a: {  	v5 =	vld.idx.msk [tilespmem:v5+s20+$0x0], $0xffff  }
0x56b: {  	v6 =	vld.idx.msk [tilespmem:v6+s21+$0x0], $0xffff;
	v1 =	vor.u32 v1, v3  }
0x56c: {  	s1 =	simm.s32 $0x6A00;
	v3 =	vld.idx.msk [tilespmem:v7+s22+$0x0], $0xffff;
	v1 =	vor.u32 v4, v1  }
0x56d: {  	v10 =	vld [tilespmem:s1+$0xFFFFFE00];
	v1 =	vor.u32 v2, v1  }
0x56e: {  	v12 =	vld [tilespmem:s1+$0x80];
	[tilespmem:s0+$0xFFFFFFB0] =	vst v1  }
0x56f: {  	v1 =	vld [tilespmem:s25+$0xFFFFFE40];
	v0 =	vor.u32 v0, v5  }
0x570: {  	v2 =	vld [tilespmem:s25+$0xFFFFFEC0];
	v0 =	vor.u32 v6, v0  }
0x571: {  	v4 =	vld [tilespmem:s25+$0xFFFFFF40];
	v0 =	vor.u32 v3, v0  }
0x572: {  	v3 =	vld [tilespmem:s25+$0xFFFFFFC0];
	[tilespmem:s0+$0x40] =	vst v0  }
0x573: {  	v0 =	vld [tilespmem:s25+$0x50]  }
0x574: {  	v5 =	vld [tilespmem:s25+$0xD0]  }
0x575: {  	v6 =	vld [tilespmem:s25+$0x150]  }
0x576: {  	v7 =	vld [tilespmem:s25+$0x1D0]  }
0x577: {  	v1 =	vld.idx.msk [tilespmem:v1+s19+$0x0], $0xffff  }
0x578: {  	v2 =	vld.idx.msk [tilespmem:v2+s20+$0x0], $0xffff  }
0x579: {  	v4 =	vld.idx.msk [tilespmem:v4+s21+$0x0], $0xffff  }
0x57a: {  	v3 =	vld.idx.msk [tilespmem:v3+s22+$0x0], $0xffff  }
0x57b: {  	v0 =	vld.idx.msk [tilespmem:v0+s19+$0x0], $0xffff  }
0x57c: {  	v5 =	vld.idx.msk [tilespmem:v5+s20+$0x0], $0xffff  }
0x57d: {  	v6 =	vld.idx.msk [tilespmem:v6+s21+$0x0], $0xffff  }
0x57e: {  	v1 =	vor.u32 v1, v2;
	v2 =	vld.idx.msk [tilespmem:v7+s22+$0x0], $0xffff  }
0x57f: {  	v11 =	vld [tilespmem:s1+$0xFFFFFF00]  }
0x580: {  	v17 =	vld [tilespmem:s1+$0xFFFFFF80];
	v1 =	vor.u32 v4, v1  }
0x581: {  	v12 =	vld.idx.msk [tilespmem:v12+s20+$0x0], $0xffff;
	v1 =	vor.u32 v3, v1;
	v0 =	vor.u32 v0, v5  }
0x582: {  	v10 =	vld.idx.msk [tilespmem:v10+s19+$0x0], $0xffff;
	[tilespmem:s0+$0xFFFFFFC0] =	vst v1;
	v0 =	vor.u32 v6, v0  }
0x583: {  	v1 =	vld [tilespmem:s25+$0xFFFFFE50];
	v0 =	vor.u32 v2, v0  }
0x584: {  	v4 =	vld [tilespmem:s25+$0xFFFFFF50];
	[tilespmem:s0+$0x50] =	vst v0  }
0x585: {  	v0 =	vld [tilespmem:s25+$0x60]  }
0x586: {  	v2 =	vld [tilespmem:s25+$0xE0]  }
0x587: {  	v5 =	vld [tilespmem:s25+$0x160]  }
0x588: {  	v7 =	vld [tilespmem:s25+$0x1E0]  }
0x589: {  	v3 =	vld [tilespmem:s25+$0xFFFFFED0]  }
0x58a: {  	v6 =	vld [tilespmem:s25+$0xFFFFFFD0]  }
0x58b: {  	v1 =	vld.idx.msk [tilespmem:v1+s19+$0x0], $0xffff  }
0x58c: {  	v9 =	vld.idx.msk [tilespmem:v4+s21+$0x0], $0xffff  }
0x58d: {  	v0 =	vld.idx.msk [tilespmem:v0+s19+$0x0], $0xffff  }
0x58e: {  	v2 =	vld.idx.msk [tilespmem:v2+s20+$0x0], $0xffff  }
0x58f: {  	v4 =	vld.idx.msk [tilespmem:v5+s21+$0x0], $0xffff  }
0x590: {  	v5 =	vld.idx.msk [tilespmem:v7+s22+$0x0], $0xffff  }
0x591: {  	v8 =	vld.idx.msk [tilespmem:v3+s20+$0x0], $0xffff  }
0x592: {  	v3 =	vld [tilespmem:s1+$0x0]  }
0x593: {  	v0 =	vor.u32 v0, v2;
	v2 =	vld [tilespmem:s1+$0x100]  }
0x594: {  	v0 =	vor.u32 v4, v0;
	v4 =	vld [tilespmem:s1+$0x180]  }
0x595: {  	v6 =	vld.idx.msk [tilespmem:v6+s22+$0x0], $0xffff;
	v0 =	vor.u32 v5, v0  }
0x596: {  	v7 =	vld [tilespmem:s1+$0xFFFFFE80];
	[tilespmem:s0+$0x60] =	vst v0  }
0x597: {  	v0 =	vld [tilespmem:s25+$0x70]  }
0x598: {  	v11 =	vld.idx.msk [tilespmem:v11+s21+$0x0], $0xffff  }
0x599: {  	v45 =	vld.idx.msk [tilespmem:v17+s22+$0x0], $0xffff;
	v1 =	vor.u32 v1, v8  }
0x59a: {  	v1 =	vor.u32 v9, v1;
	v5 =	vld.idx.msk [tilespmem:v3+s19+$0x0], $0xffff  }
0x59b: {  	v1 =	vor.u32 v6, v1;
	v15 =	vld.idx.msk [tilespmem:v2+s21+$0x0], $0xffff  }
0x59c: {  	[tilespmem:s0+$0xFFFFFFD0] =	vst v1;
	v16 =	vld.idx.msk [tilespmem:v4+s22+$0x0], $0xffff  }
0x59d: {  	v9 =	vld [tilespmem:s25+$0xFFFFFE60]  }
0x59e: {  	v7 =	vld.idx.msk [tilespmem:v7+s20+$0x0], $0xffff  }
0x59f: {  	v2 =	vld.idx.msk [tilespmem:v0+s19+$0x0], $0xffff;
	v0 =	vor.u32 v5, v12  }
0x5a0: {  	v3 =	vld [tilespmem:s25+$0xF0];
	v0 =	vor.u32 v15, v0  }
0x5a1: {  	s13 =	simm.s32 $0xE280;
	v13 =	vld [tilespmem:s25+$0x170];
	v0 =	vor.u32 v16, v0  }
0x5a2: {  	v14 =	vld [tilespmem:s25+$0x1F0];
	[tilespmem:s13+$0x0] =	vst v0  }
0x5a3: {  	v7 =	vor.u32 v10, v7;
	v0 =	vld [tilespmem:s1+$0x10]  }
0x5a4: {  	v7 =	vor.u32 v11, v7;
	v42 =	vld [tilespmem:s1+$0x90]  }
0x5a5: {  	v7 =	vor.u32 v45, v7;
	v43 =	vld [tilespmem:s1+$0x110]  }
0x5a6: {  	[tilespmem:s13+$0xFFFFFF80] =	vst v7;
	v44 =	vld [tilespmem:s1+$0x190]  }
0x5a7: {  	v7 =	vld [tilespmem:s1+$0xFFFFFE10]  }
0x5a8: {  	v8 =	vld [tilespmem:s1+$0xFFFFFE90]  }
0x5a9: {  	v6 =	vld [tilespmem:s1+$0xFFFFFF10]  }
0x5aa: {  	v1 =	vld [tilespmem:s1+$0xFFFFFF90]  }
0x5ab: {  	v0 =	vld.idx.msk [tilespmem:v0+s19+$0x0], $0xffff  }
0x5ac: {  	v10 =	vld.idx.msk [tilespmem:v42+s20+$0x0], $0xffff  }
0x5ad: {  	v11 =	vld.idx.msk [tilespmem:v43+s21+$0x0], $0xffff  }
0x5ae: {  	v46 =	vld.idx.msk [tilespmem:v44+s22+$0x0], $0xffff  }
0x5af: {  	v3 =	vld.idx.msk [tilespmem:v3+s20+$0x0], $0xffff  }
0x5b0: {  	v4 =	vld.idx.msk [tilespmem:v13+s21+$0x0], $0xffff  }
0x5b1: {  	v7 =	vld.idx.msk [tilespmem:v7+s19+$0x0], $0xffff;
	v0 =	vor.u32 v0, v10  }
0x5b2: {  	v8 =	vld.idx.msk [tilespmem:v8+s20+$0x0], $0xffff;
	v0 =	vor.u32 v11, v0  }
0x5b3: {  	v6 =	vld.idx.msk [tilespmem:v6+s21+$0x0], $0xffff;
	v0 =	vor.u32 v46, v0  }
0x5b4: {  	v1 =	vld.idx.msk [tilespmem:v1+s22+$0x0], $0xffff;
	[tilespmem:s13+$0x10] =	vst v0  }
0x5b5: {  	v10 =	vld [tilespmem:s1+$0x20]  }
0x5b6: {  	v11 =	vld [tilespmem:s1+$0xA0]  }
0x5b7: {  	v47 =	vld [tilespmem:s1+$0x120]  }
0x5b8: {  	v48 =	vld [tilespmem:s1+$0x1A0]  }
0x5b9: {  	v5 =	vld.idx.msk [tilespmem:v14+s22+$0x0], $0xffff;
	v7 =	vor.u32 v7, v8  }
0x5ba: {  	v6 =	vor.u32 v6, v7;
	v7 =	vld [tilespmem:s25+$0xFFFFFF60]  }
0x5bb: {  	v1 =	vor.u32 v1, v6;
	v6 =	vld [tilespmem:s25+$0xFFFFFFE0]  }
0x5bc: {  	[tilespmem:s13+$0xFFFFFF90] =	vst v1;
	v1 =	vld.idx.msk [tilespmem:v9+s19+$0x0], $0xffff  }
0x5bd: {  	v10 =	vld.idx.msk [tilespmem:v10+s19+$0x0], $0xffff  }
0x5be: {  	v11 =	vld.idx.msk [tilespmem:v11+s20+$0x0], $0xffff  }
0x5bf: {  	v12 =	vld.idx.msk [tilespmem:v47+s21+$0x0], $0xffff  }
0x5c0: {  	v8 =	vld.idx.msk [tilespmem:v48+s22+$0x0], $0xffff  }
0x5c1: {  	v9 =	vld [tilespmem:s1+$0xFFFFFE20]  }
0x5c2: {  	v49 =	vld [tilespmem:s1+$0xFFFFFF20]  }
0x5c3: {  	v0 =	vld [tilespmem:s25+$0xFFFFFEE0];
	v10 =	vor.u32 v10, v11  }
0x5c4: {  	v11 =	vld [tilespmem:s1+$0xFFFFFEA0];
	v10 =	vor.u32 v12, v10  }
0x5c5: {  	v7 =	vld.idx.msk [tilespmem:v7+s21+$0x0], $0xffff;
	v8 =	vor.u32 v8, v10  }
0x5c6: {  	v10 =	vld [tilespmem:s1+$0xFFFFFFA0];
	[tilespmem:s13+$0x20] =	vst v8  }
0x5c7: {  	v8 =	vld [tilespmem:s1+$0x30]  }
0x5c8: {  	v50 =	vld [tilespmem:s1+$0xB0]  }
0x5c9: {  	v51 =	vld [tilespmem:s1+$0x130]  }
0x5ca: {  	v52 =	vld [tilespmem:s1+$0x1B0]  }
0x5cb: {  	v9 =	vld.idx.msk [tilespmem:v9+s19+$0x0], $0xffff  }
0x5cc: {  	v11 =	vld.idx.msk [tilespmem:v11+s20+$0x0], $0xffff  }
0x5cd: {  	v12 =	vld.idx.msk [tilespmem:v49+s21+$0x0], $0xffff  }
0x5ce: {  	v10 =	vld.idx.msk [tilespmem:v10+s22+$0x0], $0xffff  }
0x5cf: {  	v8 =	vld.idx.msk [tilespmem:v8+s19+$0x0], $0xffff  }
0x5d0: {  	v13 =	vld.idx.msk [tilespmem:v50+s20+$0x0], $0xffff  }
0x5d1: {  	v14 =	vld.idx.msk [tilespmem:v51+s21+$0x0], $0xffff;
	v9 =	vor.u32 v9, v11  }
0x5d2: {  	v11 =	vld.idx.msk [tilespmem:v52+s22+$0x0], $0xffff;
	v9 =	vor.u32 v12, v9  }
0x5d3: {  	v6 =	vld.idx.msk [tilespmem:v6+s22+$0x0], $0xffff;
	v9 =	vor.u32 v10, v9  }
0x5d4: {  	v0 =	vld.idx.msk [tilespmem:v0+s20+$0x0], $0xffff;
	[tilespmem:s13+$0xFFFFFFA0] =	vst v9  }
0x5d5: {  	v9 =	vld [tilespmem:s1+$0xFFFFFE30];
	v8 =	vor.u32 v8, v13  }
0x5d6: {  	v10 =	vld [tilespmem:s1+$0xFFFFFEB0];
	v8 =	vor.u32 v14, v8  }
0x5d7: {  	v53 =	vld [tilespmem:s1+$0xFFFFFF30];
	v8 =	vor.u32 v11, v8  }
0x5d8: {  	v11 =	vld [tilespmem:s1+$0xFFFFFFB0];
	[tilespmem:s13+$0x30] =	vst v8  }
0x5d9: {  	v8 =	vld [tilespmem:s1+$0x40]  }
0x5da: {  	v54 =	vld [tilespmem:s1+$0xC0]  }
0x5db: {  	v55 =	vld [tilespmem:s1+$0x140]  }
0x5dc: {  	v56 =	vld [tilespmem:s1+$0x1C0]  }
0x5dd: {  	v9 =	vld.idx.msk [tilespmem:v9+s19+$0x0], $0xffff  }
0x5de: {  	v10 =	vld.idx.msk [tilespmem:v10+s20+$0x0], $0xffff  }
0x5df: {  	v12 =	vld.idx.msk [tilespmem:v53+s21+$0x0], $0xffff  }
0x5e0: {  	v11 =	vld.idx.msk [tilespmem:v11+s22+$0x0], $0xffff  }
0x5e1: {  	v0 =	vor.u32 v1, v0;
	v1 =	vld.idx.msk [tilespmem:v8+s19+$0x0], $0xffff  }
0x5e2: {  	v0 =	vor.u32 v7, v0;
	v7 =	vld.idx.msk [tilespmem:v54+s20+$0x0], $0xffff  }
0x5e3: {  	v0 =	vor.u32 v6, v0;
	v6 =	vld.idx.msk [tilespmem:v55+s21+$0x0], $0xffff  }
0x5e4: {  	[tilespmem:s0+$0xFFFFFFE0] =	vst v0;
	v8 =	vld.idx.msk [tilespmem:v56+s22+$0x0], $0xffff;
	v0 =	vor.u32 v9, v10  }
0x5e5: {  	v9 =	vld [tilespmem:s25+$0xFFFFFE70];
	v0 =	vor.u32 v12, v0  }
0x5e6: {  	v10 =	vld [tilespmem:s25+$0xFFFFFEF0];
	v0 =	vor.u32 v11, v0  }
0x5e7: {  	[tilespmem:s13+$0xFFFFFFB0] =	vst v0;
	v0 =	vld [tilespmem:s25+$0xFFFFFF70]  }
0x5e8: {  	v11 =	vld [tilespmem:s1+$0xFFFFFE40];
	v1 =	vor.u32 v1, v7  }
0x5e9: {  	v7 =	vld [tilespmem:s1+$0xFFFFFEC0];
	v1 =	vor.u32 v6, v1  }
0x5ea: {  	v6 =	vld [tilespmem:s1+$0xFFFFFF40];
	v1 =	vor.u32 v8, v1  }
0x5eb: {  	v8 =	vld [tilespmem:s1+$0xFFFFFFC0];
	[tilespmem:s13+$0x40] =	vst v1  }
0x5ec: {  	v1 =	vld [tilespmem:s1+$0x50]  }
0x5ed: {  	v57 =	vld [tilespmem:s1+$0xD0]  }
0x5ee: {  	v58 =	vld [tilespmem:s1+$0x150]  }
0x5ef: {  	v59 =	vld [tilespmem:s1+$0x1D0]  }
0x5f0: {  	v10 =	vld.idx.msk [tilespmem:v10+s20+$0x0], $0xffff  }
0x5f1: {  	v11 =	vld.idx.msk [tilespmem:v11+s19+$0x0], $0xffff  }
0x5f2: {  	v7 =	vld.idx.msk [tilespmem:v7+s20+$0x0], $0xffff  }
0x5f3: {  	v6 =	vld.idx.msk [tilespmem:v6+s21+$0x0], $0xffff  }
0x5f4: {  	v8 =	vld.idx.msk [tilespmem:v8+s22+$0x0], $0xffff  }
0x5f5: {  	v60 =	vld.idx.msk [tilespmem:v1+s19+$0x0], $0xffff  }
0x5f6: {  	v12 =	vld.idx.msk [tilespmem:v57+s20+$0x0], $0xffff  }
0x5f7: {  	v13 =	vld.idx.msk [tilespmem:v58+s21+$0x0], $0xffff;
	v1 =	vor.u32 v11, v7  }
0x5f8: {  	v7 =	vld.idx.msk [tilespmem:v59+s22+$0x0], $0xffff;
	v6 =	vor.u32 v6, v1  }
0x5f9: {  	v11 =	vld.idx.msk [tilespmem:v9+s19+$0x0], $0xffff;
	v6 =	vor.u32 v8, v6  }
0x5fa: {  	v1 =	vld [tilespmem:s25+$0xFFFFFFF0];
	[tilespmem:s13+$0xFFFFFFC0] =	vst v6  }
0x5fb: {  	v61 =	vld [tilespmem:s1+$0xFFFFFE50];
	v6 =	vor.u32 v60, v12  }
0x5fc: {  	v62 =	vld [tilespmem:s1+$0xFFFFFED0];
	v6 =	vor.u32 v13, v6  }
0x5fd: {  	v63 =	vld [tilespmem:s1+$0xFFFFFF50];
	v7 =	vor.u32 v7, v6  }
0x5fe: {  	v6 =	vld [tilespmem:s1+$0xFFFFFFD0];
	[tilespmem:s13+$0x50] =	vst v7  }
0x5ff: {  	v9 =	vld [tilespmem:s1+$0x60]  }
0x600: {  	v7 =	vld [tilespmem:s1+$0xE0]  }
0x601: {  	v8 =	vld [tilespmem:s1+$0x160]  }
0x602: {  	v2 =	vor.u32 v2, v3;
	v3 =	vld [tilespmem:s1+$0x1E0]  }
0x603: {  	v2 =	vor.u32 v4, v2;
	v4 =	vld.idx.msk [tilespmem:v61+s19+$0x0], $0xffff  }
0x604: {  	v2 =	vor.u32 v5, v2;
	v5 =	vld.idx.msk [tilespmem:v62+s20+$0x0], $0xffff  }
0x605: {  	s28 =	simm.s32 $0x6E00;
	s17 =	simm.s32 $0xE280;
	[tilespmem:s0+$0x70] =	vst v2;
	s25 =	simm.s32 $0x2;
	v2 =	vor.u32 v11, v10;
	v10 =	vld.idx.msk [tilespmem:v63+s21+$0x0], $0xffff  }
.LBB2_8:
0x606: {  	v11 =	vld [tilespmem:s28+$0x0]  }
0x607: {  	v9 =	vld.idx.msk [tilespmem:v9+s19+$0x0], $0xffff  }
0x608: {  	v7 =	vld.idx.msk [tilespmem:v7+s20+$0x0], $0xffff  }
0x609: {  	v8 =	vld.idx.msk [tilespmem:v8+s21+$0x0], $0xffff  }
0x60a: {  	v4 =	vor.u32 v4, v5;
	v3 =	vld.idx.msk [tilespmem:v3+s22+$0x0], $0xffff  }
0x60b: {  	v4 =	vor.u32 v10, v4;
	v5 =	vld [tilespmem:s28+$0xFFFFFE80]  }
0x60c: {  	v10 =	vld [tilespmem:s28+$0xFFFFFE00]  }
0x60d: {  	v12 =	vld [tilespmem:s28+$0xFFFFFF00]  }
0x60e: {  	v7 =	vor.u32 v9, v7;
	v13 =	vld [tilespmem:s28+$0x80]  }
0x60f: {  	v7 =	vor.u32 v8, v7;
	v9 =	vld [tilespmem:s28+$0x100]  }
0x610: {  	v3 =	vor.u32 v3, v7;
	v8 =	vld [tilespmem:s28+$0x180]  }
0x611: {  	v7 =	vld.idx.msk [tilespmem:v11+s19+$0x0], $0xffff;
	[tilespmem:s13+$0x60] =	vst v3  }
0x612: {  	v3 =	vld [tilespmem:s1+$0x70]  }
0x613: {  	v11 =	vld [tilespmem:s1+$0xF0]  }
0x614: {  	v14 =	vld [tilespmem:s1+$0x170]  }
0x615: {  	s25 =	sadd.s32 $0x2, s25;
	v15 =	vld [tilespmem:s1+$0x1F0]  }
0x616: {  	p0 =	slt.u32 s25, $0x30;
	v13 =	vld.idx.msk [tilespmem:v13+s20+$0x0], $0xffff  }
0x617: {  	v9 =	vld.idx.msk [tilespmem:v9+s21+$0x0], $0xffff  }
0x618: {  	v8 =	vld.idx.msk [tilespmem:v8+s22+$0x0], $0xffff  }
0x619: {  	v16 =	vld [tilespmem:s28+$0xFFFFFF80]  }
0x61a: {  	v3 =	vld.idx.msk [tilespmem:v3+s19+$0x0], $0xffff  }
0x61b: {  	v11 =	vld.idx.msk [tilespmem:v11+s20+$0x0], $0xffff  }
0x61c: {  	v7 =	vor.u32 v7, v13;
	v13 =	vld.idx.msk [tilespmem:v14+s21+$0x0], $0xffff  }
0x61d: {  	v7 =	vor.u32 v9, v7;
	v9 =	vld.idx.msk [tilespmem:v15+s22+$0x0], $0xffff  }
0x61e: {  	s13 =	sadd.s32 $0x100, s13;
	v7 =	vor.u32 v8, v7;
	v10 =	vld.idx.msk [tilespmem:v10+s19+$0x0], $0xffff  }
0x61f: {  	v5 =	vld.idx.msk [tilespmem:v5+s20+$0x0], $0xffff;
	[tilespmem:s13+$0x0] =	vst v7  }
0x620: {  	v7 =	vld [tilespmem:s28+$0x10]  }
0x621: {  	v3 =	vor.u32 v3, v11;
	v8 =	vld [tilespmem:s28+$0x90]  }
0x622: {  	v3 =	vor.u32 v13, v3;
	v11 =	vld [tilespmem:s28+$0x110]  }
0x623: {  	v3 =	vor.u32 v9, v3;
	v13 =	vld [tilespmem:s28+$0x190]  }
0x624: {  	v9 =	vld.idx.msk [tilespmem:v12+s21+$0x0], $0xffff;
	[tilespmem:s17+$0x70] =	vst v3  }
0x625: {  	v3 =	vor.u32 v10, v5;
	v5 =	vld.idx.msk [tilespmem:v16+s22+$0x0], $0xffff  }
0x626: {  	v6 =	vld.idx.msk [tilespmem:v6+s22+$0x0], $0xffff  }
0x627: {  	v0 =	vld.idx.msk [tilespmem:v0+s21+$0x0], $0xffff  }
0x628: {  	v7 =	vld.idx.msk [tilespmem:v7+s19+$0x0], $0xffff  }
0x629: {  	v8 =	vld.idx.msk [tilespmem:v8+s20+$0x0], $0xffff  }
0x62a: {  	v3 =	vor.u32 v9, v3;
	v9 =	vld.idx.msk [tilespmem:v11+s21+$0x0], $0xffff  }
0x62b: {  	v3 =	vor.u32 v5, v3;
	v5 =	vld.idx.msk [tilespmem:v13+s22+$0x0], $0xffff  }
0x62c: {  	[tilespmem:s13+$0xFFFFFF80] =	vst v3;
	v3 =	vor.u32 v6, v4;
	v1 =	vld.idx.msk [tilespmem:v1+s22+$0x0], $0xffff  }
0x62d: {  	v0 =	vor.u32 v0, v2;
	v4 =	vld [tilespmem:s28+$0xFFFFFE10];
	[tilespmem:s17+$0xFFFFFFD0] =	vst v3  }
0x62e: {  	v2 =	vld [tilespmem:s28+$0xFFFFFE90]  }
0x62f: {  	v6 =	vor.u32 v7, v8;
	v3 =	vld [tilespmem:s28+$0xFFFFFF10]  }
0x630: {  	v6 =	vor.u32 v9, v6;
	v7 =	vld [tilespmem:s28+$0xFFFFFF90]  }
0x631: {  	v5 =	vor.u32 v5, v6;
	v6 =	vld [tilespmem:s1+$0xFFFFFE60]  }
0x632: {  	v0 =	vor.u32 v1, v0;
	[tilespmem:s13+$0x10] =	vst v5;
	v5 =	vld [tilespmem:s1+$0xFFFFFEE0]  }
0x633: {  	v1 =	vld [tilespmem:s28+$0x20];
	[tilespmem:s0+$0xFFFFFFF0] =	vst v0;
	s0 =	smov.u32 s17;
	s17 =	smov.u32 s13  }
0x634: {  	v0 =	vld [tilespmem:s28+$0xA0]  }
0x635: {  	v8 =	vld [tilespmem:s28+$0x120]  }
0x636: {  	v9 =	vld [tilespmem:s28+$0x1A0]  }
0x637: {  	v4 =	vld.idx.msk [tilespmem:v4+s19+$0x0], $0xffff  }
0x638: {  	v2 =	vld.idx.msk [tilespmem:v2+s20+$0x0], $0xffff  }
0x639: {  	v3 =	vld.idx.msk [tilespmem:v3+s21+$0x0], $0xffff  }
0x63a: {  	v7 =	vld.idx.msk [tilespmem:v7+s22+$0x0], $0xffff  }
0x63b: {  	v1 =	vld.idx.msk [tilespmem:v1+s19+$0x0], $0xffff  }
0x63c: {  	v0 =	vld.idx.msk [tilespmem:v0+s20+$0x0], $0xffff  }
0x63d: {  	v8 =	vld.idx.msk [tilespmem:v8+s21+$0x0], $0xffff  }
0x63e: {  	v2 =	vor.u32 v4, v2;
	v4 =	vld.idx.msk [tilespmem:v9+s22+$0x0], $0xffff  }
0x63f: {  	v2 =	vor.u32 v3, v2;
	v3 =	vld [tilespmem:s1+$0xFFFFFF60]  }
0x640: {  	v2 =	vor.u32 v7, v2;
	v7 =	vld [tilespmem:s1+$0xFFFFFFE0]  }
0x641: {  	[tilespmem:s13+$0xFFFFFF90] =	vst v2;
	v2 =	vld.idx.msk [tilespmem:v6+s19+$0x0], $0xffff  }
0x642: {  	v0 =	vor.u32 v1, v0;
	v6 =	vld [tilespmem:s28+$0xFFFFFE20]  }
0x643: {  	v0 =	vor.u32 v8, v0;
	v1 =	vld [tilespmem:s28+$0xFFFFFEA0]  }
0x644: {  	v0 =	vor.u32 v4, v0;
	v8 =	vld [tilespmem:s28+$0xFFFFFF20]  }
0x645: {  	v4 =	vld [tilespmem:s28+$0xFFFFFFA0];
	[tilespmem:s13+$0x20] =	vst v0  }
0x646: {  	v0 =	vld [tilespmem:s28+$0x30]  }
0x647: {  	v9 =	vld [tilespmem:s28+$0xB0]  }
0x648: {  	v10 =	vld [tilespmem:s28+$0x130]  }
0x649: {  	v11 =	vld [tilespmem:s28+$0x1B0]  }
0x64a: {  	v6 =	vld.idx.msk [tilespmem:v6+s19+$0x0], $0xffff  }
0x64b: {  	v1 =	vld.idx.msk [tilespmem:v1+s20+$0x0], $0xffff  }
0x64c: {  	v8 =	vld.idx.msk [tilespmem:v8+s21+$0x0], $0xffff  }
0x64d: {  	v4 =	vld.idx.msk [tilespmem:v4+s22+$0x0], $0xffff  }
0x64e: {  	v0 =	vld.idx.msk [tilespmem:v0+s19+$0x0], $0xffff  }
0x64f: {  	v9 =	vld.idx.msk [tilespmem:v9+s20+$0x0], $0xffff  }
0x650: {  	v10 =	vld.idx.msk [tilespmem:v10+s21+$0x0], $0xffff  }
0x651: {  	v1 =	vor.u32 v6, v1;
	v6 =	vld.idx.msk [tilespmem:v11+s22+$0x0], $0xffff  }
0x652: {  	v1 =	vor.u32 v8, v1;
	v5 =	vld.idx.msk [tilespmem:v5+s20+$0x0], $0xffff  }
0x653: {  	v1 =	vor.u32 v4, v1;
	v3 =	vld.idx.msk [tilespmem:v3+s21+$0x0], $0xffff  }
0x654: {  	[tilespmem:s13+$0xFFFFFFA0] =	vst v1;
	v1 =	vld.idx.msk [tilespmem:v7+s22+$0x0], $0xffff  }
0x655: {  	v0 =	vor.u32 v0, v9;
	v4 =	vld [tilespmem:s28+$0xFFFFFE30]  }
0x656: {  	v0 =	vor.u32 v10, v0;
	v7 =	vld [tilespmem:s28+$0xFFFFFEB0]  }
0x657: {  	v0 =	vor.u32 v6, v0;
	v8 =	vld [tilespmem:s28+$0xFFFFFF30]  }
0x658: {  	v6 =	vld [tilespmem:s28+$0xFFFFFFB0];
	[tilespmem:s13+$0x30] =	vst v0;
	v0 =	vor.u32 v2, v5  }
0x659: {  	v2 =	vld [tilespmem:s28+$0x40];
	v0 =	vor.u32 v3, v0  }
0x65a: {  	v3 =	vld [tilespmem:s28+$0xC0];
	v0 =	vor.u32 v1, v0  }
0x65b: {  	v1 =	vld [tilespmem:s28+$0x140];
	[tilespmem:s0+$0xFFFFFFE0] =	vst v0  }
0x65c: {  	v0 =	vld [tilespmem:s28+$0x1C0]  }
0x65d: {  	v4 =	vld.idx.msk [tilespmem:v4+s19+$0x0], $0xffff  }
0x65e: {  	v5 =	vld.idx.msk [tilespmem:v7+s20+$0x0], $0xffff  }
0x65f: {  	v7 =	vld.idx.msk [tilespmem:v8+s21+$0x0], $0xffff  }
0x660: {  	v6 =	vld.idx.msk [tilespmem:v6+s22+$0x0], $0xffff  }
0x661: {  	v2 =	vld.idx.msk [tilespmem:v2+s19+$0x0], $0xffff  }
0x662: {  	v3 =	vld.idx.msk [tilespmem:v3+s20+$0x0], $0xffff  }
0x663: {  	v1 =	vld.idx.msk [tilespmem:v1+s21+$0x0], $0xffff  }
0x664: {  	v4 =	vor.u32 v4, v5;
	v5 =	vld.idx.msk [tilespmem:v0+s22+$0x0], $0xffff  }
0x665: {  	v0 =	vor.u32 v7, v4;
	v4 =	vld [tilespmem:s1+$0xFFFFFE70]  }
0x666: {  	v0 =	vor.u32 v6, v0;
	v6 =	vld [tilespmem:s1+$0xFFFFFEF0]  }
0x667: {  	[tilespmem:s13+$0xFFFFFFB0] =	vst v0;
	v0 =	vld [tilespmem:s1+$0xFFFFFF70]  }
0x668: {  	v2 =	vor.u32 v2, v3;
	v7 =	vld [tilespmem:s28+$0xFFFFFE40]  }
0x669: {  	v1 =	vor.u32 v1, v2;
	v3 =	vld [tilespmem:s28+$0xFFFFFEC0]  }
0x66a: {  	v1 =	vor.u32 v5, v1;
	v2 =	vld [tilespmem:s28+$0xFFFFFF40]  }
0x66b: {  	v5 =	vld [tilespmem:s28+$0xFFFFFFC0];
	[tilespmem:s13+$0x40] =	vst v1  }
0x66c: {  	v1 =	vld [tilespmem:s28+$0x50]  }
0x66d: {  	v8 =	vld [tilespmem:s28+$0xD0]  }
0x66e: {  	v9 =	vld [tilespmem:s28+$0x150]  }
0x66f: {  	v10 =	vld [tilespmem:s28+$0x1D0]  }
0x670: {  	v7 =	vld.idx.msk [tilespmem:v7+s19+$0x0], $0xffff  }
0x671: {  	v3 =	vld.idx.msk [tilespmem:v3+s20+$0x0], $0xffff  }
0x672: {  	v2 =	vld.idx.msk [tilespmem:v2+s21+$0x0], $0xffff  }
0x673: {  	v5 =	vld.idx.msk [tilespmem:v5+s22+$0x0], $0xffff  }
0x674: {  	v11 =	vld.idx.msk [tilespmem:v1+s19+$0x0], $0xffff  }
0x675: {  	v8 =	vld.idx.msk [tilespmem:v8+s20+$0x0], $0xffff  }
0x676: {  	v9 =	vld.idx.msk [tilespmem:v9+s21+$0x0], $0xffff  }
0x677: {  	v1 =	vor.u32 v7, v3;
	v3 =	vld.idx.msk [tilespmem:v10+s22+$0x0], $0xffff  }
0x678: {  	v2 =	vor.u32 v2, v1;
	v1 =	vld [tilespmem:s1+$0xFFFFFFF0];
	s1 =	smov.u32 s28  }
0x679: {  	v2 =	vor.u32 v5, v2;
	v4 =	vld.idx.msk [tilespmem:v4+s19+$0x0], $0xffff  }
0x67a: {  	[tilespmem:s13+$0xFFFFFFC0] =	vst v2;
	v2 =	vld.idx.msk [tilespmem:v6+s20+$0x0], $0xffff  }
0x67b: {  	v6 =	vor.u32 v11, v8;
	v5 =	vld [tilespmem:s28+$0xFFFFFE50]  }
0x67c: {  	v6 =	vor.u32 v9, v6;
	v10 =	vld [tilespmem:s28+$0xFFFFFED0]  }
0x67d: {  	v3 =	vor.u32 v3, v6;
	v11 =	vld [tilespmem:s28+$0xFFFFFF50]  }
0x67e: {  	v6 =	vld [tilespmem:s28+$0xFFFFFFD0];
	[tilespmem:s13+$0x50] =	vst v3  }
0x67f: {  	v9 =	vld [tilespmem:s28+$0x60]  }
0x680: {  	v2 =	vor.u32 v4, v2;
	v7 =	vld [tilespmem:s28+$0xE0]  }
.Ltmp3:
0x681: {  	v8 =	vld [tilespmem:s28+$0x160];
	(pc) =	sbr.rel @p0 .LBB2_8-.Ltmp3, $4  }
0x682: {  	v3 =	vld [tilespmem:s28+$0x1E0]  }
0x683: {  	v4 =	vld.idx.msk [tilespmem:v5+s19+$0x0], $0xffff  }
0x684: {  	v5 =	vld.idx.msk [tilespmem:v10+s20+$0x0], $0xffff  }
0x685: {  	s28 =	sadd.s32 $0x400, s28;
	v10 =	vld.idx.msk [tilespmem:v11+s21+$0x0], $0xffff  }
0x686: {  	_ =	sdelay $0x3  }
0x687: {  	v6 =	vld.idx.msk [tilespmem:v6+s22+$0x0], $0xffff;
	_ =	sdelay $0x2  }
0x688: {  	v4 =	vor.u32 v4, v5  }
0x689: {  	v4 =	vor.u32 v10, v4  }
0x68a: {  	v4 =	vor.u32 v6, v4  }
0x68b: {  	[tilespmem:s17+$0xFFFFFFD0] =	vst v4  }
0x68c: {  	v4 =	vld [tilespmem:s1+$0xFFFFFE60]  }
0x68d: {  	v52 =	vld [tilespmem:s1+$0xFFFFFEE0]  }
0x68e: {  	v53 =	vld [tilespmem:s1+$0xFFFFFF60]  }
0x68f: {  	v54 =	vld [tilespmem:s1+$0xFFFFFFE0]  }
0x690: {  	v9 =	vld.idx.msk [tilespmem:v9+s19+$0x0], $0xffff  }
0x691: {  	v50 =	vld.idx.msk [tilespmem:v7+s20+$0x0], $0xffff  }
0x692: {  	v51 =	vld.idx.msk [tilespmem:v8+s21+$0x0], $0xffff  }
0x693: {  	v3 =	vld.idx.msk [tilespmem:v3+s22+$0x0], $0xffff  }
0x694: {  	v4 =	vld.idx.msk [tilespmem:v4+s19+$0x0], $0xffff  }
0x695: {  	v6 =	vld.idx.msk [tilespmem:v52+s20+$0x0], $0xffff  }
0x696: {  	v5 =	vor.u32 v9, v50;
	v8 =	vld.idx.msk [tilespmem:v53+s21+$0x0], $0xffff  }
0x697: {  	v5 =	vor.u32 v51, v5;
	v7 =	vld.idx.msk [tilespmem:v54+s22+$0x0], $0xffff  }
0x698: {  	v0 =	vld.idx.msk [tilespmem:v0+s21+$0x0], $0xffff;
	v3 =	vor.u32 v3, v5  }
0x699: {  	v1 =	vld.idx.msk [tilespmem:v1+s22+$0x0], $0xffff;
	[tilespmem:s13+$0x60] =	vst v3  }
0x69a: {  	v3 =	vld [tilespmem:s1+$0x70];
	v4 =	vor.u32 v4, v6  }
0x69b: {  	v55 =	vld [tilespmem:s1+$0xF0];
	v4 =	vor.u32 v8, v4  }
0x69c: {  	v56 =	vld [tilespmem:s1+$0x170];
	v4 =	vor.u32 v7, v4  }
0x69d: {  	v57 =	vld [tilespmem:s1+$0x1F0];
	[tilespmem:s17+$0xFFFFFFE0] =	vst v4  }
0x69e: {  	v4 =	vld [tilespmem:s1+$0xFFFFFE70]  }
0x69f: {  	v58 =	vld [tilespmem:s1+$0xFFFFFEF0]  }
0x6a0: {  	v59 =	vld [tilespmem:s1+$0xFFFFFF70]  }
0x6a1: {  	v60 =	vld [tilespmem:s1+$0xFFFFFFF0]  }
0x6a2: {  	v3 =	vld.idx.msk [tilespmem:v3+s19+$0x0], $0xffff  }
0x6a3: {  	v5 =	vld.idx.msk [tilespmem:v55+s20+$0x0], $0xffff  }
0x6a4: {  	v9 =	vld.idx.msk [tilespmem:v56+s21+$0x0], $0xffff  }
0x6a5: {  	v6 =	vld.idx.msk [tilespmem:v57+s22+$0x0], $0xffff  }
0x6a6: {  	v4 =	vld.idx.msk [tilespmem:v4+s19+$0x0], $0xffff  }
0x6a7: {  	v7 =	vld.idx.msk [tilespmem:v58+s20+$0x0], $0xffff  }
0x6a8: {  	v8 =	vld.idx.msk [tilespmem:v59+s21+$0x0], $0xffff  }
0x6a9: {  	v10 =	vld.idx.msk [tilespmem:v60+s22+$0x0], $0xffff;
	_ =	sdelay $0x1  }
0x6aa: {  	v0 =	vor.u32 v0, v2;
	v3 =	vor.u32 v3, v5  }
0x6ab: {  	v0 =	vor.u32 v1, v0;
	v3 =	vor.u32 v9, v3;
	v61 =	vor.u32 v4, v7  }
0x6ac: {  	[tilespmem:s0+$0xFFFFFFF0] =	vst v0;
	v3 =	vor.u32 v6, v3;
	v62 =	vor.u32 v8, v61  }
0x6ad: {  	[tilespmem:s17+$0x70] =	vst v3;
	v63 =	vor.u32 v10, v62  }
0x6ae: {  	s28 =	simm.s32 $0xE100;
	s31 =	sadd.s32 $0x1, s31;
	[tilespmem:s17+$0xFFFFFFF0] =	vst v63  }
0x6af: {  	[hbm4b:s11+s23] =	stream.strided.scatter [tilespmem:s28], [sflag:$0x4], $0x1900, s24, s23, $0x38;
	[tilespmem:$0xFF00] =	vst v63  }
0x6b0: {  	p0 =	sne.s32 s31, s12;
	_ =	swait.ge [sflag:s29], $0x1900  }
.Ltmp4:
0x6b1: {  	[sflag:s29] =	ssyncset.done $0x0;
	(pc) =	sbr.rel @p0 .LBB2_1-.Ltmp4, $4  }
0x6b2: {  	[sflag:s29] =	ssyncadd.s32 $0xFFFFE700  }
0x6b3: {  	_ =	swait.ge [sflag:s30], $0x1900  }
0x6b4: {  	[sflag:s30] =	ssyncset.done $0x0  }
0x6b5: {  	[sflag:s30] =	ssyncadd.s32 $0xFFFFE700  }
0x6b6: {  	_ =	sfence.sel $0x180000  }
0x6b7: {  	[bflag:$0x0] =	sbarrier.arrive $0xFFFF  }
0x6b8: {  	_ =	strace $0x90000047  }
0x6b9: {  	s0 =	stileid.u32;
	[bflag:$0x2] =	sbarrier.arrive $0xFFFF  }
0x6ba: {  	p0 =	sne.s32 s0, $0x0;
	s0 =	rddreg [dreg:$0x3]  }
0x6bb: {  	s0 =	sadd.s32 @!p0 $0x100000, s0  }
0x6bc: {  	[sflag:s0] =	ssyncadd.tile.s32 @!p0 $0x1;
	_ =	shalt  }
.Lfunc_end2:
_tile_overlayer_lowered:
.L_overlay_start_2:
0x6bd: {  	(tag) =	ssettag $0x2  }
0x6be: {  	s0 =	rddreg [dreg:$0x0];
	s2 =	stileid.u32  }
0x6bf: {  	s1 =	rddreg [dreg:$0x1];
	p0 =	sne.s32 s2, $0x0  }
0x6c0: {  	s3 =	rddreg [dreg:$0x2];
	[bflag:$0x3] =	sbarrier.arrive $0xFFFF;
	s2 =	simm.s32 @!p0 $0x1C05  }
0x6c1: {  	[timem:s3], [sflag:s2] =	dma.local @!p0 [hbm:s0], s1  }
0x6c2: {  	s0 =	simm.s32 @!p0 $0x5  }
0x6c3: {  	_ =	swait.ge @!p0 [sflag:s0], s1  }
0x6c4: {  	s1 =	ssub.s32 @!p0 $0x0, s1;
	[sflag:s0] =	ssyncset.done @!p0 $0x0  }
0x6c5: {  	[sflag:s0] =	ssyncadd.s32 @!p0 s1  }
0x6c6: {  	[bflag:$0x3] =	sbarrier.arrive $0xFFFF  }
0x6c7: {  	_ =	shalt  }

</sc_bundles>
